<compile_context>
chip_gen: v7x
topology: tpu7x:2x2x1
jax: 0.10.2.dev20260603
libtpu: 0.0.44.dev20260713+nightly
codegen_flags: <defaults>
</compile_context>

<pallas_src>
import functools

import jax
import jax.numpy as jnp
from jax import lax
from jax.experimental import pallas as pl
from jax.experimental.pallas import tpu as pltpu
from jax.experimental.pallas import tpu_sc as plsc

NC = 2
NS = 16
NW = NC * NS
LANES = 16

CHUNK = 512
GATHER = 128
NBUF = 5


def _mul_offsets(n):
    offs = list(range(0, max(n - LANES, 0) + 1, LANES))
    if offs[-1] + LANES < n:
        offs.append(n - LANES)
    return offs


def _build(q: int):
    per_w = q // NW
    n_full = per_w // CHUNK
    tail = per_w - n_full * CHUNK
    assert q % NW == 0 and per_w % 8 == 0
    assert n_full >= NBUF and tail % 8 == 0 and (tail == 0 or tail >= LANES)
    mesh = plsc.VectorSubcoreMesh(core_axis_name="c", subcore_axis_name="s")

    @functools.partial(
        pl.kernel,
        mesh=mesh,
        out_type=jax.ShapeDtypeStruct((q,), jnp.float32),
        scratch_types=(
            [pltpu.VMEM((CHUNK,), jnp.int32)] * (2 * NBUF)
            + [pltpu.VMEM((CHUNK,), jnp.float32)] * (3 * NBUF)
            + [pltpu.SemaphoreType.DMA] * (2 * NBUF)
        ),
    )
    def sc_kernel(x_hbm, y_hbm, ii_hbm, jj_hbm, out_hbm, *scr):
        wid = lax.axis_index("s") * NC + lax.axis_index("c")
        base0 = wid * per_w
        ii = scr[0:NBUF]
        jj = scr[NBUF:2 * NBUF]
        gx = scr[2 * NBUF:3 * NBUF]
        gy = scr[3 * NBUF:4 * NBUF]
        ov = scr[4 * NBUF:5 * NBUF]
        gsem = scr[5 * NBUF:6 * NBUF]
        ssem = scr[6 * NBUF:7 * NBUF]

        def stage_and_fire(ci, b):
            base = base0 + ci * CHUNK
            pltpu.sync_copy(ii_hbm.at[pl.ds(base, CHUNK)], ii[b])
            pltpu.sync_copy(jj_hbm.at[pl.ds(base, CHUNK)], jj[b])
            for t in range(CHUNK // GATHER):
                sl = pl.ds(t * GATHER, GATHER)
                pltpu.async_copy(
                    x_hbm.at[ii[b].at[sl]], gx[b].at[sl], gsem[b])
                pltpu.async_copy(
                    y_hbm.at[jj[b].at[sl]], gy[b].at[sl], gsem[b])

        def drain_gathers(b):
            pltpu.make_async_copy(
                x_hbm.at[pl.ds(0, CHUNK)], gx[b], gsem[b]).wait()
            pltpu.make_async_copy(
                y_hbm.at[pl.ds(0, CHUNK)], gy[b], gsem[b]).wait()

        def drain_store(b):
            pltpu.make_async_copy(
                ov[b], out_hbm.at[pl.ds(0, CHUNK)], ssem[b]).wait()

        def process(ci, b, first_round):
            drain_gathers(b)
            if not first_round:
                drain_store(b)

            def mul_body(k, _):
                s = pl.ds(k * LANES, LANES)
                ov[b][s] = gx[b][s] * gy[b][s]
                return ()

            lax.fori_loop(0, CHUNK // LANES, mul_body, ())
            pltpu.async_copy(
                ov[b], out_hbm.at[pl.ds(base0 + ci * CHUNK, CHUNK)], ssem[b])

            @pl.when(ci + NBUF < n_full)
            def _():
                stage_and_fire(ci + NBUF, b)

        for b in range(NBUF):
            stage_and_fire(b, b)

        def outer_first(c0, _):
            for b in range(NBUF):
                process(c0 * NBUF + b, b, first_round=True)
            return ()

        def outer(c0, _):
            for b in range(NBUF):
                process(c0 * NBUF + b, b, first_round=False)
            return ()

        n_rounds = n_full // NBUF
        rem = n_full - n_rounds * NBUF
        lax.fori_loop(0, 1, outer_first, ())
        lax.fori_loop(1, n_rounds, outer, ())
        for b in range(rem):
            process(n_rounds * NBUF + b, b, first_round=False)

        for b in range(NBUF):
            drain_store(b)

        if tail:
            tb = base0 + n_full * CHUNK
            ts = pl.ds(0, tail)
            pltpu.sync_copy(ii_hbm.at[pl.ds(tb, tail)], ii[0].at[ts])
            pltpu.sync_copy(jj_hbm.at[pl.ds(tb, tail)], jj[0].at[ts])
            pltpu.async_copy(x_hbm.at[ii[0].at[ts]], gx[0].at[ts], gsem[0])
            pltpu.async_copy(y_hbm.at[jj[0].at[ts]], gy[0].at[ts], gsem[0])
            pltpu.make_async_copy(
                x_hbm.at[pl.ds(0, tail)], gx[0].at[ts], gsem[0]).wait()
            pltpu.make_async_copy(
                y_hbm.at[pl.ds(0, tail)], gy[0].at[ts], gsem[0]).wait()
            for o in _mul_offsets(tail):
                s = pl.ds(o, LANES)
                ov[0][s] = gx[0][s] * gy[0][s]
            pltpu.sync_copy(ov[0].at[ts], out_hbm.at[pl.ds(tb, tail)])

    return sc_kernel


def kernel(x, y, idx_i, idx_j):
    return _build(idx_i.shape[0])(x, y, idx_i, idx_j)

# --- scband reference (transcript-rebuilt; emitter-appended) ---
"""Pipeline reference for scband-lazy-outer-40183714021392 (READ-ONLY COPY).

The authoritative reference and input builder live on the scoring server;
editing this copy changes nothing except your own understanding.
"""

import jax, jax.numpy as jnp
import numpy as np

N = 1_000_000
Q = 4_000_000

def setup_inputs(seed: int = 0) -> dict:
    key = jax.random.key(seed)
    k1, k2, k3, k4 = jax.random.split(key, 4)
    x = jax.random.normal(k1, (N,), dtype=jnp.float32)
    y = jax.random.normal(k2, (N,), dtype=jnp.float32)
    idx_i = jax.random.randint(k3, (Q,), 0, N, dtype=jnp.int32)
    idx_j = jax.random.randint(k4, (Q,), 0, N, dtype=jnp.int32)
    return {"x": x, "y": y, "idx_i": idx_i, "idx_j": idx_j}

def reference(x, y, idx_i, idx_j):
    # LazyOuter(x, y, op=jnp.multiply)[idx_i, idx_j]
    # Both indices are broadcastable 1D integer arrays of the same shape, so the
    # module computes op(self.x[i1], self.y[i2]) elementwise (fancy-index path):
    #   two gathers followed by an elementwise multiply.
    return jnp.multiply(jnp.take(x, idx_i, axis=0), jnp.take(y, idx_j, axis=0))

if __name__ == "__main__":
    import jax
    _d = setup_inputs()
    print(jax.jit(kernel)(*tuple(_d.values())))

</pallas_src>

<mosaic_0001>
#map = affine_map<(d0, d1) -> (0)>
module attributes {stable_mosaic.version = 14 : i64} {
  func.func @sc_kernel(%arg0: i32, %arg1: i32, %arg2: memref<1000000xf32, #tpu.memory_space<hbm>>, %arg3: memref<1000000xf32, #tpu.memory_space<hbm>>, %arg4: memref<4000000xi32, #tpu.memory_space<hbm>>, %arg5: memref<4000000xi32, #tpu.memory_space<hbm>>, %arg6: memref<4000000xf32, #tpu.memory_space<hbm>>, %arg7: memref<512xi32, #tpu.memory_space<vmem>>, %arg8: memref<512xi32, #tpu.memory_space<vmem>>, %arg9: memref<512xi32, #tpu.memory_space<vmem>>, %arg10: memref<512xi32, #tpu.memory_space<vmem>>, %arg11: memref<512xi32, #tpu.memory_space<vmem>>, %arg12: memref<512xi32, #tpu.memory_space<vmem>>, %arg13: memref<512xi32, #tpu.memory_space<vmem>>, %arg14: memref<512xi32, #tpu.memory_space<vmem>>, %arg15: memref<512xi32, #tpu.memory_space<vmem>>, %arg16: memref<512xi32, #tpu.memory_space<vmem>>, %arg17: memref<512xf32, #tpu.memory_space<vmem>>, %arg18: memref<512xf32, #tpu.memory_space<vmem>>, %arg19: memref<512xf32, #tpu.memory_space<vmem>>, %arg20: memref<512xf32, #tpu.memory_space<vmem>>, %arg21: memref<512xf32, #tpu.memory_space<vmem>>, %arg22: memref<512xf32, #tpu.memory_space<vmem>>, %arg23: memref<512xf32, #tpu.memory_space<vmem>>, %arg24: memref<512xf32, #tpu.memory_space<vmem>>, %arg25: memref<512xf32, #tpu.memory_space<vmem>>, %arg26: memref<512xf32, #tpu.memory_space<vmem>>, %arg27: memref<512xf32, #tpu.memory_space<vmem>>, %arg28: memref<512xf32, #tpu.memory_space<vmem>>, %arg29: memref<512xf32, #tpu.memory_space<vmem>>, %arg30: memref<512xf32, #tpu.memory_space<vmem>>, %arg31: memref<512xf32, #tpu.memory_space<vmem>>, %arg32: memref<!tpu.dma_semaphore, #tpu.memory_space<semaphore_mem>>, %arg33: memref<!tpu.dma_semaphore, #tpu.memory_space<semaphore_mem>>, %arg34: memref<!tpu.dma_semaphore, #tpu.memory_space<semaphore_mem>>, %arg35: memref<!tpu.dma_semaphore, #tpu.memory_space<semaphore_mem>>, %arg36: memref<!tpu.dma_semaphore, #tpu.memory_space<semaphore_mem>>, %arg37: memref<!tpu.dma_semaphore, #tpu.memory_space<semaphore_mem>>, %arg38: memref<!tpu.dma_semaphore, #tpu.memory_space<semaphore_mem>>, %arg39: memref<!tpu.dma_semaphore, #tpu.memory_space<semaphore_mem>>, %arg40: memref<!tpu.dma_semaphore, #tpu.memory_space<semaphore_mem>>, %arg41: memref<!tpu.dma_semaphore, #tpu.memory_space<semaphore_mem>>) attributes {dimension_semantics = [#tpu.dimension_semantics<core_parallel>, #tpu.dimension_semantics<subcore_parallel>], iteration_bounds = array<i64: 2, 16>, scalar_prefetch = 0 : i64, scratch_operands = 35 : i64, tpu.core_type = #tpu.core_type<sc_vector_subcore>, window_params = [{transform_indices = #map}, {transform_indices = #map}, {transform_indices = #map}, {transform_indices = #map}, {transform_indices = #map}]} {
    %mul3A = arith.constant 2 : i32
    %mul3A_0 = arith.muli %arg1, %mul3A : i32
    %add3A = arith.addi %mul3A_0, %arg0 : i32
    %mul3A_1 = arith.constant 125000 : i32
    %mul3A_2 = arith.muli %add3A, %mul3A_1 : i32
    %add3A_3 = arith.constant 0 : i32
    %add3A_4 = arith.addi %mul3A_2, %add3A_3 : i32
    "tpu.region"() ({
      %run_scoped3A = tpu.sem_alloc : memref<!tpu.dma_semaphore, #tpu.memory_space<semaphore_mem>>
      %dma_start3A_586 = tpu.memref_slice %arg4[%add3A_4] : memref<4000000xi32, #tpu.memory_space<hbm>> -> memref<512xi32, #tpu.memory_space<hbm>>
      %dma_start3A_587 = tpu.memref_slice %arg4[%add3A_4] : memref<4000000xi32, #tpu.memory_space<hbm>> -> memref<512xi32, #tpu.memory_space<hbm>>
      tpu.enqueue_dma source(%dma_start3A_587 : memref<512xi32, #tpu.memory_space<hbm>>) target(%arg7 : memref<512xi32, #tpu.memory_space<vmem>>) target_semaphore(%run_scoped3A : memref<!tpu.dma_semaphore, #tpu.memory_space<semaphore_mem>>)
      %dma_wait3A_588 = tpu.memref_slice %arg4[%add3A_4] : memref<4000000xi32, #tpu.memory_space<hbm>> -> memref<512xi32, #tpu.memory_space<hbm>>
      %dma_wait3A_589 = tpu.memref_slice %arg4[%add3A_4] : memref<4000000xi32, #tpu.memory_space<hbm>> -> memref<512xi32, #tpu.memory_space<hbm>>
      tpu.wait_dma2 semaphore(%run_scoped3A : memref<!tpu.dma_semaphore, #tpu.memory_space<semaphore_mem>>) src(%dma_wait3A_589 : memref<512xi32, #tpu.memory_space<hbm>>) dst(%arg7 : memref<512xi32, #tpu.memory_space<vmem>>)
      tpu.yield
    }) : () -> ()
    "tpu.region"() ({
      %run_scoped3A = tpu.sem_alloc : memref<!tpu.dma_semaphore, #tpu.memory_space<semaphore_mem>>
      %dma_start3A_586 = tpu.memref_slice %arg5[%add3A_4] : memref<4000000xi32, #tpu.memory_space<hbm>> -> memref<512xi32, #tpu.memory_space<hbm>>
      %dma_start3A_587 = tpu.memref_slice %arg5[%add3A_4] : memref<4000000xi32, #tpu.memory_space<hbm>> -> memref<512xi32, #tpu.memory_space<hbm>>
      tpu.enqueue_dma source(%dma_start3A_587 : memref<512xi32, #tpu.memory_space<hbm>>) target(%arg12 : memref<512xi32, #tpu.memory_space<vmem>>) target_semaphore(%run_scoped3A : memref<!tpu.dma_semaphore, #tpu.memory_space<semaphore_mem>>)
      %dma_wait3A_588 = tpu.memref_slice %arg5[%add3A_4] : memref<4000000xi32, #tpu.memory_space<hbm>> -> memref<512xi32, #tpu.memory_space<hbm>>
      %dma_wait3A_589 = tpu.memref_slice %arg5[%add3A_4] : memref<4000000xi32, #tpu.memory_space<hbm>> -> memref<512xi32, #tpu.memory_space<hbm>>
      tpu.wait_dma2 semaphore(%run_scoped3A : memref<!tpu.dma_semaphore, #tpu.memory_space<semaphore_mem>>) src(%dma_wait3A_589 : memref<512xi32, #tpu.memory_space<hbm>>) dst(%arg12 : memref<512xi32, #tpu.memory_space<vmem>>)
      tpu.yield
    }) : () -> ()
    %dma_start3A = arith.constant 0 : i32
    %dma_start3A_5 = tpu.memref_slice %arg17[%dma_start3A] : memref<512xf32, #tpu.memory_space<vmem>> -> memref<128xf32, #tpu.memory_space<vmem>>
    %dma_start3A_6 = arith.constant 0 : i32
    %dma_start3A_7 = tpu.memref_slice %arg7[%dma_start3A_6] : memref<512xi32, #tpu.memory_space<vmem>> -> memref<128xi32, #tpu.memory_space<vmem>>
    %dma_start3A_8 = arith.constant 0 : i32
    %dma_start3A_9 = tpu.memref_slice %arg2[%dma_start3A_8] : memref<1000000xf32, #tpu.memory_space<hbm>> -> memref<1000000xf32, #tpu.memory_space<hbm>>
    tpu.enqueue_indirect_dma source(%dma_start3A_9 : memref<1000000xf32, #tpu.memory_space<hbm>>) target(%dma_start3A_5 : memref<128xf32, #tpu.memory_space<vmem>>) offsets(%dma_start3A_7 : memref<128xi32, #tpu.memory_space<vmem>>) semaphore(%arg32 : memref<!tpu.dma_semaphore, #tpu.memory_space<semaphore_mem>>)
    %dma_start3A_10 = arith.constant 0 : i32
    %dma_start3A_11 = tpu.memref_slice %arg22[%dma_start3A_10] : memref<512xf32, #tpu.memory_space<vmem>> -> memref<128xf32, #tpu.memory_space<vmem>>
    %dma_start3A_12 = arith.constant 0 : i32
    %dma_start3A_13 = tpu.memref_slice %arg12[%dma_start3A_12] : memref<512xi32, #tpu.memory_space<vmem>> -> memref<128xi32, #tpu.memory_space<vmem>>
    %dma_start3A_14 = arith.constant 0 : i32
    %dma_start3A_15 = tpu.memref_slice %arg3[%dma_start3A_14] : memref<1000000xf32, #tpu.memory_space<hbm>> -> memref<1000000xf32, #tpu.memory_space<hbm>>
    tpu.enqueue_indirect_dma source(%dma_start3A_15 : memref<1000000xf32, #tpu.memory_space<hbm>>) target(%dma_start3A_11 : memref<128xf32, #tpu.memory_space<vmem>>) offsets(%dma_start3A_13 : memref<128xi32, #tpu.memory_space<vmem>>) semaphore(%arg32 : memref<!tpu.dma_semaphore, #tpu.memory_space<semaphore_mem>>)
    %dma_start3A_16 = arith.constant 128 : i32
    %dma_start3A_17 = tpu.memref_slice %arg17[%dma_start3A_16] : memref<512xf32, #tpu.memory_space<vmem>> -> memref<128xf32, #tpu.memory_space<vmem>>
    %dma_start3A_18 = arith.constant 128 : i32
    %dma_start3A_19 = tpu.memref_slice %arg7[%dma_start3A_18] : memref<512xi32, #tpu.memory_space<vmem>> -> memref<128xi32, #tpu.memory_space<vmem>>
    %dma_start3A_20 = arith.constant 0 : i32
    %dma_start3A_21 = tpu.memref_slice %arg2[%dma_start3A_20] : memref<1000000xf32, #tpu.memory_space<hbm>> -> memref<1000000xf32, #tpu.memory_space<hbm>>
    tpu.enqueue_indirect_dma source(%dma_start3A_21 : memref<1000000xf32, #tpu.memory_space<hbm>>) target(%dma_start3A_17 : memref<128xf32, #tpu.memory_space<vmem>>) offsets(%dma_start3A_19 : memref<128xi32, #tpu.memory_space<vmem>>) semaphore(%arg32 : memref<!tpu.dma_semaphore, #tpu.memory_space<semaphore_mem>>)
    %dma_start3A_22 = arith.constant 128 : i32
    %dma_start3A_23 = tpu.memref_slice %arg22[%dma_start3A_22] : memref<512xf32, #tpu.memory_space<vmem>> -> memref<128xf32, #tpu.memory_space<vmem>>
    %dma_start3A_24 = arith.constant 128 : i32
    %dma_start3A_25 = tpu.memref_slice %arg12[%dma_start3A_24] : memref<512xi32, #tpu.memory_space<vmem>> -> memref<128xi32, #tpu.memory_space<vmem>>
    %dma_start3A_26 = arith.constant 0 : i32
    %dma_start3A_27 = tpu.memref_slice %arg3[%dma_start3A_26] : memref<1000000xf32, #tpu.memory_space<hbm>> -> memref<1000000xf32, #tpu.memory_space<hbm>>
    tpu.enqueue_indirect_dma source(%dma_start3A_27 : memref<1000000xf32, #tpu.memory_space<hbm>>) target(%dma_start3A_23 : memref<128xf32, #tpu.memory_space<vmem>>) offsets(%dma_start3A_25 : memref<128xi32, #tpu.memory_space<vmem>>) semaphore(%arg32 : memref<!tpu.dma_semaphore, #tpu.memory_space<semaphore_mem>>)
    %dma_start3A_28 = arith.constant 256 : i32
    %dma_start3A_29 = tpu.memref_slice %arg17[%dma_start3A_28] : memref<512xf32, #tpu.memory_space<vmem>> -> memref<128xf32, #tpu.memory_space<vmem>>
    %dma_start3A_30 = arith.constant 256 : i32
    %dma_start3A_31 = tpu.memref_slice %arg7[%dma_start3A_30] : memref<512xi32, #tpu.memory_space<vmem>> -> memref<128xi32, #tpu.memory_space<vmem>>
    %dma_start3A_32 = arith.constant 0 : i32
    %dma_start3A_33 = tpu.memref_slice %arg2[%dma_start3A_32] : memref<1000000xf32, #tpu.memory_space<hbm>> -> memref<1000000xf32, #tpu.memory_space<hbm>>
    tpu.enqueue_indirect_dma source(%dma_start3A_33 : memref<1000000xf32, #tpu.memory_space<hbm>>) target(%dma_start3A_29 : memref<128xf32, #tpu.memory_space<vmem>>) offsets(%dma_start3A_31 : memref<128xi32, #tpu.memory_space<vmem>>) semaphore(%arg32 : memref<!tpu.dma_semaphore, #tpu.memory_space<semaphore_mem>>)
    %dma_start3A_34 = arith.constant 256 : i32
    %dma_start3A_35 = tpu.memref_slice %arg22[%dma_start3A_34] : memref<512xf32, #tpu.memory_space<vmem>> -> memref<128xf32, #tpu.memory_space<vmem>>
    %dma_start3A_36 = arith.constant 256 : i32
    %dma_start3A_37 = tpu.memref_slice %arg12[%dma_start3A_36] : memref<512xi32, #tpu.memory_space<vmem>> -> memref<128xi32, #tpu.memory_space<vmem>>
    %dma_start3A_38 = arith.constant 0 : i32
    %dma_start3A_39 = tpu.memref_slice %arg3[%dma_start3A_38] : memref<1000000xf32, #tpu.memory_space<hbm>> -> memref<1000000xf32, #tpu.memory_space<hbm>>
    tpu.enqueue_indirect_dma source(%dma_start3A_39 : memref<1000000xf32, #tpu.memory_space<hbm>>) target(%dma_start3A_35 : memref<128xf32, #tpu.memory_space<vmem>>) offsets(%dma_start3A_37 : memref<128xi32, #tpu.memory_space<vmem>>) semaphore(%arg32 : memref<!tpu.dma_semaphore, #tpu.memory_space<semaphore_mem>>)
    %dma_start3A_40 = arith.constant 384 : i32
    %dma_start3A_41 = tpu.memref_slice %arg17[%dma_start3A_40] : memref<512xf32, #tpu.memory_space<vmem>> -> memref<128xf32, #tpu.memory_space<vmem>>
    %dma_start3A_42 = arith.constant 384 : i32
    %dma_start3A_43 = tpu.memref_slice %arg7[%dma_start3A_42] : memref<512xi32, #tpu.memory_space<vmem>> -> memref<128xi32, #tpu.memory_space<vmem>>
    %dma_start3A_44 = arith.constant 0 : i32
    %dma_start3A_45 = tpu.memref_slice %arg2[%dma_start3A_44] : memref<1000000xf32, #tpu.memory_space<hbm>> -> memref<1000000xf32, #tpu.memory_space<hbm>>
    tpu.enqueue_indirect_dma source(%dma_start3A_45 : memref<1000000xf32, #tpu.memory_space<hbm>>) target(%dma_start3A_41 : memref<128xf32, #tpu.memory_space<vmem>>) offsets(%dma_start3A_43 : memref<128xi32, #tpu.memory_space<vmem>>) semaphore(%arg32 : memref<!tpu.dma_semaphore, #tpu.memory_space<semaphore_mem>>)
    %dma_start3A_46 = arith.constant 384 : i32
    %dma_start3A_47 = tpu.memref_slice %arg22[%dma_start3A_46] : memref<512xf32, #tpu.memory_space<vmem>> -> memref<128xf32, #tpu.memory_space<vmem>>
    %dma_start3A_48 = arith.constant 384 : i32
    %dma_start3A_49 = tpu.memref_slice %arg12[%dma_start3A_48] : memref<512xi32, #tpu.memory_space<vmem>> -> memref<128xi32, #tpu.memory_space<vmem>>
    %dma_start3A_50 = arith.constant 0 : i32
    %dma_start3A_51 = tpu.memref_slice %arg3[%dma_start3A_50] : memref<1000000xf32, #tpu.memory_space<hbm>> -> memref<1000000xf32, #tpu.memory_space<hbm>>
    tpu.enqueue_indirect_dma source(%dma_start3A_51 : memref<1000000xf32, #tpu.memory_space<hbm>>) target(%dma_start3A_47 : memref<128xf32, #tpu.memory_space<vmem>>) offsets(%dma_start3A_49 : memref<128xi32, #tpu.memory_space<vmem>>) semaphore(%arg32 : memref<!tpu.dma_semaphore, #tpu.memory_space<semaphore_mem>>)
    %add3A_52 = arith.constant 512 : i32
    %add3A_53 = arith.addi %mul3A_2, %add3A_52 : i32
    "tpu.region"() ({
      %run_scoped3A = tpu.sem_alloc : memref<!tpu.dma_semaphore, #tpu.memory_space<semaphore_mem>>
      %dma_start3A_586 = tpu.memref_slice %arg4[%add3A_53] : memref<4000000xi32, #tpu.memory_space<hbm>> -> memref<512xi32, #tpu.memory_space<hbm>>
      %dma_start3A_587 = tpu.memref_slice %arg4[%add3A_53] : memref<4000000xi32, #tpu.memory_space<hbm>> -> memref<512xi32, #tpu.memory_space<hbm>>
      tpu.enqueue_dma source(%dma_start3A_587 : memref<512xi32, #tpu.memory_space<hbm>>) target(%arg8 : memref<512xi32, #tpu.memory_space<vmem>>) target_semaphore(%run_scoped3A : memref<!tpu.dma_semaphore, #tpu.memory_space<semaphore_mem>>)
      %dma_wait3A_588 = tpu.memref_slice %arg4[%add3A_53] : memref<4000000xi32, #tpu.memory_space<hbm>> -> memref<512xi32, #tpu.memory_space<hbm>>
      %dma_wait3A_589 = tpu.memref_slice %arg4[%add3A_53] : memref<4000000xi32, #tpu.memory_space<hbm>> -> memref<512xi32, #tpu.memory_space<hbm>>
      tpu.wait_dma2 semaphore(%run_scoped3A : memref<!tpu.dma_semaphore, #tpu.memory_space<semaphore_mem>>) src(%dma_wait3A_589 : memref<512xi32, #tpu.memory_space<hbm>>) dst(%arg8 : memref<512xi32, #tpu.memory_space<vmem>>)
      tpu.yield
    }) : () -> ()
    "tpu.region"() ({
      %run_scoped3A = tpu.sem_alloc : memref<!tpu.dma_semaphore, #tpu.memory_space<semaphore_mem>>
      %dma_start3A_586 = tpu.memref_slice %arg5[%add3A_53] : memref<4000000xi32, #tpu.memory_space<hbm>> -> memref<512xi32, #tpu.memory_space<hbm>>
      %dma_start3A_587 = tpu.memref_slice %arg5[%add3A_53] : memref<4000000xi32, #tpu.memory_space<hbm>> -> memref<512xi32, #tpu.memory_space<hbm>>
      tpu.enqueue_dma source(%dma_start3A_587 : memref<512xi32, #tpu.memory_space<hbm>>) target(%arg13 : memref<512xi32, #tpu.memory_space<vmem>>) target_semaphore(%run_scoped3A : memref<!tpu.dma_semaphore, #tpu.memory_space<semaphore_mem>>)
      %dma_wait3A_588 = tpu.memref_slice %arg5[%add3A_53] : memref<4000000xi32, #tpu.memory_space<hbm>> -> memref<512xi32, #tpu.memory_space<hbm>>
      %dma_wait3A_589 = tpu.memref_slice %arg5[%add3A_53] : memref<4000000xi32, #tpu.memory_space<hbm>> -> memref<512xi32, #tpu.memory_space<hbm>>
      tpu.wait_dma2 semaphore(%run_scoped3A : memref<!tpu.dma_semaphore, #tpu.memory_space<semaphore_mem>>) src(%dma_wait3A_589 : memref<512xi32, #tpu.memory_space<hbm>>) dst(%arg13 : memref<512xi32, #tpu.memory_space<vmem>>)
      tpu.yield
    }) : () -> ()
    %dma_start3A_54 = arith.constant 0 : i32
    %dma_start3A_55 = tpu.memref_slice %arg18[%dma_start3A_54] : memref<512xf32, #tpu.memory_space<vmem>> -> memref<128xf32, #tpu.memory_space<vmem>>
    %dma_start3A_56 = arith.constant 0 : i32
    %dma_start3A_57 = tpu.memref_slice %arg8[%dma_start3A_56] : memref<512xi32, #tpu.memory_space<vmem>> -> memref<128xi32, #tpu.memory_space<vmem>>
    %dma_start3A_58 = arith.constant 0 : i32
    %dma_start3A_59 = tpu.memref_slice %arg2[%dma_start3A_58] : memref<1000000xf32, #tpu.memory_space<hbm>> -> memref<1000000xf32, #tpu.memory_space<hbm>>
    tpu.enqueue_indirect_dma source(%dma_start3A_59 : memref<1000000xf32, #tpu.memory_space<hbm>>) target(%dma_start3A_55 : memref<128xf32, #tpu.memory_space<vmem>>) offsets(%dma_start3A_57 : memref<128xi32, #tpu.memory_space<vmem>>) semaphore(%arg33 : memref<!tpu.dma_semaphore, #tpu.memory_space<semaphore_mem>>)
    %dma_start3A_60 = arith.constant 0 : i32
    %dma_start3A_61 = tpu.memref_slice %arg23[%dma_start3A_60] : memref<512xf32, #tpu.memory_space<vmem>> -> memref<128xf32, #tpu.memory_space<vmem>>
    %dma_start3A_62 = arith.constant 0 : i32
    %dma_start3A_63 = tpu.memref_slice %arg13[%dma_start3A_62] : memref<512xi32, #tpu.memory_space<vmem>> -> memref<128xi32, #tpu.memory_space<vmem>>
    %dma_start3A_64 = arith.constant 0 : i32
    %dma_start3A_65 = tpu.memref_slice %arg3[%dma_start3A_64] : memref<1000000xf32, #tpu.memory_space<hbm>> -> memref<1000000xf32, #tpu.memory_space<hbm>>
    tpu.enqueue_indirect_dma source(%dma_start3A_65 : memref<1000000xf32, #tpu.memory_space<hbm>>) target(%dma_start3A_61 : memref<128xf32, #tpu.memory_space<vmem>>) offsets(%dma_start3A_63 : memref<128xi32, #tpu.memory_space<vmem>>) semaphore(%arg33 : memref<!tpu.dma_semaphore, #tpu.memory_space<semaphore_mem>>)
    %dma_start3A_66 = arith.constant 128 : i32
    %dma_start3A_67 = tpu.memref_slice %arg18[%dma_start3A_66] : memref<512xf32, #tpu.memory_space<vmem>> -> memref<128xf32, #tpu.memory_space<vmem>>
    %dma_start3A_68 = arith.constant 128 : i32
    %dma_start3A_69 = tpu.memref_slice %arg8[%dma_start3A_68] : memref<512xi32, #tpu.memory_space<vmem>> -> memref<128xi32, #tpu.memory_space<vmem>>
    %dma_start3A_70 = arith.constant 0 : i32
    %dma_start3A_71 = tpu.memref_slice %arg2[%dma_start3A_70] : memref<1000000xf32, #tpu.memory_space<hbm>> -> memref<1000000xf32, #tpu.memory_space<hbm>>
    tpu.enqueue_indirect_dma source(%dma_start3A_71 : memref<1000000xf32, #tpu.memory_space<hbm>>) target(%dma_start3A_67 : memref<128xf32, #tpu.memory_space<vmem>>) offsets(%dma_start3A_69 : memref<128xi32, #tpu.memory_space<vmem>>) semaphore(%arg33 : memref<!tpu.dma_semaphore, #tpu.memory_space<semaphore_mem>>)
    %dma_start3A_72 = arith.constant 128 : i32
    %dma_start3A_73 = tpu.memref_slice %arg23[%dma_start3A_72] : memref<512xf32, #tpu.memory_space<vmem>> -> memref<128xf32, #tpu.memory_space<vmem>>
    %dma_start3A_74 = arith.constant 128 : i32
    %dma_start3A_75 = tpu.memref_slice %arg13[%dma_start3A_74] : memref<512xi32, #tpu.memory_space<vmem>> -> memref<128xi32, #tpu.memory_space<vmem>>
    %dma_start3A_76 = arith.constant 0 : i32
    %dma_start3A_77 = tpu.memref_slice %arg3[%dma_start3A_76] : memref<1000000xf32, #tpu.memory_space<hbm>> -> memref<1000000xf32, #tpu.memory_space<hbm>>
    tpu.enqueue_indirect_dma source(%dma_start3A_77 : memref<1000000xf32, #tpu.memory_space<hbm>>) target(%dma_start3A_73 : memref<128xf32, #tpu.memory_space<vmem>>) offsets(%dma_start3A_75 : memref<128xi32, #tpu.memory_space<vmem>>) semaphore(%arg33 : memref<!tpu.dma_semaphore, #tpu.memory_space<semaphore_mem>>)
    %dma_start3A_78 = arith.constant 256 : i32
    %dma_start3A_79 = tpu.memref_slice %arg18[%dma_start3A_78] : memref<512xf32, #tpu.memory_space<vmem>> -> memref<128xf32, #tpu.memory_space<vmem>>
    %dma_start3A_80 = arith.constant 256 : i32
    %dma_start3A_81 = tpu.memref_slice %arg8[%dma_start3A_80] : memref<512xi32, #tpu.memory_space<vmem>> -> memref<128xi32, #tpu.memory_space<vmem>>
    %dma_start3A_82 = arith.constant 0 : i32
    %dma_start3A_83 = tpu.memref_slice %arg2[%dma_start3A_82] : memref<1000000xf32, #tpu.memory_space<hbm>> -> memref<1000000xf32, #tpu.memory_space<hbm>>
    tpu.enqueue_indirect_dma source(%dma_start3A_83 : memref<1000000xf32, #tpu.memory_space<hbm>>) target(%dma_start3A_79 : memref<128xf32, #tpu.memory_space<vmem>>) offsets(%dma_start3A_81 : memref<128xi32, #tpu.memory_space<vmem>>) semaphore(%arg33 : memref<!tpu.dma_semaphore, #tpu.memory_space<semaphore_mem>>)
    %dma_start3A_84 = arith.constant 256 : i32
    %dma_start3A_85 = tpu.memref_slice %arg23[%dma_start3A_84] : memref<512xf32, #tpu.memory_space<vmem>> -> memref<128xf32, #tpu.memory_space<vmem>>
    %dma_start3A_86 = arith.constant 256 : i32
    %dma_start3A_87 = tpu.memref_slice %arg13[%dma_start3A_86] : memref<512xi32, #tpu.memory_space<vmem>> -> memref<128xi32, #tpu.memory_space<vmem>>
    %dma_start3A_88 = arith.constant 0 : i32
    %dma_start3A_89 = tpu.memref_slice %arg3[%dma_start3A_88] : memref<1000000xf32, #tpu.memory_space<hbm>> -> memref<1000000xf32, #tpu.memory_space<hbm>>
    tpu.enqueue_indirect_dma source(%dma_start3A_89 : memref<1000000xf32, #tpu.memory_space<hbm>>) target(%dma_start3A_85 : memref<128xf32, #tpu.memory_space<vmem>>) offsets(%dma_start3A_87 : memref<128xi32, #tpu.memory_space<vmem>>) semaphore(%arg33 : memref<!tpu.dma_semaphore, #tpu.memory_space<semaphore_mem>>)
    %dma_start3A_90 = arith.constant 384 : i32
    %dma_start3A_91 = tpu.memref_slice %arg18[%dma_start3A_90] : memref<512xf32, #tpu.memory_space<vmem>> -> memref<128xf32, #tpu.memory_space<vmem>>
    %dma_start3A_92 = arith.constant 384 : i32
    %dma_start3A_93 = tpu.memref_slice %arg8[%dma_start3A_92] : memref<512xi32, #tpu.memory_space<vmem>> -> memref<128xi32, #tpu.memory_space<vmem>>
    %dma_start3A_94 = arith.constant 0 : i32
    %dma_start3A_95 = tpu.memref_slice %arg2[%dma_start3A_94] : memref<1000000xf32, #tpu.memory_space<hbm>> -> memref<1000000xf32, #tpu.memory_space<hbm>>
    tpu.enqueue_indirect_dma source(%dma_start3A_95 : memref<1000000xf32, #tpu.memory_space<hbm>>) target(%dma_start3A_91 : memref<128xf32, #tpu.memory_space<vmem>>) offsets(%dma_start3A_93 : memref<128xi32, #tpu.memory_space<vmem>>) semaphore(%arg33 : memref<!tpu.dma_semaphore, #tpu.memory_space<semaphore_mem>>)
    %dma_start3A_96 = arith.constant 384 : i32
    %dma_start3A_97 = tpu.memref_slice %arg23[%dma_start3A_96] : memref<512xf32, #tpu.memory_space<vmem>> -> memref<128xf32, #tpu.memory_space<vmem>>
    %dma_start3A_98 = arith.constant 384 : i32
    %dma_start3A_99 = tpu.memref_slice %arg13[%dma_start3A_98] : memref<512xi32, #tpu.memory_space<vmem>> -> memref<128xi32, #tpu.memory_space<vmem>>
    %dma_start3A_100 = arith.constant 0 : i32
    %dma_start3A_101 = tpu.memref_slice %arg3[%dma_start3A_100] : memref<1000000xf32, #tpu.memory_space<hbm>> -> memref<1000000xf32, #tpu.memory_space<hbm>>
    tpu.enqueue_indirect_dma source(%dma_start3A_101 : memref<1000000xf32, #tpu.memory_space<hbm>>) target(%dma_start3A_97 : memref<128xf32, #tpu.memory_space<vmem>>) offsets(%dma_start3A_99 : memref<128xi32, #tpu.memory_space<vmem>>) semaphore(%arg33 : memref<!tpu.dma_semaphore, #tpu.memory_space<semaphore_mem>>)
    %add3A_102 = arith.constant 1024 : i32
    %add3A_103 = arith.addi %mul3A_2, %add3A_102 : i32
    "tpu.region"() ({
      %run_scoped3A = tpu.sem_alloc : memref<!tpu.dma_semaphore, #tpu.memory_space<semaphore_mem>>
      %dma_start3A_586 = tpu.memref_slice %arg4[%add3A_103] : memref<4000000xi32, #tpu.memory_space<hbm>> -> memref<512xi32, #tpu.memory_space<hbm>>
      %dma_start3A_587 = tpu.memref_slice %arg4[%add3A_103] : memref<4000000xi32, #tpu.memory_space<hbm>> -> memref<512xi32, #tpu.memory_space<hbm>>
      tpu.enqueue_dma source(%dma_start3A_587 : memref<512xi32, #tpu.memory_space<hbm>>) target(%arg9 : memref<512xi32, #tpu.memory_space<vmem>>) target_semaphore(%run_scoped3A : memref<!tpu.dma_semaphore, #tpu.memory_space<semaphore_mem>>)
      %dma_wait3A_588 = tpu.memref_slice %arg4[%add3A_103] : memref<4000000xi32, #tpu.memory_space<hbm>> -> memref<512xi32, #tpu.memory_space<hbm>>
      %dma_wait3A_589 = tpu.memref_slice %arg4[%add3A_103] : memref<4000000xi32, #tpu.memory_space<hbm>> -> memref<512xi32, #tpu.memory_space<hbm>>
      tpu.wait_dma2 semaphore(%run_scoped3A : memref<!tpu.dma_semaphore, #tpu.memory_space<semaphore_mem>>) src(%dma_wait3A_589 : memref<512xi32, #tpu.memory_space<hbm>>) dst(%arg9 : memref<512xi32, #tpu.memory_space<vmem>>)
      tpu.yield
    }) : () -> ()
    "tpu.region"() ({
      %run_scoped3A = tpu.sem_alloc : memref<!tpu.dma_semaphore, #tpu.memory_space<semaphore_mem>>
      %dma_start3A_586 = tpu.memref_slice %arg5[%add3A_103] : memref<4000000xi32, #tpu.memory_space<hbm>> -> memref<512xi32, #tpu.memory_space<hbm>>
      %dma_start3A_587 = tpu.memref_slice %arg5[%add3A_103] : memref<4000000xi32, #tpu.memory_space<hbm>> -> memref<512xi32, #tpu.memory_space<hbm>>
      tpu.enqueue_dma source(%dma_start3A_587 : memref<512xi32, #tpu.memory_space<hbm>>) target(%arg14 : memref<512xi32, #tpu.memory_space<vmem>>) target_semaphore(%run_scoped3A : memref<!tpu.dma_semaphore, #tpu.memory_space<semaphore_mem>>)
      %dma_wait3A_588 = tpu.memref_slice %arg5[%add3A_103] : memref<4000000xi32, #tpu.memory_space<hbm>> -> memref<512xi32, #tpu.memory_space<hbm>>
      %dma_wait3A_589 = tpu.memref_slice %arg5[%add3A_103] : memref<4000000xi32, #tpu.memory_space<hbm>> -> memref<512xi32, #tpu.memory_space<hbm>>
      tpu.wait_dma2 semaphore(%run_scoped3A : memref<!tpu.dma_semaphore, #tpu.memory_space<semaphore_mem>>) src(%dma_wait3A_589 : memref<512xi32, #tpu.memory_space<hbm>>) dst(%arg14 : memref<512xi32, #tpu.memory_space<vmem>>)
      tpu.yield
    }) : () -> ()
    %dma_start3A_104 = arith.constant 0 : i32
    %dma_start3A_105 = tpu.memref_slice %arg19[%dma_start3A_104] : memref<512xf32, #tpu.memory_space<vmem>> -> memref<128xf32, #tpu.memory_space<vmem>>
    %dma_start3A_106 = arith.constant 0 : i32
    %dma_start3A_107 = tpu.memref_slice %arg9[%dma_start3A_106] : memref<512xi32, #tpu.memory_space<vmem>> -> memref<128xi32, #tpu.memory_space<vmem>>
    %dma_start3A_108 = arith.constant 0 : i32
    %dma_start3A_109 = tpu.memref_slice %arg2[%dma_start3A_108] : memref<1000000xf32, #tpu.memory_space<hbm>> -> memref<1000000xf32, #tpu.memory_space<hbm>>
    tpu.enqueue_indirect_dma source(%dma_start3A_109 : memref<1000000xf32, #tpu.memory_space<hbm>>) target(%dma_start3A_105 : memref<128xf32, #tpu.memory_space<vmem>>) offsets(%dma_start3A_107 : memref<128xi32, #tpu.memory_space<vmem>>) semaphore(%arg34 : memref<!tpu.dma_semaphore, #tpu.memory_space<semaphore_mem>>)
    %dma_start3A_110 = arith.constant 0 : i32
    %dma_start3A_111 = tpu.memref_slice %arg24[%dma_start3A_110] : memref<512xf32, #tpu.memory_space<vmem>> -> memref<128xf32, #tpu.memory_space<vmem>>
    %dma_start3A_112 = arith.constant 0 : i32
    %dma_start3A_113 = tpu.memref_slice %arg14[%dma_start3A_112] : memref<512xi32, #tpu.memory_space<vmem>> -> memref<128xi32, #tpu.memory_space<vmem>>
    %dma_start3A_114 = arith.constant 0 : i32
    %dma_start3A_115 = tpu.memref_slice %arg3[%dma_start3A_114] : memref<1000000xf32, #tpu.memory_space<hbm>> -> memref<1000000xf32, #tpu.memory_space<hbm>>
    tpu.enqueue_indirect_dma source(%dma_start3A_115 : memref<1000000xf32, #tpu.memory_space<hbm>>) target(%dma_start3A_111 : memref<128xf32, #tpu.memory_space<vmem>>) offsets(%dma_start3A_113 : memref<128xi32, #tpu.memory_space<vmem>>) semaphore(%arg34 : memref<!tpu.dma_semaphore, #tpu.memory_space<semaphore_mem>>)
    %dma_start3A_116 = arith.constant 128 : i32
    %dma_start3A_117 = tpu.memref_slice %arg19[%dma_start3A_116] : memref<512xf32, #tpu.memory_space<vmem>> -> memref<128xf32, #tpu.memory_space<vmem>>
    %dma_start3A_118 = arith.constant 128 : i32
    %dma_start3A_119 = tpu.memref_slice %arg9[%dma_start3A_118] : memref<512xi32, #tpu.memory_space<vmem>> -> memref<128xi32, #tpu.memory_space<vmem>>
    %dma_start3A_120 = arith.constant 0 : i32
    %dma_start3A_121 = tpu.memref_slice %arg2[%dma_start3A_120] : memref<1000000xf32, #tpu.memory_space<hbm>> -> memref<1000000xf32, #tpu.memory_space<hbm>>
    tpu.enqueue_indirect_dma source(%dma_start3A_121 : memref<1000000xf32, #tpu.memory_space<hbm>>) target(%dma_start3A_117 : memref<128xf32, #tpu.memory_space<vmem>>) offsets(%dma_start3A_119 : memref<128xi32, #tpu.memory_space<vmem>>) semaphore(%arg34 : memref<!tpu.dma_semaphore, #tpu.memory_space<semaphore_mem>>)
    %dma_start3A_122 = arith.constant 128 : i32
    %dma_start3A_123 = tpu.memref_slice %arg24[%dma_start3A_122] : memref<512xf32, #tpu.memory_space<vmem>> -> memref<128xf32, #tpu.memory_space<vmem>>
    %dma_start3A_124 = arith.constant 128 : i32
    %dma_start3A_125 = tpu.memref_slice %arg14[%dma_start3A_124] : memref<512xi32, #tpu.memory_space<vmem>> -> memref<128xi32, #tpu.memory_space<vmem>>
    %dma_start3A_126 = arith.constant 0 : i32
    %dma_start3A_127 = tpu.memref_slice %arg3[%dma_start3A_126] : memref<1000000xf32, #tpu.memory_space<hbm>> -> memref<1000000xf32, #tpu.memory_space<hbm>>
    tpu.enqueue_indirect_dma source(%dma_start3A_127 : memref<1000000xf32, #tpu.memory_space<hbm>>) target(%dma_start3A_123 : memref<128xf32, #tpu.memory_space<vmem>>) offsets(%dma_start3A_125 : memref<128xi32, #tpu.memory_space<vmem>>) semaphore(%arg34 : memref<!tpu.dma_semaphore, #tpu.memory_space<semaphore_mem>>)
    %dma_start3A_128 = arith.constant 256 : i32
    %dma_start3A_129 = tpu.memref_slice %arg19[%dma_start3A_128] : memref<512xf32, #tpu.memory_space<vmem>> -> memref<128xf32, #tpu.memory_space<vmem>>
    %dma_start3A_130 = arith.constant 256 : i32
    %dma_start3A_131 = tpu.memref_slice %arg9[%dma_start3A_130] : memref<512xi32, #tpu.memory_space<vmem>> -> memref<128xi32, #tpu.memory_space<vmem>>
    %dma_start3A_132 = arith.constant 0 : i32
    %dma_start3A_133 = tpu.memref_slice %arg2[%dma_start3A_132] : memref<1000000xf32, #tpu.memory_space<hbm>> -> memref<1000000xf32, #tpu.memory_space<hbm>>
    tpu.enqueue_indirect_dma source(%dma_start3A_133 : memref<1000000xf32, #tpu.memory_space<hbm>>) target(%dma_start3A_129 : memref<128xf32, #tpu.memory_space<vmem>>) offsets(%dma_start3A_131 : memref<128xi32, #tpu.memory_space<vmem>>) semaphore(%arg34 : memref<!tpu.dma_semaphore, #tpu.memory_space<semaphore_mem>>)
    %dma_start3A_134 = arith.constant 256 : i32
    %dma_start3A_135 = tpu.memref_slice %arg24[%dma_start3A_134] : memref<512xf32, #tpu.memory_space<vmem>> -> memref<128xf32, #tpu.memory_space<vmem>>
    %dma_start3A_136 = arith.constant 256 : i32
    %dma_start3A_137 = tpu.memref_slice %arg14[%dma_start3A_136] : memref<512xi32, #tpu.memory_space<vmem>> -> memref<128xi32, #tpu.memory_space<vmem>>
    %dma_start3A_138 = arith.constant 0 : i32
    %dma_start3A_139 = tpu.memref_slice %arg3[%dma_start3A_138] : memref<1000000xf32, #tpu.memory_space<hbm>> -> memref<1000000xf32, #tpu.memory_space<hbm>>
    tpu.enqueue_indirect_dma source(%dma_start3A_139 : memref<1000000xf32, #tpu.memory_space<hbm>>) target(%dma_start3A_135 : memref<128xf32, #tpu.memory_space<vmem>>) offsets(%dma_start3A_137 : memref<128xi32, #tpu.memory_space<vmem>>) semaphore(%arg34 : memref<!tpu.dma_semaphore, #tpu.memory_space<semaphore_mem>>)
    %dma_start3A_140 = arith.constant 384 : i32
    %dma_start3A_141 = tpu.memref_slice %arg19[%dma_start3A_140] : memref<512xf32, #tpu.memory_space<vmem>> -> memref<128xf32, #tpu.memory_space<vmem>>
    %dma_start3A_142 = arith.constant 384 : i32
    %dma_start3A_143 = tpu.memref_slice %arg9[%dma_start3A_142] : memref<512xi32, #tpu.memory_space<vmem>> -> memref<128xi32, #tpu.memory_space<vmem>>
    %dma_start3A_144 = arith.constant 0 : i32
    %dma_start3A_145 = tpu.memref_slice %arg2[%dma_start3A_144] : memref<1000000xf32, #tpu.memory_space<hbm>> -> memref<1000000xf32, #tpu.memory_space<hbm>>
    tpu.enqueue_indirect_dma source(%dma_start3A_145 : memref<1000000xf32, #tpu.memory_space<hbm>>) target(%dma_start3A_141 : memref<128xf32, #tpu.memory_space<vmem>>) offsets(%dma_start3A_143 : memref<128xi32, #tpu.memory_space<vmem>>) semaphore(%arg34 : memref<!tpu.dma_semaphore, #tpu.memory_space<semaphore_mem>>)
    %dma_start3A_146 = arith.constant 384 : i32
    %dma_start3A_147 = tpu.memref_slice %arg24[%dma_start3A_146] : memref<512xf32, #tpu.memory_space<vmem>> -> memref<128xf32, #tpu.memory_space<vmem>>
    %dma_start3A_148 = arith.constant 384 : i32
    %dma_start3A_149 = tpu.memref_slice %arg14[%dma_start3A_148] : memref<512xi32, #tpu.memory_space<vmem>> -> memref<128xi32, #tpu.memory_space<vmem>>
    %dma_start3A_150 = arith.constant 0 : i32
    %dma_start3A_151 = tpu.memref_slice %arg3[%dma_start3A_150] : memref<1000000xf32, #tpu.memory_space<hbm>> -> memref<1000000xf32, #tpu.memory_space<hbm>>
    tpu.enqueue_indirect_dma source(%dma_start3A_151 : memref<1000000xf32, #tpu.memory_space<hbm>>) target(%dma_start3A_147 : memref<128xf32, #tpu.memory_space<vmem>>) offsets(%dma_start3A_149 : memref<128xi32, #tpu.memory_space<vmem>>) semaphore(%arg34 : memref<!tpu.dma_semaphore, #tpu.memory_space<semaphore_mem>>)
    %add3A_152 = arith.constant 1536 : i32
    %add3A_153 = arith.addi %mul3A_2, %add3A_152 : i32
    "tpu.region"() ({
      %run_scoped3A = tpu.sem_alloc : memref<!tpu.dma_semaphore, #tpu.memory_space<semaphore_mem>>
      %dma_start3A_586 = tpu.memref_slice %arg4[%add3A_153] : memref<4000000xi32, #tpu.memory_space<hbm>> -> memref<512xi32, #tpu.memory_space<hbm>>
      %dma_start3A_587 = tpu.memref_slice %arg4[%add3A_153] : memref<4000000xi32, #tpu.memory_space<hbm>> -> memref<512xi32, #tpu.memory_space<hbm>>
      tpu.enqueue_dma source(%dma_start3A_587 : memref<512xi32, #tpu.memory_space<hbm>>) target(%arg10 : memref<512xi32, #tpu.memory_space<vmem>>) target_semaphore(%run_scoped3A : memref<!tpu.dma_semaphore, #tpu.memory_space<semaphore_mem>>)
      %dma_wait3A_588 = tpu.memref_slice %arg4[%add3A_153] : memref<4000000xi32, #tpu.memory_space<hbm>> -> memref<512xi32, #tpu.memory_space<hbm>>
      %dma_wait3A_589 = tpu.memref_slice %arg4[%add3A_153] : memref<4000000xi32, #tpu.memory_space<hbm>> -> memref<512xi32, #tpu.memory_space<hbm>>
      tpu.wait_dma2 semaphore(%run_scoped3A : memref<!tpu.dma_semaphore, #tpu.memory_space<semaphore_mem>>) src(%dma_wait3A_589 : memref<512xi32, #tpu.memory_space<hbm>>) dst(%arg10 : memref<512xi32, #tpu.memory_space<vmem>>)
      tpu.yield
    }) : () -> ()
    "tpu.region"() ({
      %run_scoped3A = tpu.sem_alloc : memref<!tpu.dma_semaphore, #tpu.memory_space<semaphore_mem>>
      %dma_start3A_586 = tpu.memref_slice %arg5[%add3A_153] : memref<4000000xi32, #tpu.memory_space<hbm>> -> memref<512xi32, #tpu.memory_space<hbm>>
      %dma_start3A_587 = tpu.memref_slice %arg5[%add3A_153] : memref<4000000xi32, #tpu.memory_space<hbm>> -> memref<512xi32, #tpu.memory_space<hbm>>
      tpu.enqueue_dma source(%dma_start3A_587 : memref<512xi32, #tpu.memory_space<hbm>>) target(%arg15 : memref<512xi32, #tpu.memory_space<vmem>>) target_semaphore(%run_scoped3A : memref<!tpu.dma_semaphore, #tpu.memory_space<semaphore_mem>>)
      %dma_wait3A_588 = tpu.memref_slice %arg5[%add3A_153] : memref<4000000xi32, #tpu.memory_space<hbm>> -> memref<512xi32, #tpu.memory_space<hbm>>
      %dma_wait3A_589 = tpu.memref_slice %arg5[%add3A_153] : memref<4000000xi32, #tpu.memory_space<hbm>> -> memref<512xi32, #tpu.memory_space<hbm>>
      tpu.wait_dma2 semaphore(%run_scoped3A : memref<!tpu.dma_semaphore, #tpu.memory_space<semaphore_mem>>) src(%dma_wait3A_589 : memref<512xi32, #tpu.memory_space<hbm>>) dst(%arg15 : memref<512xi32, #tpu.memory_space<vmem>>)
      tpu.yield
    }) : () -> ()
    %dma_start3A_154 = arith.constant 0 : i32
    %dma_start3A_155 = tpu.memref_slice %arg20[%dma_start3A_154] : memref<512xf32, #tpu.memory_space<vmem>> -> memref<128xf32, #tpu.memory_space<vmem>>
    %dma_start3A_156 = arith.constant 0 : i32
    %dma_start3A_157 = tpu.memref_slice %arg10[%dma_start3A_156] : memref<512xi32, #tpu.memory_space<vmem>> -> memref<128xi32, #tpu.memory_space<vmem>>
    %dma_start3A_158 = arith.constant 0 : i32
    %dma_start3A_159 = tpu.memref_slice %arg2[%dma_start3A_158] : memref<1000000xf32, #tpu.memory_space<hbm>> -> memref<1000000xf32, #tpu.memory_space<hbm>>
    tpu.enqueue_indirect_dma source(%dma_start3A_159 : memref<1000000xf32, #tpu.memory_space<hbm>>) target(%dma_start3A_155 : memref<128xf32, #tpu.memory_space<vmem>>) offsets(%dma_start3A_157 : memref<128xi32, #tpu.memory_space<vmem>>) semaphore(%arg35 : memref<!tpu.dma_semaphore, #tpu.memory_space<semaphore_mem>>)
    %dma_start3A_160 = arith.constant 0 : i32
    %dma_start3A_161 = tpu.memref_slice %arg25[%dma_start3A_160] : memref<512xf32, #tpu.memory_space<vmem>> -> memref<128xf32, #tpu.memory_space<vmem>>
    %dma_start3A_162 = arith.constant 0 : i32
    %dma_start3A_163 = tpu.memref_slice %arg15[%dma_start3A_162] : memref<512xi32, #tpu.memory_space<vmem>> -> memref<128xi32, #tpu.memory_space<vmem>>
    %dma_start3A_164 = arith.constant 0 : i32
    %dma_start3A_165 = tpu.memref_slice %arg3[%dma_start3A_164] : memref<1000000xf32, #tpu.memory_space<hbm>> -> memref<1000000xf32, #tpu.memory_space<hbm>>
    tpu.enqueue_indirect_dma source(%dma_start3A_165 : memref<1000000xf32, #tpu.memory_space<hbm>>) target(%dma_start3A_161 : memref<128xf32, #tpu.memory_space<vmem>>) offsets(%dma_start3A_163 : memref<128xi32, #tpu.memory_space<vmem>>) semaphore(%arg35 : memref<!tpu.dma_semaphore, #tpu.memory_space<semaphore_mem>>)
    %dma_start3A_166 = arith.constant 128 : i32
    %dma_start3A_167 = tpu.memref_slice %arg20[%dma_start3A_166] : memref<512xf32, #tpu.memory_space<vmem>> -> memref<128xf32, #tpu.memory_space<vmem>>
    %dma_start3A_168 = arith.constant 128 : i32
    %dma_start3A_169 = tpu.memref_slice %arg10[%dma_start3A_168] : memref<512xi32, #tpu.memory_space<vmem>> -> memref<128xi32, #tpu.memory_space<vmem>>
    %dma_start3A_170 = arith.constant 0 : i32
    %dma_start3A_171 = tpu.memref_slice %arg2[%dma_start3A_170] : memref<1000000xf32, #tpu.memory_space<hbm>> -> memref<1000000xf32, #tpu.memory_space<hbm>>
    tpu.enqueue_indirect_dma source(%dma_start3A_171 : memref<1000000xf32, #tpu.memory_space<hbm>>) target(%dma_start3A_167 : memref<128xf32, #tpu.memory_space<vmem>>) offsets(%dma_start3A_169 : memref<128xi32, #tpu.memory_space<vmem>>) semaphore(%arg35 : memref<!tpu.dma_semaphore, #tpu.memory_space<semaphore_mem>>)
    %dma_start3A_172 = arith.constant 128 : i32
    %dma_start3A_173 = tpu.memref_slice %arg25[%dma_start3A_172] : memref<512xf32, #tpu.memory_space<vmem>> -> memref<128xf32, #tpu.memory_space<vmem>>
    %dma_start3A_174 = arith.constant 128 : i32
    %dma_start3A_175 = tpu.memref_slice %arg15[%dma_start3A_174] : memref<512xi32, #tpu.memory_space<vmem>> -> memref<128xi32, #tpu.memory_space<vmem>>
    %dma_start3A_176 = arith.constant 0 : i32
    %dma_start3A_177 = tpu.memref_slice %arg3[%dma_start3A_176] : memref<1000000xf32, #tpu.memory_space<hbm>> -> memref<1000000xf32, #tpu.memory_space<hbm>>
    tpu.enqueue_indirect_dma source(%dma_start3A_177 : memref<1000000xf32, #tpu.memory_space<hbm>>) target(%dma_start3A_173 : memref<128xf32, #tpu.memory_space<vmem>>) offsets(%dma_start3A_175 : memref<128xi32, #tpu.memory_space<vmem>>) semaphore(%arg35 : memref<!tpu.dma_semaphore, #tpu.memory_space<semaphore_mem>>)
    %dma_start3A_178 = arith.constant 256 : i32
    %dma_start3A_179 = tpu.memref_slice %arg20[%dma_start3A_178] : memref<512xf32, #tpu.memory_space<vmem>> -> memref<128xf32, #tpu.memory_space<vmem>>
    %dma_start3A_180 = arith.constant 256 : i32
    %dma_start3A_181 = tpu.memref_slice %arg10[%dma_start3A_180] : memref<512xi32, #tpu.memory_space<vmem>> -> memref<128xi32, #tpu.memory_space<vmem>>
    %dma_start3A_182 = arith.constant 0 : i32
    %dma_start3A_183 = tpu.memref_slice %arg2[%dma_start3A_182] : memref<1000000xf32, #tpu.memory_space<hbm>> -> memref<1000000xf32, #tpu.memory_space<hbm>>
    tpu.enqueue_indirect_dma source(%dma_start3A_183 : memref<1000000xf32, #tpu.memory_space<hbm>>) target(%dma_start3A_179 : memref<128xf32, #tpu.memory_space<vmem>>) offsets(%dma_start3A_181 : memref<128xi32, #tpu.memory_space<vmem>>) semaphore(%arg35 : memref<!tpu.dma_semaphore, #tpu.memory_space<semaphore_mem>>)
    %dma_start3A_184 = arith.constant 256 : i32
    %dma_start3A_185 = tpu.memref_slice %arg25[%dma_start3A_184] : memref<512xf32, #tpu.memory_space<vmem>> -> memref<128xf32, #tpu.memory_space<vmem>>
    %dma_start3A_186 = arith.constant 256 : i32
    %dma_start3A_187 = tpu.memref_slice %arg15[%dma_start3A_186] : memref<512xi32, #tpu.memory_space<vmem>> -> memref<128xi32, #tpu.memory_space<vmem>>
    %dma_start3A_188 = arith.constant 0 : i32
    %dma_start3A_189 = tpu.memref_slice %arg3[%dma_start3A_188] : memref<1000000xf32, #tpu.memory_space<hbm>> -> memref<1000000xf32, #tpu.memory_space<hbm>>
    tpu.enqueue_indirect_dma source(%dma_start3A_189 : memref<1000000xf32, #tpu.memory_space<hbm>>) target(%dma_start3A_185 : memref<128xf32, #tpu.memory_space<vmem>>) offsets(%dma_start3A_187 : memref<128xi32, #tpu.memory_space<vmem>>) semaphore(%arg35 : memref<!tpu.dma_semaphore, #tpu.memory_space<semaphore_mem>>)
    %dma_start3A_190 = arith.constant 384 : i32
    %dma_start3A_191 = tpu.memref_slice %arg20[%dma_start3A_190] : memref<512xf32, #tpu.memory_space<vmem>> -> memref<128xf32, #tpu.memory_space<vmem>>
    %dma_start3A_192 = arith.constant 384 : i32
    %dma_start3A_193 = tpu.memref_slice %arg10[%dma_start3A_192] : memref<512xi32, #tpu.memory_space<vmem>> -> memref<128xi32, #tpu.memory_space<vmem>>
    %dma_start3A_194 = arith.constant 0 : i32
    %dma_start3A_195 = tpu.memref_slice %arg2[%dma_start3A_194] : memref<1000000xf32, #tpu.memory_space<hbm>> -> memref<1000000xf32, #tpu.memory_space<hbm>>
    tpu.enqueue_indirect_dma source(%dma_start3A_195 : memref<1000000xf32, #tpu.memory_space<hbm>>) target(%dma_start3A_191 : memref<128xf32, #tpu.memory_space<vmem>>) offsets(%dma_start3A_193 : memref<128xi32, #tpu.memory_space<vmem>>) semaphore(%arg35 : memref<!tpu.dma_semaphore, #tpu.memory_space<semaphore_mem>>)
    %dma_start3A_196 = arith.constant 384 : i32
    %dma_start3A_197 = tpu.memref_slice %arg25[%dma_start3A_196] : memref<512xf32, #tpu.memory_space<vmem>> -> memref<128xf32, #tpu.memory_space<vmem>>
    %dma_start3A_198 = arith.constant 384 : i32
    %dma_start3A_199 = tpu.memref_slice %arg15[%dma_start3A_198] : memref<512xi32, #tpu.memory_space<vmem>> -> memref<128xi32, #tpu.memory_space<vmem>>
    %dma_start3A_200 = arith.constant 0 : i32
    %dma_start3A_201 = tpu.memref_slice %arg3[%dma_start3A_200] : memref<1000000xf32, #tpu.memory_space<hbm>> -> memref<1000000xf32, #tpu.memory_space<hbm>>
    tpu.enqueue_indirect_dma source(%dma_start3A_201 : memref<1000000xf32, #tpu.memory_space<hbm>>) target(%dma_start3A_197 : memref<128xf32, #tpu.memory_space<vmem>>) offsets(%dma_start3A_199 : memref<128xi32, #tpu.memory_space<vmem>>) semaphore(%arg35 : memref<!tpu.dma_semaphore, #tpu.memory_space<semaphore_mem>>)
    %add3A_202 = arith.constant 2048 : i32
    %add3A_203 = arith.addi %mul3A_2, %add3A_202 : i32
    "tpu.region"() ({
      %run_scoped3A = tpu.sem_alloc : memref<!tpu.dma_semaphore, #tpu.memory_space<semaphore_mem>>
      %dma_start3A_586 = tpu.memref_slice %arg4[%add3A_203] : memref<4000000xi32, #tpu.memory_space<hbm>> -> memref<512xi32, #tpu.memory_space<hbm>>
      %dma_start3A_587 = tpu.memref_slice %arg4[%add3A_203] : memref<4000000xi32, #tpu.memory_space<hbm>> -> memref<512xi32, #tpu.memory_space<hbm>>
      tpu.enqueue_dma source(%dma_start3A_587 : memref<512xi32, #tpu.memory_space<hbm>>) target(%arg11 : memref<512xi32, #tpu.memory_space<vmem>>) target_semaphore(%run_scoped3A : memref<!tpu.dma_semaphore, #tpu.memory_space<semaphore_mem>>)
      %dma_wait3A_588 = tpu.memref_slice %arg4[%add3A_203] : memref<4000000xi32, #tpu.memory_space<hbm>> -> memref<512xi32, #tpu.memory_space<hbm>>
      %dma_wait3A_589 = tpu.memref_slice %arg4[%add3A_203] : memref<4000000xi32, #tpu.memory_space<hbm>> -> memref<512xi32, #tpu.memory_space<hbm>>
      tpu.wait_dma2 semaphore(%run_scoped3A : memref<!tpu.dma_semaphore, #tpu.memory_space<semaphore_mem>>) src(%dma_wait3A_589 : memref<512xi32, #tpu.memory_space<hbm>>) dst(%arg11 : memref<512xi32, #tpu.memory_space<vmem>>)
      tpu.yield
    }) : () -> ()
    "tpu.region"() ({
      %run_scoped3A = tpu.sem_alloc : memref<!tpu.dma_semaphore, #tpu.memory_space<semaphore_mem>>
      %dma_start3A_586 = tpu.memref_slice %arg5[%add3A_203] : memref<4000000xi32, #tpu.memory_space<hbm>> -> memref<512xi32, #tpu.memory_space<hbm>>
      %dma_start3A_587 = tpu.memref_slice %arg5[%add3A_203] : memref<4000000xi32, #tpu.memory_space<hbm>> -> memref<512xi32, #tpu.memory_space<hbm>>
      tpu.enqueue_dma source(%dma_start3A_587 : memref<512xi32, #tpu.memory_space<hbm>>) target(%arg16 : memref<512xi32, #tpu.memory_space<vmem>>) target_semaphore(%run_scoped3A : memref<!tpu.dma_semaphore, #tpu.memory_space<semaphore_mem>>)
      %dma_wait3A_588 = tpu.memref_slice %arg5[%add3A_203] : memref<4000000xi32, #tpu.memory_space<hbm>> -> memref<512xi32, #tpu.memory_space<hbm>>
      %dma_wait3A_589 = tpu.memref_slice %arg5[%add3A_203] : memref<4000000xi32, #tpu.memory_space<hbm>> -> memref<512xi32, #tpu.memory_space<hbm>>
      tpu.wait_dma2 semaphore(%run_scoped3A : memref<!tpu.dma_semaphore, #tpu.memory_space<semaphore_mem>>) src(%dma_wait3A_589 : memref<512xi32, #tpu.memory_space<hbm>>) dst(%arg16 : memref<512xi32, #tpu.memory_space<vmem>>)
      tpu.yield
    }) : () -> ()
    %dma_start3A_204 = arith.constant 0 : i32
    %dma_start3A_205 = tpu.memref_slice %arg21[%dma_start3A_204] : memref<512xf32, #tpu.memory_space<vmem>> -> memref<128xf32, #tpu.memory_space<vmem>>
    %dma_start3A_206 = arith.constant 0 : i32
    %dma_start3A_207 = tpu.memref_slice %arg11[%dma_start3A_206] : memref<512xi32, #tpu.memory_space<vmem>> -> memref<128xi32, #tpu.memory_space<vmem>>
    %dma_start3A_208 = arith.constant 0 : i32
    %dma_start3A_209 = tpu.memref_slice %arg2[%dma_start3A_208] : memref<1000000xf32, #tpu.memory_space<hbm>> -> memref<1000000xf32, #tpu.memory_space<hbm>>
    tpu.enqueue_indirect_dma source(%dma_start3A_209 : memref<1000000xf32, #tpu.memory_space<hbm>>) target(%dma_start3A_205 : memref<128xf32, #tpu.memory_space<vmem>>) offsets(%dma_start3A_207 : memref<128xi32, #tpu.memory_space<vmem>>) semaphore(%arg36 : memref<!tpu.dma_semaphore, #tpu.memory_space<semaphore_mem>>)
    %dma_start3A_210 = arith.constant 0 : i32
    %dma_start3A_211 = tpu.memref_slice %arg26[%dma_start3A_210] : memref<512xf32, #tpu.memory_space<vmem>> -> memref<128xf32, #tpu.memory_space<vmem>>
    %dma_start3A_212 = arith.constant 0 : i32
    %dma_start3A_213 = tpu.memref_slice %arg16[%dma_start3A_212] : memref<512xi32, #tpu.memory_space<vmem>> -> memref<128xi32, #tpu.memory_space<vmem>>
    %dma_start3A_214 = arith.constant 0 : i32
    %dma_start3A_215 = tpu.memref_slice %arg3[%dma_start3A_214] : memref<1000000xf32, #tpu.memory_space<hbm>> -> memref<1000000xf32, #tpu.memory_space<hbm>>
    tpu.enqueue_indirect_dma source(%dma_start3A_215 : memref<1000000xf32, #tpu.memory_space<hbm>>) target(%dma_start3A_211 : memref<128xf32, #tpu.memory_space<vmem>>) offsets(%dma_start3A_213 : memref<128xi32, #tpu.memory_space<vmem>>) semaphore(%arg36 : memref<!tpu.dma_semaphore, #tpu.memory_space<semaphore_mem>>)
    %dma_start3A_216 = arith.constant 128 : i32
    %dma_start3A_217 = tpu.memref_slice %arg21[%dma_start3A_216] : memref<512xf32, #tpu.memory_space<vmem>> -> memref<128xf32, #tpu.memory_space<vmem>>
    %dma_start3A_218 = arith.constant 128 : i32
    %dma_start3A_219 = tpu.memref_slice %arg11[%dma_start3A_218] : memref<512xi32, #tpu.memory_space<vmem>> -> memref<128xi32, #tpu.memory_space<vmem>>
    %dma_start3A_220 = arith.constant 0 : i32
    %dma_start3A_221 = tpu.memref_slice %arg2[%dma_start3A_220] : memref<1000000xf32, #tpu.memory_space<hbm>> -> memref<1000000xf32, #tpu.memory_space<hbm>>
    tpu.enqueue_indirect_dma source(%dma_start3A_221 : memref<1000000xf32, #tpu.memory_space<hbm>>) target(%dma_start3A_217 : memref<128xf32, #tpu.memory_space<vmem>>) offsets(%dma_start3A_219 : memref<128xi32, #tpu.memory_space<vmem>>) semaphore(%arg36 : memref<!tpu.dma_semaphore, #tpu.memory_space<semaphore_mem>>)
    %dma_start3A_222 = arith.constant 128 : i32
    %dma_start3A_223 = tpu.memref_slice %arg26[%dma_start3A_222] : memref<512xf32, #tpu.memory_space<vmem>> -> memref<128xf32, #tpu.memory_space<vmem>>
    %dma_start3A_224 = arith.constant 128 : i32
    %dma_start3A_225 = tpu.memref_slice %arg16[%dma_start3A_224] : memref<512xi32, #tpu.memory_space<vmem>> -> memref<128xi32, #tpu.memory_space<vmem>>
    %dma_start3A_226 = arith.constant 0 : i32
    %dma_start3A_227 = tpu.memref_slice %arg3[%dma_start3A_226] : memref<1000000xf32, #tpu.memory_space<hbm>> -> memref<1000000xf32, #tpu.memory_space<hbm>>
    tpu.enqueue_indirect_dma source(%dma_start3A_227 : memref<1000000xf32, #tpu.memory_space<hbm>>) target(%dma_start3A_223 : memref<128xf32, #tpu.memory_space<vmem>>) offsets(%dma_start3A_225 : memref<128xi32, #tpu.memory_space<vmem>>) semaphore(%arg36 : memref<!tpu.dma_semaphore, #tpu.memory_space<semaphore_mem>>)
    %dma_start3A_228 = arith.constant 256 : i32
    %dma_start3A_229 = tpu.memref_slice %arg21[%dma_start3A_228] : memref<512xf32, #tpu.memory_space<vmem>> -> memref<128xf32, #tpu.memory_space<vmem>>
    %dma_start3A_230 = arith.constant 256 : i32
    %dma_start3A_231 = tpu.memref_slice %arg11[%dma_start3A_230] : memref<512xi32, #tpu.memory_space<vmem>> -> memref<128xi32, #tpu.memory_space<vmem>>
    %dma_start3A_232 = arith.constant 0 : i32
    %dma_start3A_233 = tpu.memref_slice %arg2[%dma_start3A_232] : memref<1000000xf32, #tpu.memory_space<hbm>> -> memref<1000000xf32, #tpu.memory_space<hbm>>
    tpu.enqueue_indirect_dma source(%dma_start3A_233 : memref<1000000xf32, #tpu.memory_space<hbm>>) target(%dma_start3A_229 : memref<128xf32, #tpu.memory_space<vmem>>) offsets(%dma_start3A_231 : memref<128xi32, #tpu.memory_space<vmem>>) semaphore(%arg36 : memref<!tpu.dma_semaphore, #tpu.memory_space<semaphore_mem>>)
    %dma_start3A_234 = arith.constant 256 : i32
    %dma_start3A_235 = tpu.memref_slice %arg26[%dma_start3A_234] : memref<512xf32, #tpu.memory_space<vmem>> -> memref<128xf32, #tpu.memory_space<vmem>>
    %dma_start3A_236 = arith.constant 256 : i32
    %dma_start3A_237 = tpu.memref_slice %arg16[%dma_start3A_236] : memref<512xi32, #tpu.memory_space<vmem>> -> memref<128xi32, #tpu.memory_space<vmem>>
    %dma_start3A_238 = arith.constant 0 : i32
    %dma_start3A_239 = tpu.memref_slice %arg3[%dma_start3A_238] : memref<1000000xf32, #tpu.memory_space<hbm>> -> memref<1000000xf32, #tpu.memory_space<hbm>>
    tpu.enqueue_indirect_dma source(%dma_start3A_239 : memref<1000000xf32, #tpu.memory_space<hbm>>) target(%dma_start3A_235 : memref<128xf32, #tpu.memory_space<vmem>>) offsets(%dma_start3A_237 : memref<128xi32, #tpu.memory_space<vmem>>) semaphore(%arg36 : memref<!tpu.dma_semaphore, #tpu.memory_space<semaphore_mem>>)
    %dma_start3A_240 = arith.constant 384 : i32
    %dma_start3A_241 = tpu.memref_slice %arg21[%dma_start3A_240] : memref<512xf32, #tpu.memory_space<vmem>> -> memref<128xf32, #tpu.memory_space<vmem>>
    %dma_start3A_242 = arith.constant 384 : i32
    %dma_start3A_243 = tpu.memref_slice %arg11[%dma_start3A_242] : memref<512xi32, #tpu.memory_space<vmem>> -> memref<128xi32, #tpu.memory_space<vmem>>
    %dma_start3A_244 = arith.constant 0 : i32
    %dma_start3A_245 = tpu.memref_slice %arg2[%dma_start3A_244] : memref<1000000xf32, #tpu.memory_space<hbm>> -> memref<1000000xf32, #tpu.memory_space<hbm>>
    tpu.enqueue_indirect_dma source(%dma_start3A_245 : memref<1000000xf32, #tpu.memory_space<hbm>>) target(%dma_start3A_241 : memref<128xf32, #tpu.memory_space<vmem>>) offsets(%dma_start3A_243 : memref<128xi32, #tpu.memory_space<vmem>>) semaphore(%arg36 : memref<!tpu.dma_semaphore, #tpu.memory_space<semaphore_mem>>)
    %dma_start3A_246 = arith.constant 384 : i32
    %dma_start3A_247 = tpu.memref_slice %arg26[%dma_start3A_246] : memref<512xf32, #tpu.memory_space<vmem>> -> memref<128xf32, #tpu.memory_space<vmem>>
    %dma_start3A_248 = arith.constant 384 : i32
    %dma_start3A_249 = tpu.memref_slice %arg16[%dma_start3A_248] : memref<512xi32, #tpu.memory_space<vmem>> -> memref<128xi32, #tpu.memory_space<vmem>>
    %dma_start3A_250 = arith.constant 0 : i32
    %dma_start3A_251 = tpu.memref_slice %arg3[%dma_start3A_250] : memref<1000000xf32, #tpu.memory_space<hbm>> -> memref<1000000xf32, #tpu.memory_space<hbm>>
    tpu.enqueue_indirect_dma source(%dma_start3A_251 : memref<1000000xf32, #tpu.memory_space<hbm>>) target(%dma_start3A_247 : memref<128xf32, #tpu.memory_space<vmem>>) offsets(%dma_start3A_249 : memref<128xi32, #tpu.memory_space<vmem>>) semaphore(%arg36 : memref<!tpu.dma_semaphore, #tpu.memory_space<semaphore_mem>>)
    %scan3A = arith.constant 0 : i32
    %mul3A_252 = arith.constant 5 : i32
    %mul3A_253 = arith.muli %scan3A, %mul3A_252 : i32
    %add3A_254 = arith.constant 0 : i32
    %add3A_255 = arith.addi %mul3A_253, %add3A_254 : i32
    %dma_wait3A = arith.constant 0 : i32
    %dma_wait3A_256 = tpu.memref_slice %arg2[%dma_wait3A] : memref<1000000xf32, #tpu.memory_space<hbm>> -> memref<512xf32, #tpu.memory_space<hbm>>
    %dma_wait3A_257 = arith.constant 0 : i32
    %dma_wait3A_258 = tpu.memref_slice %arg2[%dma_wait3A_257] : memref<1000000xf32, #tpu.memory_space<hbm>> -> memref<512xf32, #tpu.memory_space<hbm>>
    tpu.wait_dma2 semaphore(%arg32 : memref<!tpu.dma_semaphore, #tpu.memory_space<semaphore_mem>>) src(%dma_wait3A_258 : memref<512xf32, #tpu.memory_space<hbm>>) dst(%arg17 : memref<512xf32, #tpu.memory_space<vmem>>)
    %dma_wait3A_259 = arith.constant 0 : i32
    %dma_wait3A_260 = tpu.memref_slice %arg3[%dma_wait3A_259] : memref<1000000xf32, #tpu.memory_space<hbm>> -> memref<512xf32, #tpu.memory_space<hbm>>
    %dma_wait3A_261 = arith.constant 0 : i32
    %dma_wait3A_262 = tpu.memref_slice %arg3[%dma_wait3A_261] : memref<1000000xf32, #tpu.memory_space<hbm>> -> memref<512xf32, #tpu.memory_space<hbm>>
    tpu.wait_dma2 semaphore(%arg32 : memref<!tpu.dma_semaphore, #tpu.memory_space<semaphore_mem>>) src(%dma_wait3A_262 : memref<512xf32, #tpu.memory_space<hbm>>) dst(%arg22 : memref<512xf32, #tpu.memory_space<vmem>>)
    %scan3A_263 = arith.constant 0 : i32
    %scan3A_264 = arith.constant 32 : i32
    %scan3A_265 = arith.addi %scan3A_263, %scan3A_264 : i32
    %scan3A_266 = arith.constant 1 : i32
    scf.for %scan3A_586 = %scan3A_263 to %scan3A_265 step %scan3A_266  : i32 {
      %mul3A_587 = arith.constant 16 : i32
      %mul3A_588 = arith.muli %scan3A_586, %mul3A_587 : i32
      %get3A_589 = arith.index_cast %mul3A_588 : i32 to index
      %get3A_590 = tpu.vector_load %arg17[%get3A_589] {strides = array<i32>} : memref<512xf32, #tpu.memory_space<vmem>>, vector<16xf32>,
      %get3A_591 = vector.shape_cast %get3A_590 : vector<16xf32> to vector<16xf32>
      %get3A_592 = arith.index_cast %mul3A_588 : i32 to index
      %get3A_593 = tpu.vector_load %arg22[%get3A_592] {strides = array<i32>} : memref<512xf32, #tpu.memory_space<vmem>>, vector<16xf32>,
      %get3A_594 = vector.shape_cast %get3A_593 : vector<16xf32> to vector<16xf32>
      %mul3A_595 = arith.mulf %get3A_591, %get3A_594 : vector<16xf32>
      %swap3A_596 = arith.index_cast %mul3A_588 : i32 to index
      %swap3A_597 = tpu.vector_load %arg27[%swap3A_596] {strides = array<i32>} : memref<512xf32, #tpu.memory_space<vmem>>, vector<16xf32>,
      %swap3A_598 = vector.shape_cast %swap3A_597 : vector<16xf32> to vector<16xf32>
      %swap3A_599 = vector.shape_cast %mul3A_595 : vector<16xf32> to vector<16xf32>
      tpu.vector_store %arg27[%swap3A_596], %swap3A_599 {strides = array<i32>} : memref<512xf32, #tpu.memory_space<vmem>>, vector<16xf32>,
    }
    %scan3A_267 = arith.constant 32 : i32
    %mul3A_268 = arith.constant 512 : i32
    %mul3A_269 = arith.muli %add3A_255, %mul3A_268 : i32
    %add3A_270 = arith.addi %mul3A_2, %mul3A_269 : i32
    %dma_start3A_271 = tpu.memref_slice %arg6[%add3A_270] : memref<4000000xf32, #tpu.memory_space<hbm>> -> memref<512xf32, #tpu.memory_space<hbm>>
    %dma_start3A_272 = tpu.memref_slice %arg6[%add3A_270] : memref<4000000xf32, #tpu.memory_space<hbm>> -> memref<512xf32, #tpu.memory_space<hbm>>
    tpu.enqueue_dma source(%arg27 : memref<512xf32, #tpu.memory_space<vmem>>) target(%dma_start3A_272 : memref<512xf32, #tpu.memory_space<hbm>>) target_semaphore(%arg37 : memref<!tpu.dma_semaphore, #tpu.memory_space<semaphore_mem>>)
    %add3A_273 = arith.constant 5 : i32
    %add3A_274 = arith.addi %add3A_255, %add3A_273 : i32
    %lt3A = arith.constant 244 : i32
    %lt3A_275 = arith.cmpi slt, %add3A_274, %lt3A : i32
    %convert_element_type3A = arith.extui %lt3A_275 : i1 to i32
    %cond3A = arith.constant 0 : i32
    %cond3A_276 = arith.cmpi ne, %convert_element_type3A, %cond3A : i32
    scf.if %cond3A_276 {
      %add3A_586 = arith.constant 5 : i32
      %add3A_587 = arith.addi %add3A_255, %add3A_586 : i32
      %mul3A_588 = arith.constant 512 : i32
      %mul3A_589 = arith.muli %add3A_587, %mul3A_588 : i32
      %add3A_590 = arith.addi %mul3A_2, %mul3A_589 : i32
      "tpu.region"() ({
        %run_scoped3A = tpu.sem_alloc : memref<!tpu.dma_semaphore, #tpu.memory_space<semaphore_mem>>
        %dma_start3A_639 = tpu.memref_slice %arg4[%add3A_590] : memref<4000000xi32, #tpu.memory_space<hbm>> -> memref<512xi32, #tpu.memory_space<hbm>>
        %dma_start3A_640 = tpu.memref_slice %arg4[%add3A_590] : memref<4000000xi32, #tpu.memory_space<hbm>> -> memref<512xi32, #tpu.memory_space<hbm>>
        tpu.enqueue_dma source(%dma_start3A_640 : memref<512xi32, #tpu.memory_space<hbm>>) target(%arg7 : memref<512xi32, #tpu.memory_space<vmem>>) target_semaphore(%run_scoped3A : memref<!tpu.dma_semaphore, #tpu.memory_space<semaphore_mem>>)
        %dma_wait3A_641 = tpu.memref_slice %arg4[%add3A_590] : memref<4000000xi32, #tpu.memory_space<hbm>> -> memref<512xi32, #tpu.memory_space<hbm>>
        %dma_wait3A_642 = tpu.memref_slice %arg4[%add3A_590] : memref<4000000xi32, #tpu.memory_space<hbm>> -> memref<512xi32, #tpu.memory_space<hbm>>
        tpu.wait_dma2 semaphore(%run_scoped3A : memref<!tpu.dma_semaphore, #tpu.memory_space<semaphore_mem>>) src(%dma_wait3A_642 : memref<512xi32, #tpu.memory_space<hbm>>) dst(%arg7 : memref<512xi32, #tpu.memory_space<vmem>>)
        tpu.yield
      }) : () -> ()
      "tpu.region"() ({
        %run_scoped3A = tpu.sem_alloc : memref<!tpu.dma_semaphore, #tpu.memory_space<semaphore_mem>>
        %dma_start3A_639 = tpu.memref_slice %arg5[%add3A_590] : memref<4000000xi32, #tpu.memory_space<hbm>> -> memref<512xi32, #tpu.memory_space<hbm>>
        %dma_start3A_640 = tpu.memref_slice %arg5[%add3A_590] : memref<4000000xi32, #tpu.memory_space<hbm>> -> memref<512xi32, #tpu.memory_space<hbm>>
        tpu.enqueue_dma source(%dma_start3A_640 : memref<512xi32, #tpu.memory_space<hbm>>) target(%arg12 : memref<512xi32, #tpu.memory_space<vmem>>) target_semaphore(%run_scoped3A : memref<!tpu.dma_semaphore, #tpu.memory_space<semaphore_mem>>)
        %dma_wait3A_641 = tpu.memref_slice %arg5[%add3A_590] : memref<4000000xi32, #tpu.memory_space<hbm>> -> memref<512xi32, #tpu.memory_space<hbm>>
        %dma_wait3A_642 = tpu.memref_slice %arg5[%add3A_590] : memref<4000000xi32, #tpu.memory_space<hbm>> -> memref<512xi32, #tpu.memory_space<hbm>>
        tpu.wait_dma2 semaphore(%run_scoped3A : memref<!tpu.dma_semaphore, #tpu.memory_space<semaphore_mem>>) src(%dma_wait3A_642 : memref<512xi32, #tpu.memory_space<hbm>>) dst(%arg12 : memref<512xi32, #tpu.memory_space<vmem>>)
        tpu.yield
      }) : () -> ()
      %dma_start3A_591 = arith.constant 0 : i32
      %dma_start3A_592 = tpu.memref_slice %arg17[%dma_start3A_591] : memref<512xf32, #tpu.memory_space<vmem>> -> memref<128xf32, #tpu.memory_space<vmem>>
      %dma_start3A_593 = arith.constant 0 : i32
      %dma_start3A_594 = tpu.memref_slice %arg7[%dma_start3A_593] : memref<512xi32, #tpu.memory_space<vmem>> -> memref<128xi32, #tpu.memory_space<vmem>>
      %dma_start3A_595 = arith.constant 0 : i32
      %dma_start3A_596 = tpu.memref_slice %arg2[%dma_start3A_595] : memref<1000000xf32, #tpu.memory_space<hbm>> -> memref<1000000xf32, #tpu.memory_space<hbm>>
      tpu.enqueue_indirect_dma source(%dma_start3A_596 : memref<1000000xf32, #tpu.memory_space<hbm>>) target(%dma_start3A_592 : memref<128xf32, #tpu.memory_space<vmem>>) offsets(%dma_start3A_594 : memref<128xi32, #tpu.memory_space<vmem>>) semaphore(%arg32 : memref<!tpu.dma_semaphore, #tpu.memory_space<semaphore_mem>>)
      %dma_start3A_597 = arith.constant 0 : i32
      %dma_start3A_598 = tpu.memref_slice %arg22[%dma_start3A_597] : memref<512xf32, #tpu.memory_space<vmem>> -> memref<128xf32, #tpu.memory_space<vmem>>
      %dma_start3A_599 = arith.constant 0 : i32
      %dma_start3A_600 = tpu.memref_slice %arg12[%dma_start3A_599] : memref<512xi32, #tpu.memory_space<vmem>> -> memref<128xi32, #tpu.memory_space<vmem>>
      %dma_start3A_601 = arith.constant 0 : i32
      %dma_start3A_602 = tpu.memref_slice %arg3[%dma_start3A_601] : memref<1000000xf32, #tpu.memory_space<hbm>> -> memref<1000000xf32, #tpu.memory_space<hbm>>
      tpu.enqueue_indirect_dma source(%dma_start3A_602 : memref<1000000xf32, #tpu.memory_space<hbm>>) target(%dma_start3A_598 : memref<128xf32, #tpu.memory_space<vmem>>) offsets(%dma_start3A_600 : memref<128xi32, #tpu.memory_space<vmem>>) semaphore(%arg32 : memref<!tpu.dma_semaphore, #tpu.memory_space<semaphore_mem>>)
      %dma_start3A_603 = arith.constant 128 : i32
      %dma_start3A_604 = tpu.memref_slice %arg17[%dma_start3A_603] : memref<512xf32, #tpu.memory_space<vmem>> -> memref<128xf32, #tpu.memory_space<vmem>>
      %dma_start3A_605 = arith.constant 128 : i32
      %dma_start3A_606 = tpu.memref_slice %arg7[%dma_start3A_605] : memref<512xi32, #tpu.memory_space<vmem>> -> memref<128xi32, #tpu.memory_space<vmem>>
      %dma_start3A_607 = arith.constant 0 : i32
      %dma_start3A_608 = tpu.memref_slice %arg2[%dma_start3A_607] : memref<1000000xf32, #tpu.memory_space<hbm>> -> memref<1000000xf32, #tpu.memory_space<hbm>>
      tpu.enqueue_indirect_dma source(%dma_start3A_608 : memref<1000000xf32, #tpu.memory_space<hbm>>) target(%dma_start3A_604 : memref<128xf32, #tpu.memory_space<vmem>>) offsets(%dma_start3A_606 : memref<128xi32, #tpu.memory_space<vmem>>) semaphore(%arg32 : memref<!tpu.dma_semaphore, #tpu.memory_space<semaphore_mem>>)
      %dma_start3A_609 = arith.constant 128 : i32
      %dma_start3A_610 = tpu.memref_slice %arg22[%dma_start3A_609] : memref<512xf32, #tpu.memory_space<vmem>> -> memref<128xf32, #tpu.memory_space<vmem>>
      %dma_start3A_611 = arith.constant 128 : i32
      %dma_start3A_612 = tpu.memref_slice %arg12[%dma_start3A_611] : memref<512xi32, #tpu.memory_space<vmem>> -> memref<128xi32, #tpu.memory_space<vmem>>
      %dma_start3A_613 = arith.constant 0 : i32
      %dma_start3A_614 = tpu.memref_slice %arg3[%dma_start3A_613] : memref<1000000xf32, #tpu.memory_space<hbm>> -> memref<1000000xf32, #tpu.memory_space<hbm>>
      tpu.enqueue_indirect_dma source(%dma_start3A_614 : memref<1000000xf32, #tpu.memory_space<hbm>>) target(%dma_start3A_610 : memref<128xf32, #tpu.memory_space<vmem>>) offsets(%dma_start3A_612 : memref<128xi32, #tpu.memory_space<vmem>>) semaphore(%arg32 : memref<!tpu.dma_semaphore, #tpu.memory_space<semaphore_mem>>)
      %dma_start3A_615 = arith.constant 256 : i32
      %dma_start3A_616 = tpu.memref_slice %arg17[%dma_start3A_615] : memref<512xf32, #tpu.memory_space<vmem>> -> memref<128xf32, #tpu.memory_space<vmem>>
      %dma_start3A_617 = arith.constant 256 : i32
      %dma_start3A_618 = tpu.memref_slice %arg7[%dma_start3A_617] : memref<512xi32, #tpu.memory_space<vmem>> -> memref<128xi32, #tpu.memory_space<vmem>>
      %dma_start3A_619 = arith.constant 0 : i32
      %dma_start3A_620 = tpu.memref_slice %arg2[%dma_start3A_619] : memref<1000000xf32, #tpu.memory_space<hbm>> -> memref<1000000xf32, #tpu.memory_space<hbm>>
      tpu.enqueue_indirect_dma source(%dma_start3A_620 : memref<1000000xf32, #tpu.memory_space<hbm>>) target(%dma_start3A_616 : memref<128xf32, #tpu.memory_space<vmem>>) offsets(%dma_start3A_618 : memref<128xi32, #tpu.memory_space<vmem>>) semaphore(%arg32 : memref<!tpu.dma_semaphore, #tpu.memory_space<semaphore_mem>>)
      %dma_start3A_621 = arith.constant 256 : i32
      %dma_start3A_622 = tpu.memref_slice %arg22[%dma_start3A_621] : memref<512xf32, #tpu.memory_space<vmem>> -> memref<128xf32, #tpu.memory_space<vmem>>
      %dma_start3A_623 = arith.constant 256 : i32
      %dma_start3A_624 = tpu.memref_slice %arg12[%dma_start3A_623] : memref<512xi32, #tpu.memory_space<vmem>> -> memref<128xi32, #tpu.memory_space<vmem>>
      %dma_start3A_625 = arith.constant 0 : i32
      %dma_start3A_626 = tpu.memref_slice %arg3[%dma_start3A_625] : memref<1000000xf32, #tpu.memory_space<hbm>> -> memref<1000000xf32, #tpu.memory_space<hbm>>
      tpu.enqueue_indirect_dma source(%dma_start3A_626 : memref<1000000xf32, #tpu.memory_space<hbm>>) target(%dma_start3A_622 : memref<128xf32, #tpu.memory_space<vmem>>) offsets(%dma_start3A_624 : memref<128xi32, #tpu.memory_space<vmem>>) semaphore(%arg32 : memref<!tpu.dma_semaphore, #tpu.memory_space<semaphore_mem>>)
      %dma_start3A_627 = arith.constant 384 : i32
      %dma_start3A_628 = tpu.memref_slice %arg17[%dma_start3A_627] : memref<512xf32, #tpu.memory_space<vmem>> -> memref<128xf32, #tpu.memory_space<vmem>>
      %dma_start3A_629 = arith.constant 384 : i32
      %dma_start3A_630 = tpu.memref_slice %arg7[%dma_start3A_629] : memref<512xi32, #tpu.memory_space<vmem>> -> memref<128xi32, #tpu.memory_space<vmem>>
      %dma_start3A_631 = arith.constant 0 : i32
      %dma_start3A_632 = tpu.memref_slice %arg2[%dma_start3A_631] : memref<1000000xf32, #tpu.memory_space<hbm>> -> memref<1000000xf32, #tpu.memory_space<hbm>>
      tpu.enqueue_indirect_dma source(%dma_start3A_632 : memref<1000000xf32, #tpu.memory_space<hbm>>) target(%dma_start3A_628 : memref<128xf32, #tpu.memory_space<vmem>>) offsets(%dma_start3A_630 : memref<128xi32, #tpu.memory_space<vmem>>) semaphore(%arg32 : memref<!tpu.dma_semaphore, #tpu.memory_space<semaphore_mem>>)
      %dma_start3A_633 = arith.constant 384 : i32
      %dma_start3A_634 = tpu.memref_slice %arg22[%dma_start3A_633] : memref<512xf32, #tpu.memory_space<vmem>> -> memref<128xf32, #tpu.memory_space<vmem>>
      %dma_start3A_635 = arith.constant 384 : i32
      %dma_start3A_636 = tpu.memref_slice %arg12[%dma_start3A_635] : memref<512xi32, #tpu.memory_space<vmem>> -> memref<128xi32, #tpu.memory_space<vmem>>
      %dma_start3A_637 = arith.constant 0 : i32
      %dma_start3A_638 = tpu.memref_slice %arg3[%dma_start3A_637] : memref<1000000xf32, #tpu.memory_space<hbm>> -> memref<1000000xf32, #tpu.memory_space<hbm>>
      tpu.enqueue_indirect_dma source(%dma_start3A_638 : memref<1000000xf32, #tpu.memory_space<hbm>>) target(%dma_start3A_634 : memref<128xf32, #tpu.memory_space<vmem>>) offsets(%dma_start3A_636 : memref<128xi32, #tpu.memory_space<vmem>>) semaphore(%arg32 : memref<!tpu.dma_semaphore, #tpu.memory_space<semaphore_mem>>)
    } else {
    }
    %mul3A_277 = arith.constant 5 : i32
    %mul3A_278 = arith.muli %scan3A, %mul3A_277 : i32
    %add3A_279 = arith.constant 1 : i32
    %add3A_280 = arith.addi %mul3A_278, %add3A_279 : i32
    %dma_wait3A_281 = arith.constant 0 : i32
    %dma_wait3A_282 = tpu.memref_slice %arg2[%dma_wait3A_281] : memref<1000000xf32, #tpu.memory_space<hbm>> -> memref<512xf32, #tpu.memory_space<hbm>>
    %dma_wait3A_283 = arith.constant 0 : i32
    %dma_wait3A_284 = tpu.memref_slice %arg2[%dma_wait3A_283] : memref<1000000xf32, #tpu.memory_space<hbm>> -> memref<512xf32, #tpu.memory_space<hbm>>
    tpu.wait_dma2 semaphore(%arg33 : memref<!tpu.dma_semaphore, #tpu.memory_space<semaphore_mem>>) src(%dma_wait3A_284 : memref<512xf32, #tpu.memory_space<hbm>>) dst(%arg18 : memref<512xf32, #tpu.memory_space<vmem>>)
    %dma_wait3A_285 = arith.constant 0 : i32
    %dma_wait3A_286 = tpu.memref_slice %arg3[%dma_wait3A_285] : memref<1000000xf32, #tpu.memory_space<hbm>> -> memref<512xf32, #tpu.memory_space<hbm>>
    %dma_wait3A_287 = arith.constant 0 : i32
    %dma_wait3A_288 = tpu.memref_slice %arg3[%dma_wait3A_287] : memref<1000000xf32, #tpu.memory_space<hbm>> -> memref<512xf32, #tpu.memory_space<hbm>>
    tpu.wait_dma2 semaphore(%arg33 : memref<!tpu.dma_semaphore, #tpu.memory_space<semaphore_mem>>) src(%dma_wait3A_288 : memref<512xf32, #tpu.memory_space<hbm>>) dst(%arg23 : memref<512xf32, #tpu.memory_space<vmem>>)
    %scan3A_289 = arith.constant 0 : i32
    %scan3A_290 = arith.constant 32 : i32
    %scan3A_291 = arith.addi %scan3A_289, %scan3A_290 : i32
    %scan3A_292 = arith.constant 1 : i32
    scf.for %scan3A_586 = %scan3A_289 to %scan3A_291 step %scan3A_292  : i32 {
      %mul3A_587 = arith.constant 16 : i32
      %mul3A_588 = arith.muli %scan3A_586, %mul3A_587 : i32
      %get3A_589 = arith.index_cast %mul3A_588 : i32 to index
      %get3A_590 = tpu.vector_load %arg18[%get3A_589] {strides = array<i32>} : memref<512xf32, #tpu.memory_space<vmem>>, vector<16xf32>,
      %get3A_591 = vector.shape_cast %get3A_590 : vector<16xf32> to vector<16xf32>
      %get3A_592 = arith.index_cast %mul3A_588 : i32 to index
      %get3A_593 = tpu.vector_load %arg23[%get3A_592] {strides = array<i32>} : memref<512xf32, #tpu.memory_space<vmem>>, vector<16xf32>,
      %get3A_594 = vector.shape_cast %get3A_593 : vector<16xf32> to vector<16xf32>
      %mul3A_595 = arith.mulf %get3A_591, %get3A_594 : vector<16xf32>
      %swap3A_596 = arith.index_cast %mul3A_588 : i32 to index
      %swap3A_597 = tpu.vector_load %arg28[%swap3A_596] {strides = array<i32>} : memref<512xf32, #tpu.memory_space<vmem>>, vector<16xf32>,
      %swap3A_598 = vector.shape_cast %swap3A_597 : vector<16xf32> to vector<16xf32>
      %swap3A_599 = vector.shape_cast %mul3A_595 : vector<16xf32> to vector<16xf32>
      tpu.vector_store %arg28[%swap3A_596], %swap3A_599 {strides = array<i32>} : memref<512xf32, #tpu.memory_space<vmem>>, vector<16xf32>,
    }
    %scan3A_293 = arith.constant 32 : i32
    %mul3A_294 = arith.constant 512 : i32
    %mul3A_295 = arith.muli %add3A_280, %mul3A_294 : i32
    %add3A_296 = arith.addi %mul3A_2, %mul3A_295 : i32
    %dma_start3A_297 = tpu.memref_slice %arg6[%add3A_296] : memref<4000000xf32, #tpu.memory_space<hbm>> -> memref<512xf32, #tpu.memory_space<hbm>>
    %dma_start3A_298 = tpu.memref_slice %arg6[%add3A_296] : memref<4000000xf32, #tpu.memory_space<hbm>> -> memref<512xf32, #tpu.memory_space<hbm>>
    tpu.enqueue_dma source(%arg28 : memref<512xf32, #tpu.memory_space<vmem>>) target(%dma_start3A_298 : memref<512xf32, #tpu.memory_space<hbm>>) target_semaphore(%arg38 : memref<!tpu.dma_semaphore, #tpu.memory_space<semaphore_mem>>)
    %add3A_299 = arith.constant 5 : i32
    %add3A_300 = arith.addi %add3A_280, %add3A_299 : i32
    %lt3A_301 = arith.constant 244 : i32
    %lt3A_302 = arith.cmpi slt, %add3A_300, %lt3A_301 : i32
    %convert_element_type3A_303 = arith.extui %lt3A_302 : i1 to i32
    %cond3A_304 = arith.constant 0 : i32
    %cond3A_305 = arith.cmpi ne, %convert_element_type3A_303, %cond3A_304 : i32
    scf.if %cond3A_305 {
      %add3A_586 = arith.constant 5 : i32
      %add3A_587 = arith.addi %add3A_280, %add3A_586 : i32
      %mul3A_588 = arith.constant 512 : i32
      %mul3A_589 = arith.muli %add3A_587, %mul3A_588 : i32
      %add3A_590 = arith.addi %mul3A_2, %mul3A_589 : i32
      "tpu.region"() ({
        %run_scoped3A = tpu.sem_alloc : memref<!tpu.dma_semaphore, #tpu.memory_space<semaphore_mem>>
        %dma_start3A_639 = tpu.memref_slice %arg4[%add3A_590] : memref<4000000xi32, #tpu.memory_space<hbm>> -> memref<512xi32, #tpu.memory_space<hbm>>
        %dma_start3A_640 = tpu.memref_slice %arg4[%add3A_590] : memref<4000000xi32, #tpu.memory_space<hbm>> -> memref<512xi32, #tpu.memory_space<hbm>>
        tpu.enqueue_dma source(%dma_start3A_640 : memref<512xi32, #tpu.memory_space<hbm>>) target(%arg8 : memref<512xi32, #tpu.memory_space<vmem>>) target_semaphore(%run_scoped3A : memref<!tpu.dma_semaphore, #tpu.memory_space<semaphore_mem>>)
        %dma_wait3A_641 = tpu.memref_slice %arg4[%add3A_590] : memref<4000000xi32, #tpu.memory_space<hbm>> -> memref<512xi32, #tpu.memory_space<hbm>>
        %dma_wait3A_642 = tpu.memref_slice %arg4[%add3A_590] : memref<4000000xi32, #tpu.memory_space<hbm>> -> memref<512xi32, #tpu.memory_space<hbm>>
        tpu.wait_dma2 semaphore(%run_scoped3A : memref<!tpu.dma_semaphore, #tpu.memory_space<semaphore_mem>>) src(%dma_wait3A_642 : memref<512xi32, #tpu.memory_space<hbm>>) dst(%arg8 : memref<512xi32, #tpu.memory_space<vmem>>)
        tpu.yield
      }) : () -> ()
      "tpu.region"() ({
        %run_scoped3A = tpu.sem_alloc : memref<!tpu.dma_semaphore, #tpu.memory_space<semaphore_mem>>
        %dma_start3A_639 = tpu.memref_slice %arg5[%add3A_590] : memref<4000000xi32, #tpu.memory_space<hbm>> -> memref<512xi32, #tpu.memory_space<hbm>>
        %dma_start3A_640 = tpu.memref_slice %arg5[%add3A_590] : memref<4000000xi32, #tpu.memory_space<hbm>> -> memref<512xi32, #tpu.memory_space<hbm>>
        tpu.enqueue_dma source(%dma_start3A_640 : memref<512xi32, #tpu.memory_space<hbm>>) target(%arg13 : memref<512xi32, #tpu.memory_space<vmem>>) target_semaphore(%run_scoped3A : memref<!tpu.dma_semaphore, #tpu.memory_space<semaphore_mem>>)
        %dma_wait3A_641 = tpu.memref_slice %arg5[%add3A_590] : memref<4000000xi32, #tpu.memory_space<hbm>> -> memref<512xi32, #tpu.memory_space<hbm>>
        %dma_wait3A_642 = tpu.memref_slice %arg5[%add3A_590] : memref<4000000xi32, #tpu.memory_space<hbm>> -> memref<512xi32, #tpu.memory_space<hbm>>
        tpu.wait_dma2 semaphore(%run_scoped3A : memref<!tpu.dma_semaphore, #tpu.memory_space<semaphore_mem>>) src(%dma_wait3A_642 : memref<512xi32, #tpu.memory_space<hbm>>) dst(%arg13 : memref<512xi32, #tpu.memory_space<vmem>>)
        tpu.yield
      }) : () -> ()
      %dma_start3A_591 = arith.constant 0 : i32
      %dma_start3A_592 = tpu.memref_slice %arg18[%dma_start3A_591] : memref<512xf32, #tpu.memory_space<vmem>> -> memref<128xf32, #tpu.memory_space<vmem>>
      %dma_start3A_593 = arith.constant 0 : i32
      %dma_start3A_594 = tpu.memref_slice %arg8[%dma_start3A_593] : memref<512xi32, #tpu.memory_space<vmem>> -> memref<128xi32, #tpu.memory_space<vmem>>
      %dma_start3A_595 = arith.constant 0 : i32
      %dma_start3A_596 = tpu.memref_slice %arg2[%dma_start3A_595] : memref<1000000xf32, #tpu.memory_space<hbm>> -> memref<1000000xf32, #tpu.memory_space<hbm>>
      tpu.enqueue_indirect_dma source(%dma_start3A_596 : memref<1000000xf32, #tpu.memory_space<hbm>>) target(%dma_start3A_592 : memref<128xf32, #tpu.memory_space<vmem>>) offsets(%dma_start3A_594 : memref<128xi32, #tpu.memory_space<vmem>>) semaphore(%arg33 : memref<!tpu.dma_semaphore, #tpu.memory_space<semaphore_mem>>)
      %dma_start3A_597 = arith.constant 0 : i32
      %dma_start3A_598 = tpu.memref_slice %arg23[%dma_start3A_597] : memref<512xf32, #tpu.memory_space<vmem>> -> memref<128xf32, #tpu.memory_space<vmem>>
      %dma_start3A_599 = arith.constant 0 : i32
      %dma_start3A_600 = tpu.memref_slice %arg13[%dma_start3A_599] : memref<512xi32, #tpu.memory_space<vmem>> -> memref<128xi32, #tpu.memory_space<vmem>>
      %dma_start3A_601 = arith.constant 0 : i32
      %dma_start3A_602 = tpu.memref_slice %arg3[%dma_start3A_601] : memref<1000000xf32, #tpu.memory_space<hbm>> -> memref<1000000xf32, #tpu.memory_space<hbm>>
      tpu.enqueue_indirect_dma source(%dma_start3A_602 : memref<1000000xf32, #tpu.memory_space<hbm>>) target(%dma_start3A_598 : memref<128xf32, #tpu.memory_space<vmem>>) offsets(%dma_start3A_600 : memref<128xi32, #tpu.memory_space<vmem>>) semaphore(%arg33 : memref<!tpu.dma_semaphore, #tpu.memory_space<semaphore_mem>>)
      %dma_start3A_603 = arith.constant 128 : i32
      %dma_start3A_604 = tpu.memref_slice %arg18[%dma_start3A_603] : memref<512xf32, #tpu.memory_space<vmem>> -> memref<128xf32, #tpu.memory_space<vmem>>
      %dma_start3A_605 = arith.constant 128 : i32
      %dma_start3A_606 = tpu.memref_slice %arg8[%dma_start3A_605] : memref<512xi32, #tpu.memory_space<vmem>> -> memref<128xi32, #tpu.memory_space<vmem>>
      %dma_start3A_607 = arith.constant 0 : i32
      %dma_start3A_608 = tpu.memref_slice %arg2[%dma_start3A_607] : memref<1000000xf32, #tpu.memory_space<hbm>> -> memref<1000000xf32, #tpu.memory_space<hbm>>
      tpu.enqueue_indirect_dma source(%dma_start3A_608 : memref<1000000xf32, #tpu.memory_space<hbm>>) target(%dma_start3A_604 : memref<128xf32, #tpu.memory_space<vmem>>) offsets(%dma_start3A_606 : memref<128xi32, #tpu.memory_space<vmem>>) semaphore(%arg33 : memref<!tpu.dma_semaphore, #tpu.memory_space<semaphore_mem>>)
      %dma_start3A_609 = arith.constant 128 : i32
      %dma_start3A_610 = tpu.memref_slice %arg23[%dma_start3A_609] : memref<512xf32, #tpu.memory_space<vmem>> -> memref<128xf32, #tpu.memory_space<vmem>>
      %dma_start3A_611 = arith.constant 128 : i32
      %dma_start3A_612 = tpu.memref_slice %arg13[%dma_start3A_611] : memref<512xi32, #tpu.memory_space<vmem>> -> memref<128xi32, #tpu.memory_space<vmem>>
      %dma_start3A_613 = arith.constant 0 : i32
      %dma_start3A_614 = tpu.memref_slice %arg3[%dma_start3A_613] : memref<1000000xf32, #tpu.memory_space<hbm>> -> memref<1000000xf32, #tpu.memory_space<hbm>>
      tpu.enqueue_indirect_dma source(%dma_start3A_614 : memref<1000000xf32, #tpu.memory_space<hbm>>) target(%dma_start3A_610 : memref<128xf32, #tpu.memory_space<vmem>>) offsets(%dma_start3A_612 : memref<128xi32, #tpu.memory_space<vmem>>) semaphore(%arg33 : memref<!tpu.dma_semaphore, #tpu.memory_space<semaphore_mem>>)
      %dma_start3A_615 = arith.constant 256 : i32
      %dma_start3A_616 = tpu.memref_slice %arg18[%dma_start3A_615] : memref<512xf32, #tpu.memory_space<vmem>> -> memref<128xf32, #tpu.memory_space<vmem>>
      %dma_start3A_617 = arith.constant 256 : i32
      %dma_start3A_618 = tpu.memref_slice %arg8[%dma_start3A_617] : memref<512xi32, #tpu.memory_space<vmem>> -> memref<128xi32, #tpu.memory_space<vmem>>
      %dma_start3A_619 = arith.constant 0 : i32
      %dma_start3A_620 = tpu.memref_slice %arg2[%dma_start3A_619] : memref<1000000xf32, #tpu.memory_space<hbm>> -> memref<1000000xf32, #tpu.memory_space<hbm>>
      tpu.enqueue_indirect_dma source(%dma_start3A_620 : memref<1000000xf32, #tpu.memory_space<hbm>>) target(%dma_start3A_616 : memref<128xf32, #tpu.memory_space<vmem>>) offsets(%dma_start3A_618 : memref<128xi32, #tpu.memory_space<vmem>>) semaphore(%arg33 : memref<!tpu.dma_semaphore, #tpu.memory_space<semaphore_mem>>)
      %dma_start3A_621 = arith.constant 256 : i32
      %dma_start3A_622 = tpu.memref_slice %arg23[%dma_start3A_621] : memref<512xf32, #tpu.memory_space<vmem>> -> memref<128xf32, #tpu.memory_space<vmem>>
      %dma_start3A_623 = arith.constant 256 : i32
      %dma_start3A_624 = tpu.memref_slice %arg13[%dma_start3A_623] : memref<512xi32, #tpu.memory_space<vmem>> -> memref<128xi32, #tpu.memory_space<vmem>>
      %dma_start3A_625 = arith.constant 0 : i32
      %dma_start3A_626 = tpu.memref_slice %arg3[%dma_start3A_625] : memref<1000000xf32, #tpu.memory_space<hbm>> -> memref<1000000xf32, #tpu.memory_space<hbm>>
      tpu.enqueue_indirect_dma source(%dma_start3A_626 : memref<1000000xf32, #tpu.memory_space<hbm>>) target(%dma_start3A_622 : memref<128xf32, #tpu.memory_space<vmem>>) offsets(%dma_start3A_624 : memref<128xi32, #tpu.memory_space<vmem>>) semaphore(%arg33 : memref<!tpu.dma_semaphore, #tpu.memory_space<semaphore_mem>>)
      %dma_start3A_627 = arith.constant 384 : i32
      %dma_start3A_628 = tpu.memref_slice %arg18[%dma_start3A_627] : memref<512xf32, #tpu.memory_space<vmem>> -> memref<128xf32, #tpu.memory_space<vmem>>
      %dma_start3A_629 = arith.constant 384 : i32
      %dma_start3A_630 = tpu.memref_slice %arg8[%dma_start3A_629] : memref<512xi32, #tpu.memory_space<vmem>> -> memref<128xi32, #tpu.memory_space<vmem>>
      %dma_start3A_631 = arith.constant 0 : i32
      %dma_start3A_632 = tpu.memref_slice %arg2[%dma_start3A_631] : memref<1000000xf32, #tpu.memory_space<hbm>> -> memref<1000000xf32, #tpu.memory_space<hbm>>
      tpu.enqueue_indirect_dma source(%dma_start3A_632 : memref<1000000xf32, #tpu.memory_space<hbm>>) target(%dma_start3A_628 : memref<128xf32, #tpu.memory_space<vmem>>) offsets(%dma_start3A_630 : memref<128xi32, #tpu.memory_space<vmem>>) semaphore(%arg33 : memref<!tpu.dma_semaphore, #tpu.memory_space<semaphore_mem>>)
      %dma_start3A_633 = arith.constant 384 : i32
      %dma_start3A_634 = tpu.memref_slice %arg23[%dma_start3A_633] : memref<512xf32, #tpu.memory_space<vmem>> -> memref<128xf32, #tpu.memory_space<vmem>>
      %dma_start3A_635 = arith.constant 384 : i32
      %dma_start3A_636 = tpu.memref_slice %arg13[%dma_start3A_635] : memref<512xi32, #tpu.memory_space<vmem>> -> memref<128xi32, #tpu.memory_space<vmem>>
      %dma_start3A_637 = arith.constant 0 : i32
      %dma_start3A_638 = tpu.memref_slice %arg3[%dma_start3A_637] : memref<1000000xf32, #tpu.memory_space<hbm>> -> memref<1000000xf32, #tpu.memory_space<hbm>>
      tpu.enqueue_indirect_dma source(%dma_start3A_638 : memref<1000000xf32, #tpu.memory_space<hbm>>) target(%dma_start3A_634 : memref<128xf32, #tpu.memory_space<vmem>>) offsets(%dma_start3A_636 : memref<128xi32, #tpu.memory_space<vmem>>) semaphore(%arg33 : memref<!tpu.dma_semaphore, #tpu.memory_space<semaphore_mem>>)
    } else {
    }
    %mul3A_306 = arith.constant 5 : i32
    %mul3A_307 = arith.muli %scan3A, %mul3A_306 : i32
    %add3A_308 = arith.constant 2 : i32
    %add3A_309 = arith.addi %mul3A_307, %add3A_308 : i32
    %dma_wait3A_310 = arith.constant 0 : i32
    %dma_wait3A_311 = tpu.memref_slice %arg2[%dma_wait3A_310] : memref<1000000xf32, #tpu.memory_space<hbm>> -> memref<512xf32, #tpu.memory_space<hbm>>
    %dma_wait3A_312 = arith.constant 0 : i32
    %dma_wait3A_313 = tpu.memref_slice %arg2[%dma_wait3A_312] : memref<1000000xf32, #tpu.memory_space<hbm>> -> memref<512xf32, #tpu.memory_space<hbm>>
    tpu.wait_dma2 semaphore(%arg34 : memref<!tpu.dma_semaphore, #tpu.memory_space<semaphore_mem>>) src(%dma_wait3A_313 : memref<512xf32, #tpu.memory_space<hbm>>) dst(%arg19 : memref<512xf32, #tpu.memory_space<vmem>>)
    %dma_wait3A_314 = arith.constant 0 : i32
    %dma_wait3A_315 = tpu.memref_slice %arg3[%dma_wait3A_314] : memref<1000000xf32, #tpu.memory_space<hbm>> -> memref<512xf32, #tpu.memory_space<hbm>>
    %dma_wait3A_316 = arith.constant 0 : i32
    %dma_wait3A_317 = tpu.memref_slice %arg3[%dma_wait3A_316] : memref<1000000xf32, #tpu.memory_space<hbm>> -> memref<512xf32, #tpu.memory_space<hbm>>
    tpu.wait_dma2 semaphore(%arg34 : memref<!tpu.dma_semaphore, #tpu.memory_space<semaphore_mem>>) src(%dma_wait3A_317 : memref<512xf32, #tpu.memory_space<hbm>>) dst(%arg24 : memref<512xf32, #tpu.memory_space<vmem>>)
    %scan3A_318 = arith.constant 0 : i32
    %scan3A_319 = arith.constant 32 : i32
    %scan3A_320 = arith.addi %scan3A_318, %scan3A_319 : i32
    %scan3A_321 = arith.constant 1 : i32
    scf.for %scan3A_586 = %scan3A_318 to %scan3A_320 step %scan3A_321  : i32 {
      %mul3A_587 = arith.constant 16 : i32
      %mul3A_588 = arith.muli %scan3A_586, %mul3A_587 : i32
      %get3A_589 = arith.index_cast %mul3A_588 : i32 to index
      %get3A_590 = tpu.vector_load %arg19[%get3A_589] {strides = array<i32>} : memref<512xf32, #tpu.memory_space<vmem>>, vector<16xf32>,
      %get3A_591 = vector.shape_cast %get3A_590 : vector<16xf32> to vector<16xf32>
      %get3A_592 = arith.index_cast %mul3A_588 : i32 to index
      %get3A_593 = tpu.vector_load %arg24[%get3A_592] {strides = array<i32>} : memref<512xf32, #tpu.memory_space<vmem>>, vector<16xf32>,
      %get3A_594 = vector.shape_cast %get3A_593 : vector<16xf32> to vector<16xf32>
      %mul3A_595 = arith.mulf %get3A_591, %get3A_594 : vector<16xf32>
      %swap3A_596 = arith.index_cast %mul3A_588 : i32 to index
      %swap3A_597 = tpu.vector_load %arg29[%swap3A_596] {strides = array<i32>} : memref<512xf32, #tpu.memory_space<vmem>>, vector<16xf32>,
      %swap3A_598 = vector.shape_cast %swap3A_597 : vector<16xf32> to vector<16xf32>
      %swap3A_599 = vector.shape_cast %mul3A_595 : vector<16xf32> to vector<16xf32>
      tpu.vector_store %arg29[%swap3A_596], %swap3A_599 {strides = array<i32>} : memref<512xf32, #tpu.memory_space<vmem>>, vector<16xf32>,
    }
    %scan3A_322 = arith.constant 32 : i32
    %mul3A_323 = arith.constant 512 : i32
    %mul3A_324 = arith.muli %add3A_309, %mul3A_323 : i32
    %add3A_325 = arith.addi %mul3A_2, %mul3A_324 : i32
    %dma_start3A_326 = tpu.memref_slice %arg6[%add3A_325] : memref<4000000xf32, #tpu.memory_space<hbm>> -> memref<512xf32, #tpu.memory_space<hbm>>
    %dma_start3A_327 = tpu.memref_slice %arg6[%add3A_325] : memref<4000000xf32, #tpu.memory_space<hbm>> -> memref<512xf32, #tpu.memory_space<hbm>>
    tpu.enqueue_dma source(%arg29 : memref<512xf32, #tpu.memory_space<vmem>>) target(%dma_start3A_327 : memref<512xf32, #tpu.memory_space<hbm>>) target_semaphore(%arg39 : memref<!tpu.dma_semaphore, #tpu.memory_space<semaphore_mem>>)
    %add3A_328 = arith.constant 5 : i32
    %add3A_329 = arith.addi %add3A_309, %add3A_328 : i32
    %lt3A_330 = arith.constant 244 : i32
    %lt3A_331 = arith.cmpi slt, %add3A_329, %lt3A_330 : i32
    %convert_element_type3A_332 = arith.extui %lt3A_331 : i1 to i32
    %cond3A_333 = arith.constant 0 : i32
    %cond3A_334 = arith.cmpi ne, %convert_element_type3A_332, %cond3A_333 : i32
    scf.if %cond3A_334 {
      %add3A_586 = arith.constant 5 : i32
      %add3A_587 = arith.addi %add3A_309, %add3A_586 : i32
      %mul3A_588 = arith.constant 512 : i32
      %mul3A_589 = arith.muli %add3A_587, %mul3A_588 : i32
      %add3A_590 = arith.addi %mul3A_2, %mul3A_589 : i32
      "tpu.region"() ({
        %run_scoped3A = tpu.sem_alloc : memref<!tpu.dma_semaphore, #tpu.memory_space<semaphore_mem>>
        %dma_start3A_639 = tpu.memref_slice %arg4[%add3A_590] : memref<4000000xi32, #tpu.memory_space<hbm>> -> memref<512xi32, #tpu.memory_space<hbm>>
        %dma_start3A_640 = tpu.memref_slice %arg4[%add3A_590] : memref<4000000xi32, #tpu.memory_space<hbm>> -> memref<512xi32, #tpu.memory_space<hbm>>
        tpu.enqueue_dma source(%dma_start3A_640 : memref<512xi32, #tpu.memory_space<hbm>>) target(%arg9 : memref<512xi32, #tpu.memory_space<vmem>>) target_semaphore(%run_scoped3A : memref<!tpu.dma_semaphore, #tpu.memory_space<semaphore_mem>>)
        %dma_wait3A_641 = tpu.memref_slice %arg4[%add3A_590] : memref<4000000xi32, #tpu.memory_space<hbm>> -> memref<512xi32, #tpu.memory_space<hbm>>
        %dma_wait3A_642 = tpu.memref_slice %arg4[%add3A_590] : memref<4000000xi32, #tpu.memory_space<hbm>> -> memref<512xi32, #tpu.memory_space<hbm>>
        tpu.wait_dma2 semaphore(%run_scoped3A : memref<!tpu.dma_semaphore, #tpu.memory_space<semaphore_mem>>) src(%dma_wait3A_642 : memref<512xi32, #tpu.memory_space<hbm>>) dst(%arg9 : memref<512xi32, #tpu.memory_space<vmem>>)
        tpu.yield
      }) : () -> ()
      "tpu.region"() ({
        %run_scoped3A = tpu.sem_alloc : memref<!tpu.dma_semaphore, #tpu.memory_space<semaphore_mem>>
        %dma_start3A_639 = tpu.memref_slice %arg5[%add3A_590] : memref<4000000xi32, #tpu.memory_space<hbm>> -> memref<512xi32, #tpu.memory_space<hbm>>
        %dma_start3A_640 = tpu.memref_slice %arg5[%add3A_590] : memref<4000000xi32, #tpu.memory_space<hbm>> -> memref<512xi32, #tpu.memory_space<hbm>>
        tpu.enqueue_dma source(%dma_start3A_640 : memref<512xi32, #tpu.memory_space<hbm>>) target(%arg14 : memref<512xi32, #tpu.memory_space<vmem>>) target_semaphore(%run_scoped3A : memref<!tpu.dma_semaphore, #tpu.memory_space<semaphore_mem>>)
        %dma_wait3A_641 = tpu.memref_slice %arg5[%add3A_590] : memref<4000000xi32, #tpu.memory_space<hbm>> -> memref<512xi32, #tpu.memory_space<hbm>>
        %dma_wait3A_642 = tpu.memref_slice %arg5[%add3A_590] : memref<4000000xi32, #tpu.memory_space<hbm>> -> memref<512xi32, #tpu.memory_space<hbm>>
        tpu.wait_dma2 semaphore(%run_scoped3A : memref<!tpu.dma_semaphore, #tpu.memory_space<semaphore_mem>>) src(%dma_wait3A_642 : memref<512xi32, #tpu.memory_space<hbm>>) dst(%arg14 : memref<512xi32, #tpu.memory_space<vmem>>)
        tpu.yield
      }) : () -> ()
      %dma_start3A_591 = arith.constant 0 : i32
      %dma_start3A_592 = tpu.memref_slice %arg19[%dma_start3A_591] : memref<512xf32, #tpu.memory_space<vmem>> -> memref<128xf32, #tpu.memory_space<vmem>>
      %dma_start3A_593 = arith.constant 0 : i32
      %dma_start3A_594 = tpu.memref_slice %arg9[%dma_start3A_593] : memref<512xi32, #tpu.memory_space<vmem>> -> memref<128xi32, #tpu.memory_space<vmem>>
      %dma_start3A_595 = arith.constant 0 : i32
      %dma_start3A_596 = tpu.memref_slice %arg2[%dma_start3A_595] : memref<1000000xf32, #tpu.memory_space<hbm>> -> memref<1000000xf32, #tpu.memory_space<hbm>>
      tpu.enqueue_indirect_dma source(%dma_start3A_596 : memref<1000000xf32, #tpu.memory_space<hbm>>) target(%dma_start3A_592 : memref<128xf32, #tpu.memory_space<vmem>>) offsets(%dma_start3A_594 : memref<128xi32, #tpu.memory_space<vmem>>) semaphore(%arg34 : memref<!tpu.dma_semaphore, #tpu.memory_space<semaphore_mem>>)
      %dma_start3A_597 = arith.constant 0 : i32
      %dma_start3A_598 = tpu.memref_slice %arg24[%dma_start3A_597] : memref<512xf32, #tpu.memory_space<vmem>> -> memref<128xf32, #tpu.memory_space<vmem>>
      %dma_start3A_599 = arith.constant 0 : i32
      %dma_start3A_600 = tpu.memref_slice %arg14[%dma_start3A_599] : memref<512xi32, #tpu.memory_space<vmem>> -> memref<128xi32, #tpu.memory_space<vmem>>
      %dma_start3A_601 = arith.constant 0 : i32
      %dma_start3A_602 = tpu.memref_slice %arg3[%dma_start3A_601] : memref<1000000xf32, #tpu.memory_space<hbm>> -> memref<1000000xf32, #tpu.memory_space<hbm>>
      tpu.enqueue_indirect_dma source(%dma_start3A_602 : memref<1000000xf32, #tpu.memory_space<hbm>>) target(%dma_start3A_598 : memref<128xf32, #tpu.memory_space<vmem>>) offsets(%dma_start3A_600 : memref<128xi32, #tpu.memory_space<vmem>>) semaphore(%arg34 : memref<!tpu.dma_semaphore, #tpu.memory_space<semaphore_mem>>)
      %dma_start3A_603 = arith.constant 128 : i32
      %dma_start3A_604 = tpu.memref_slice %arg19[%dma_start3A_603] : memref<512xf32, #tpu.memory_space<vmem>> -> memref<128xf32, #tpu.memory_space<vmem>>
      %dma_start3A_605 = arith.constant 128 : i32
      %dma_start3A_606 = tpu.memref_slice %arg9[%dma_start3A_605] : memref<512xi32, #tpu.memory_space<vmem>> -> memref<128xi32, #tpu.memory_space<vmem>>
      %dma_start3A_607 = arith.constant 0 : i32
      %dma_start3A_608 = tpu.memref_slice %arg2[%dma_start3A_607] : memref<1000000xf32, #tpu.memory_space<hbm>> -> memref<1000000xf32, #tpu.memory_space<hbm>>
      tpu.enqueue_indirect_dma source(%dma_start3A_608 : memref<1000000xf32, #tpu.memory_space<hbm>>) target(%dma_start3A_604 : memref<128xf32, #tpu.memory_space<vmem>>) offsets(%dma_start3A_606 : memref<128xi32, #tpu.memory_space<vmem>>) semaphore(%arg34 : memref<!tpu.dma_semaphore, #tpu.memory_space<semaphore_mem>>)
      %dma_start3A_609 = arith.constant 128 : i32
      %dma_start3A_610 = tpu.memref_slice %arg24[%dma_start3A_609] : memref<512xf32, #tpu.memory_space<vmem>> -> memref<128xf32, #tpu.memory_space<vmem>>
      %dma_start3A_611 = arith.constant 128 : i32
      %dma_start3A_612 = tpu.memref_slice %arg14[%dma_start3A_611] : memref<512xi32, #tpu.memory_space<vmem>> -> memref<128xi32, #tpu.memory_space<vmem>>
      %dma_start3A_613 = arith.constant 0 : i32
      %dma_start3A_614 = tpu.memref_slice %arg3[%dma_start3A_613] : memref<1000000xf32, #tpu.memory_space<hbm>> -> memref<1000000xf32, #tpu.memory_space<hbm>>
      tpu.enqueue_indirect_dma source(%dma_start3A_614 : memref<1000000xf32, #tpu.memory_space<hbm>>) target(%dma_start3A_610 : memref<128xf32, #tpu.memory_space<vmem>>) offsets(%dma_start3A_612 : memref<128xi32, #tpu.memory_space<vmem>>) semaphore(%arg34 : memref<!tpu.dma_semaphore, #tpu.memory_space<semaphore_mem>>)
      %dma_start3A_615 = arith.constant 256 : i32
      %dma_start3A_616 = tpu.memref_slice %arg19[%dma_start3A_615] : memref<512xf32, #tpu.memory_space<vmem>> -> memref<128xf32, #tpu.memory_space<vmem>>
      %dma_start3A_617 = arith.constant 256 : i32
      %dma_start3A_618 = tpu.memref_slice %arg9[%dma_start3A_617] : memref<512xi32, #tpu.memory_space<vmem>> -> memref<128xi32, #tpu.memory_space<vmem>>
      %dma_start3A_619 = arith.constant 0 : i32
      %dma_start3A_620 = tpu.memref_slice %arg2[%dma_start3A_619] : memref<1000000xf32, #tpu.memory_space<hbm>> -> memref<1000000xf32, #tpu.memory_space<hbm>>
      tpu.enqueue_indirect_dma source(%dma_start3A_620 : memref<1000000xf32, #tpu.memory_space<hbm>>) target(%dma_start3A_616 : memref<128xf32, #tpu.memory_space<vmem>>) offsets(%dma_start3A_618 : memref<128xi32, #tpu.memory_space<vmem>>) semaphore(%arg34 : memref<!tpu.dma_semaphore, #tpu.memory_space<semaphore_mem>>)
      %dma_start3A_621 = arith.constant 256 : i32
      %dma_start3A_622 = tpu.memref_slice %arg24[%dma_start3A_621] : memref<512xf32, #tpu.memory_space<vmem>> -> memref<128xf32, #tpu.memory_space<vmem>>
      %dma_start3A_623 = arith.constant 256 : i32
      %dma_start3A_624 = tpu.memref_slice %arg14[%dma_start3A_623] : memref<512xi32, #tpu.memory_space<vmem>> -> memref<128xi32, #tpu.memory_space<vmem>>
      %dma_start3A_625 = arith.constant 0 : i32
      %dma_start3A_626 = tpu.memref_slice %arg3[%dma_start3A_625] : memref<1000000xf32, #tpu.memory_space<hbm>> -> memref<1000000xf32, #tpu.memory_space<hbm>>
      tpu.enqueue_indirect_dma source(%dma_start3A_626 : memref<1000000xf32, #tpu.memory_space<hbm>>) target(%dma_start3A_622 : memref<128xf32, #tpu.memory_space<vmem>>) offsets(%dma_start3A_624 : memref<128xi32, #tpu.memory_space<vmem>>) semaphore(%arg34 : memref<!tpu.dma_semaphore, #tpu.memory_space<semaphore_mem>>)
      %dma_start3A_627 = arith.constant 384 : i32
      %dma_start3A_628 = tpu.memref_slice %arg19[%dma_start3A_627] : memref<512xf32, #tpu.memory_space<vmem>> -> memref<128xf32, #tpu.memory_space<vmem>>
      %dma_start3A_629 = arith.constant 384 : i32
      %dma_start3A_630 = tpu.memref_slice %arg9[%dma_start3A_629] : memref<512xi32, #tpu.memory_space<vmem>> -> memref<128xi32, #tpu.memory_space<vmem>>
      %dma_start3A_631 = arith.constant 0 : i32
      %dma_start3A_632 = tpu.memref_slice %arg2[%dma_start3A_631] : memref<1000000xf32, #tpu.memory_space<hbm>> -> memref<1000000xf32, #tpu.memory_space<hbm>>
      tpu.enqueue_indirect_dma source(%dma_start3A_632 : memref<1000000xf32, #tpu.memory_space<hbm>>) target(%dma_start3A_628 : memref<128xf32, #tpu.memory_space<vmem>>) offsets(%dma_start3A_630 : memref<128xi32, #tpu.memory_space<vmem>>) semaphore(%arg34 : memref<!tpu.dma_semaphore, #tpu.memory_space<semaphore_mem>>)
      %dma_start3A_633 = arith.constant 384 : i32
      %dma_start3A_634 = tpu.memref_slice %arg24[%dma_start3A_633] : memref<512xf32, #tpu.memory_space<vmem>> -> memref<128xf32, #tpu.memory_space<vmem>>
      %dma_start3A_635 = arith.constant 384 : i32
      %dma_start3A_636 = tpu.memref_slice %arg14[%dma_start3A_635] : memref<512xi32, #tpu.memory_space<vmem>> -> memref<128xi32, #tpu.memory_space<vmem>>
      %dma_start3A_637 = arith.constant 0 : i32
      %dma_start3A_638 = tpu.memref_slice %arg3[%dma_start3A_637] : memref<1000000xf32, #tpu.memory_space<hbm>> -> memref<1000000xf32, #tpu.memory_space<hbm>>
      tpu.enqueue_indirect_dma source(%dma_start3A_638 : memref<1000000xf32, #tpu.memory_space<hbm>>) target(%dma_start3A_634 : memref<128xf32, #tpu.memory_space<vmem>>) offsets(%dma_start3A_636 : memref<128xi32, #tpu.memory_space<vmem>>) semaphore(%arg34 : memref<!tpu.dma_semaphore, #tpu.memory_space<semaphore_mem>>)
    } else {
    }
    %mul3A_335 = arith.constant 5 : i32
    %mul3A_336 = arith.muli %scan3A, %mul3A_335 : i32
    %add3A_337 = arith.constant 3 : i32
    %add3A_338 = arith.addi %mul3A_336, %add3A_337 : i32
    %dma_wait3A_339 = arith.constant 0 : i32
    %dma_wait3A_340 = tpu.memref_slice %arg2[%dma_wait3A_339] : memref<1000000xf32, #tpu.memory_space<hbm>> -> memref<512xf32, #tpu.memory_space<hbm>>
    %dma_wait3A_341 = arith.constant 0 : i32
    %dma_wait3A_342 = tpu.memref_slice %arg2[%dma_wait3A_341] : memref<1000000xf32, #tpu.memory_space<hbm>> -> memref<512xf32, #tpu.memory_space<hbm>>
    tpu.wait_dma2 semaphore(%arg35 : memref<!tpu.dma_semaphore, #tpu.memory_space<semaphore_mem>>) src(%dma_wait3A_342 : memref<512xf32, #tpu.memory_space<hbm>>) dst(%arg20 : memref<512xf32, #tpu.memory_space<vmem>>)
    %dma_wait3A_343 = arith.constant 0 : i32
    %dma_wait3A_344 = tpu.memref_slice %arg3[%dma_wait3A_343] : memref<1000000xf32, #tpu.memory_space<hbm>> -> memref<512xf32, #tpu.memory_space<hbm>>
    %dma_wait3A_345 = arith.constant 0 : i32
    %dma_wait3A_346 = tpu.memref_slice %arg3[%dma_wait3A_345] : memref<1000000xf32, #tpu.memory_space<hbm>> -> memref<512xf32, #tpu.memory_space<hbm>>
    tpu.wait_dma2 semaphore(%arg35 : memref<!tpu.dma_semaphore, #tpu.memory_space<semaphore_mem>>) src(%dma_wait3A_346 : memref<512xf32, #tpu.memory_space<hbm>>) dst(%arg25 : memref<512xf32, #tpu.memory_space<vmem>>)
    %scan3A_347 = arith.constant 0 : i32
    %scan3A_348 = arith.constant 32 : i32
    %scan3A_349 = arith.addi %scan3A_347, %scan3A_348 : i32
    %scan3A_350 = arith.constant 1 : i32
    scf.for %scan3A_586 = %scan3A_347 to %scan3A_349 step %scan3A_350  : i32 {
      %mul3A_587 = arith.constant 16 : i32
      %mul3A_588 = arith.muli %scan3A_586, %mul3A_587 : i32
      %get3A_589 = arith.index_cast %mul3A_588 : i32 to index
      %get3A_590 = tpu.vector_load %arg20[%get3A_589] {strides = array<i32>} : memref<512xf32, #tpu.memory_space<vmem>>, vector<16xf32>,
      %get3A_591 = vector.shape_cast %get3A_590 : vector<16xf32> to vector<16xf32>
      %get3A_592 = arith.index_cast %mul3A_588 : i32 to index
      %get3A_593 = tpu.vector_load %arg25[%get3A_592] {strides = array<i32>} : memref<512xf32, #tpu.memory_space<vmem>>, vector<16xf32>,
      %get3A_594 = vector.shape_cast %get3A_593 : vector<16xf32> to vector<16xf32>
      %mul3A_595 = arith.mulf %get3A_591, %get3A_594 : vector<16xf32>
      %swap3A_596 = arith.index_cast %mul3A_588 : i32 to index
      %swap3A_597 = tpu.vector_load %arg30[%swap3A_596] {strides = array<i32>} : memref<512xf32, #tpu.memory_space<vmem>>, vector<16xf32>,
      %swap3A_598 = vector.shape_cast %swap3A_597 : vector<16xf32> to vector<16xf32>
      %swap3A_599 = vector.shape_cast %mul3A_595 : vector<16xf32> to vector<16xf32>
      tpu.vector_store %arg30[%swap3A_596], %swap3A_599 {strides = array<i32>} : memref<512xf32, #tpu.memory_space<vmem>>, vector<16xf32>,
    }
    %scan3A_351 = arith.constant 32 : i32
    %mul3A_352 = arith.constant 512 : i32
    %mul3A_353 = arith.muli %add3A_338, %mul3A_352 : i32
    %add3A_354 = arith.addi %mul3A_2, %mul3A_353 : i32
    %dma_start3A_355 = tpu.memref_slice %arg6[%add3A_354] : memref<4000000xf32, #tpu.memory_space<hbm>> -> memref<512xf32, #tpu.memory_space<hbm>>
    %dma_start3A_356 = tpu.memref_slice %arg6[%add3A_354] : memref<4000000xf32, #tpu.memory_space<hbm>> -> memref<512xf32, #tpu.memory_space<hbm>>
    tpu.enqueue_dma source(%arg30 : memref<512xf32, #tpu.memory_space<vmem>>) target(%dma_start3A_356 : memref<512xf32, #tpu.memory_space<hbm>>) target_semaphore(%arg40 : memref<!tpu.dma_semaphore, #tpu.memory_space<semaphore_mem>>)
    %add3A_357 = arith.constant 5 : i32
    %add3A_358 = arith.addi %add3A_338, %add3A_357 : i32
    %lt3A_359 = arith.constant 244 : i32
    %lt3A_360 = arith.cmpi slt, %add3A_358, %lt3A_359 : i32
    %convert_element_type3A_361 = arith.extui %lt3A_360 : i1 to i32
    %cond3A_362 = arith.constant 0 : i32
    %cond3A_363 = arith.cmpi ne, %convert_element_type3A_361, %cond3A_362 : i32
    scf.if %cond3A_363 {
      %add3A_586 = arith.constant 5 : i32
      %add3A_587 = arith.addi %add3A_338, %add3A_586 : i32
      %mul3A_588 = arith.constant 512 : i32
      %mul3A_589 = arith.muli %add3A_587, %mul3A_588 : i32
      %add3A_590 = arith.addi %mul3A_2, %mul3A_589 : i32
      "tpu.region"() ({
        %run_scoped3A = tpu.sem_alloc : memref<!tpu.dma_semaphore, #tpu.memory_space<semaphore_mem>>
        %dma_start3A_639 = tpu.memref_slice %arg4[%add3A_590] : memref<4000000xi32, #tpu.memory_space<hbm>> -> memref<512xi32, #tpu.memory_space<hbm>>
        %dma_start3A_640 = tpu.memref_slice %arg4[%add3A_590] : memref<4000000xi32, #tpu.memory_space<hbm>> -> memref<512xi32, #tpu.memory_space<hbm>>
        tpu.enqueue_dma source(%dma_start3A_640 : memref<512xi32, #tpu.memory_space<hbm>>) target(%arg10 : memref<512xi32, #tpu.memory_space<vmem>>) target_semaphore(%run_scoped3A : memref<!tpu.dma_semaphore, #tpu.memory_space<semaphore_mem>>)
        %dma_wait3A_641 = tpu.memref_slice %arg4[%add3A_590] : memref<4000000xi32, #tpu.memory_space<hbm>> -> memref<512xi32, #tpu.memory_space<hbm>>
        %dma_wait3A_642 = tpu.memref_slice %arg4[%add3A_590] : memref<4000000xi32, #tpu.memory_space<hbm>> -> memref<512xi32, #tpu.memory_space<hbm>>
        tpu.wait_dma2 semaphore(%run_scoped3A : memref<!tpu.dma_semaphore, #tpu.memory_space<semaphore_mem>>) src(%dma_wait3A_642 : memref<512xi32, #tpu.memory_space<hbm>>) dst(%arg10 : memref<512xi32, #tpu.memory_space<vmem>>)
        tpu.yield
      }) : () -> ()
      "tpu.region"() ({
        %run_scoped3A = tpu.sem_alloc : memref<!tpu.dma_semaphore, #tpu.memory_space<semaphore_mem>>
        %dma_start3A_639 = tpu.memref_slice %arg5[%add3A_590] : memref<4000000xi32, #tpu.memory_space<hbm>> -> memref<512xi32, #tpu.memory_space<hbm>>
        %dma_start3A_640 = tpu.memref_slice %arg5[%add3A_590] : memref<4000000xi32, #tpu.memory_space<hbm>> -> memref<512xi32, #tpu.memory_space<hbm>>
        tpu.enqueue_dma source(%dma_start3A_640 : memref<512xi32, #tpu.memory_space<hbm>>) target(%arg15 : memref<512xi32, #tpu.memory_space<vmem>>) target_semaphore(%run_scoped3A : memref<!tpu.dma_semaphore, #tpu.memory_space<semaphore_mem>>)
        %dma_wait3A_641 = tpu.memref_slice %arg5[%add3A_590] : memref<4000000xi32, #tpu.memory_space<hbm>> -> memref<512xi32, #tpu.memory_space<hbm>>
        %dma_wait3A_642 = tpu.memref_slice %arg5[%add3A_590] : memref<4000000xi32, #tpu.memory_space<hbm>> -> memref<512xi32, #tpu.memory_space<hbm>>
        tpu.wait_dma2 semaphore(%run_scoped3A : memref<!tpu.dma_semaphore, #tpu.memory_space<semaphore_mem>>) src(%dma_wait3A_642 : memref<512xi32, #tpu.memory_space<hbm>>) dst(%arg15 : memref<512xi32, #tpu.memory_space<vmem>>)
        tpu.yield
      }) : () -> ()
      %dma_start3A_591 = arith.constant 0 : i32
      %dma_start3A_592 = tpu.memref_slice %arg20[%dma_start3A_591] : memref<512xf32, #tpu.memory_space<vmem>> -> memref<128xf32, #tpu.memory_space<vmem>>
      %dma_start3A_593 = arith.constant 0 : i32
      %dma_start3A_594 = tpu.memref_slice %arg10[%dma_start3A_593] : memref<512xi32, #tpu.memory_space<vmem>> -> memref<128xi32, #tpu.memory_space<vmem>>
      %dma_start3A_595 = arith.constant 0 : i32
      %dma_start3A_596 = tpu.memref_slice %arg2[%dma_start3A_595] : memref<1000000xf32, #tpu.memory_space<hbm>> -> memref<1000000xf32, #tpu.memory_space<hbm>>
      tpu.enqueue_indirect_dma source(%dma_start3A_596 : memref<1000000xf32, #tpu.memory_space<hbm>>) target(%dma_start3A_592 : memref<128xf32, #tpu.memory_space<vmem>>) offsets(%dma_start3A_594 : memref<128xi32, #tpu.memory_space<vmem>>) semaphore(%arg35 : memref<!tpu.dma_semaphore, #tpu.memory_space<semaphore_mem>>)
      %dma_start3A_597 = arith.constant 0 : i32
      %dma_start3A_598 = tpu.memref_slice %arg25[%dma_start3A_597] : memref<512xf32, #tpu.memory_space<vmem>> -> memref<128xf32, #tpu.memory_space<vmem>>
      %dma_start3A_599 = arith.constant 0 : i32
      %dma_start3A_600 = tpu.memref_slice %arg15[%dma_start3A_599] : memref<512xi32, #tpu.memory_space<vmem>> -> memref<128xi32, #tpu.memory_space<vmem>>
      %dma_start3A_601 = arith.constant 0 : i32
      %dma_start3A_602 = tpu.memref_slice %arg3[%dma_start3A_601] : memref<1000000xf32, #tpu.memory_space<hbm>> -> memref<1000000xf32, #tpu.memory_space<hbm>>
      tpu.enqueue_indirect_dma source(%dma_start3A_602 : memref<1000000xf32, #tpu.memory_space<hbm>>) target(%dma_start3A_598 : memref<128xf32, #tpu.memory_space<vmem>>) offsets(%dma_start3A_600 : memref<128xi32, #tpu.memory_space<vmem>>) semaphore(%arg35 : memref<!tpu.dma_semaphore, #tpu.memory_space<semaphore_mem>>)
      %dma_start3A_603 = arith.constant 128 : i32
      %dma_start3A_604 = tpu.memref_slice %arg20[%dma_start3A_603] : memref<512xf32, #tpu.memory_space<vmem>> -> memref<128xf32, #tpu.memory_space<vmem>>
      %dma_start3A_605 = arith.constant 128 : i32
      %dma_start3A_606 = tpu.memref_slice %arg10[%dma_start3A_605] : memref<512xi32, #tpu.memory_space<vmem>> -> memref<128xi32, #tpu.memory_space<vmem>>
      %dma_start3A_607 = arith.constant 0 : i32
      %dma_start3A_608 = tpu.memref_slice %arg2[%dma_start3A_607] : memref<1000000xf32, #tpu.memory_space<hbm>> -> memref<1000000xf32, #tpu.memory_space<hbm>>
      tpu.enqueue_indirect_dma source(%dma_start3A_608 : memref<1000000xf32, #tpu.memory_space<hbm>>) target(%dma_start3A_604 : memref<128xf32, #tpu.memory_space<vmem>>) offsets(%dma_start3A_606 : memref<128xi32, #tpu.memory_space<vmem>>) semaphore(%arg35 : memref<!tpu.dma_semaphore, #tpu.memory_space<semaphore_mem>>)
      %dma_start3A_609 = arith.constant 128 : i32
      %dma_start3A_610 = tpu.memref_slice %arg25[%dma_start3A_609] : memref<512xf32, #tpu.memory_space<vmem>> -> memref<128xf32, #tpu.memory_space<vmem>>
      %dma_start3A_611 = arith.constant 128 : i32
      %dma_start3A_612 = tpu.memref_slice %arg15[%dma_start3A_611] : memref<512xi32, #tpu.memory_space<vmem>> -> memref<128xi32, #tpu.memory_space<vmem>>
      %dma_start3A_613 = arith.constant 0 : i32
      %dma_start3A_614 = tpu.memref_slice %arg3[%dma_start3A_613] : memref<1000000xf32, #tpu.memory_space<hbm>> -> memref<1000000xf32, #tpu.memory_space<hbm>>
      tpu.enqueue_indirect_dma source(%dma_start3A_614 : memref<1000000xf32, #tpu.memory_space<hbm>>) target(%dma_start3A_610 : memref<128xf32, #tpu.memory_space<vmem>>) offsets(%dma_start3A_612 : memref<128xi32, #tpu.memory_space<vmem>>) semaphore(%arg35 : memref<!tpu.dma_semaphore, #tpu.memory_space<semaphore_mem>>)
      %dma_start3A_615 = arith.constant 256 : i32
      %dma_start3A_616 = tpu.memref_slice %arg20[%dma_start3A_615] : memref<512xf32, #tpu.memory_space<vmem>> -> memref<128xf32, #tpu.memory_space<vmem>>
      %dma_start3A_617 = arith.constant 256 : i32
      %dma_start3A_618 = tpu.memref_slice %arg10[%dma_start3A_617] : memref<512xi32, #tpu.memory_space<vmem>> -> memref<128xi32, #tpu.memory_space<vmem>>
      %dma_start3A_619 = arith.constant 0 : i32
      %dma_start3A_620 = tpu.memref_slice %arg2[%dma_start3A_619] : memref<1000000xf32, #tpu.memory_space<hbm>> -> memref<1000000xf32, #tpu.memory_space<hbm>>
      tpu.enqueue_indirect_dma source(%dma_start3A_620 : memref<1000000xf32, #tpu.memory_space<hbm>>) target(%dma_start3A_616 : memref<128xf32, #tpu.memory_space<vmem>>) offsets(%dma_start3A_618 : memref<128xi32, #tpu.memory_space<vmem>>) semaphore(%arg35 : memref<!tpu.dma_semaphore, #tpu.memory_space<semaphore_mem>>)
      %dma_start3A_621 = arith.constant 256 : i32
      %dma_start3A_622 = tpu.memref_slice %arg25[%dma_start3A_621] : memref<512xf32, #tpu.memory_space<vmem>> -> memref<128xf32, #tpu.memory_space<vmem>>
      %dma_start3A_623 = arith.constant 256 : i32
      %dma_start3A_624 = tpu.memref_slice %arg15[%dma_start3A_623] : memref<512xi32, #tpu.memory_space<vmem>> -> memref<128xi32, #tpu.memory_space<vmem>>
      %dma_start3A_625 = arith.constant 0 : i32
      %dma_start3A_626 = tpu.memref_slice %arg3[%dma_start3A_625] : memref<1000000xf32, #tpu.memory_space<hbm>> -> memref<1000000xf32, #tpu.memory_space<hbm>>
      tpu.enqueue_indirect_dma source(%dma_start3A_626 : memref<1000000xf32, #tpu.memory_space<hbm>>) target(%dma_start3A_622 : memref<128xf32, #tpu.memory_space<vmem>>) offsets(%dma_start3A_624 : memref<128xi32, #tpu.memory_space<vmem>>) semaphore(%arg35 : memref<!tpu.dma_semaphore, #tpu.memory_space<semaphore_mem>>)
      %dma_start3A_627 = arith.constant 384 : i32
      %dma_start3A_628 = tpu.memref_slice %arg20[%dma_start3A_627] : memref<512xf32, #tpu.memory_space<vmem>> -> memref<128xf32, #tpu.memory_space<vmem>>
      %dma_start3A_629 = arith.constant 384 : i32
      %dma_start3A_630 = tpu.memref_slice %arg10[%dma_start3A_629] : memref<512xi32, #tpu.memory_space<vmem>> -> memref<128xi32, #tpu.memory_space<vmem>>
      %dma_start3A_631 = arith.constant 0 : i32
      %dma_start3A_632 = tpu.memref_slice %arg2[%dma_start3A_631] : memref<1000000xf32, #tpu.memory_space<hbm>> -> memref<1000000xf32, #tpu.memory_space<hbm>>
      tpu.enqueue_indirect_dma source(%dma_start3A_632 : memref<1000000xf32, #tpu.memory_space<hbm>>) target(%dma_start3A_628 : memref<128xf32, #tpu.memory_space<vmem>>) offsets(%dma_start3A_630 : memref<128xi32, #tpu.memory_space<vmem>>) semaphore(%arg35 : memref<!tpu.dma_semaphore, #tpu.memory_space<semaphore_mem>>)
      %dma_start3A_633 = arith.constant 384 : i32
      %dma_start3A_634 = tpu.memref_slice %arg25[%dma_start3A_633] : memref<512xf32, #tpu.memory_space<vmem>> -> memref<128xf32, #tpu.memory_space<vmem>>
      %dma_start3A_635 = arith.constant 384 : i32
      %dma_start3A_636 = tpu.memref_slice %arg15[%dma_start3A_635] : memref<512xi32, #tpu.memory_space<vmem>> -> memref<128xi32, #tpu.memory_space<vmem>>
      %dma_start3A_637 = arith.constant 0 : i32
      %dma_start3A_638 = tpu.memref_slice %arg3[%dma_start3A_637] : memref<1000000xf32, #tpu.memory_space<hbm>> -> memref<1000000xf32, #tpu.memory_space<hbm>>
      tpu.enqueue_indirect_dma source(%dma_start3A_638 : memref<1000000xf32, #tpu.memory_space<hbm>>) target(%dma_start3A_634 : memref<128xf32, #tpu.memory_space<vmem>>) offsets(%dma_start3A_636 : memref<128xi32, #tpu.memory_space<vmem>>) semaphore(%arg35 : memref<!tpu.dma_semaphore, #tpu.memory_space<semaphore_mem>>)
    } else {
    }
    %mul3A_364 = arith.constant 5 : i32
    %mul3A_365 = arith.muli %scan3A, %mul3A_364 : i32
    %add3A_366 = arith.constant 4 : i32
    %add3A_367 = arith.addi %mul3A_365, %add3A_366 : i32
    %dma_wait3A_368 = arith.constant 0 : i32
    %dma_wait3A_369 = tpu.memref_slice %arg2[%dma_wait3A_368] : memref<1000000xf32, #tpu.memory_space<hbm>> -> memref<512xf32, #tpu.memory_space<hbm>>
    %dma_wait3A_370 = arith.constant 0 : i32
    %dma_wait3A_371 = tpu.memref_slice %arg2[%dma_wait3A_370] : memref<1000000xf32, #tpu.memory_space<hbm>> -> memref<512xf32, #tpu.memory_space<hbm>>
    tpu.wait_dma2 semaphore(%arg36 : memref<!tpu.dma_semaphore, #tpu.memory_space<semaphore_mem>>) src(%dma_wait3A_371 : memref<512xf32, #tpu.memory_space<hbm>>) dst(%arg21 : memref<512xf32, #tpu.memory_space<vmem>>)
    %dma_wait3A_372 = arith.constant 0 : i32
    %dma_wait3A_373 = tpu.memref_slice %arg3[%dma_wait3A_372] : memref<1000000xf32, #tpu.memory_space<hbm>> -> memref<512xf32, #tpu.memory_space<hbm>>
    %dma_wait3A_374 = arith.constant 0 : i32
    %dma_wait3A_375 = tpu.memref_slice %arg3[%dma_wait3A_374] : memref<1000000xf32, #tpu.memory_space<hbm>> -> memref<512xf32, #tpu.memory_space<hbm>>
    tpu.wait_dma2 semaphore(%arg36 : memref<!tpu.dma_semaphore, #tpu.memory_space<semaphore_mem>>) src(%dma_wait3A_375 : memref<512xf32, #tpu.memory_space<hbm>>) dst(%arg26 : memref<512xf32, #tpu.memory_space<vmem>>)
    %scan3A_376 = arith.constant 0 : i32
    %scan3A_377 = arith.constant 32 : i32
    %scan3A_378 = arith.addi %scan3A_376, %scan3A_377 : i32
    %scan3A_379 = arith.constant 1 : i32
    scf.for %scan3A_586 = %scan3A_376 to %scan3A_378 step %scan3A_379  : i32 {
      %mul3A_587 = arith.constant 16 : i32
      %mul3A_588 = arith.muli %scan3A_586, %mul3A_587 : i32
      %get3A_589 = arith.index_cast %mul3A_588 : i32 to index
      %get3A_590 = tpu.vector_load %arg21[%get3A_589] {strides = array<i32>} : memref<512xf32, #tpu.memory_space<vmem>>, vector<16xf32>,
      %get3A_591 = vector.shape_cast %get3A_590 : vector<16xf32> to vector<16xf32>
      %get3A_592 = arith.index_cast %mul3A_588 : i32 to index
      %get3A_593 = tpu.vector_load %arg26[%get3A_592] {strides = array<i32>} : memref<512xf32, #tpu.memory_space<vmem>>, vector<16xf32>,
      %get3A_594 = vector.shape_cast %get3A_593 : vector<16xf32> to vector<16xf32>
      %mul3A_595 = arith.mulf %get3A_591, %get3A_594 : vector<16xf32>
      %swap3A_596 = arith.index_cast %mul3A_588 : i32 to index
      %swap3A_597 = tpu.vector_load %arg31[%swap3A_596] {strides = array<i32>} : memref<512xf32, #tpu.memory_space<vmem>>, vector<16xf32>,
      %swap3A_598 = vector.shape_cast %swap3A_597 : vector<16xf32> to vector<16xf32>
      %swap3A_599 = vector.shape_cast %mul3A_595 : vector<16xf32> to vector<16xf32>
      tpu.vector_store %arg31[%swap3A_596], %swap3A_599 {strides = array<i32>} : memref<512xf32, #tpu.memory_space<vmem>>, vector<16xf32>,
    }
    %scan3A_380 = arith.constant 32 : i32
    %mul3A_381 = arith.constant 512 : i32
    %mul3A_382 = arith.muli %add3A_367, %mul3A_381 : i32
    %add3A_383 = arith.addi %mul3A_2, %mul3A_382 : i32
    %dma_start3A_384 = tpu.memref_slice %arg6[%add3A_383] : memref<4000000xf32, #tpu.memory_space<hbm>> -> memref<512xf32, #tpu.memory_space<hbm>>
    %dma_start3A_385 = tpu.memref_slice %arg6[%add3A_383] : memref<4000000xf32, #tpu.memory_space<hbm>> -> memref<512xf32, #tpu.memory_space<hbm>>
    tpu.enqueue_dma source(%arg31 : memref<512xf32, #tpu.memory_space<vmem>>) target(%dma_start3A_385 : memref<512xf32, #tpu.memory_space<hbm>>) target_semaphore(%arg41 : memref<!tpu.dma_semaphore, #tpu.memory_space<semaphore_mem>>)
    %add3A_386 = arith.constant 5 : i32
    %add3A_387 = arith.addi %add3A_367, %add3A_386 : i32
    %lt3A_388 = arith.constant 244 : i32
    %lt3A_389 = arith.cmpi slt, %add3A_387, %lt3A_388 : i32
    %convert_element_type3A_390 = arith.extui %lt3A_389 : i1 to i32
    %cond3A_391 = arith.constant 0 : i32
    %cond3A_392 = arith.cmpi ne, %convert_element_type3A_390, %cond3A_391 : i32
    scf.if %cond3A_392 {
      %add3A_586 = arith.constant 5 : i32
      %add3A_587 = arith.addi %add3A_367, %add3A_586 : i32
      %mul3A_588 = arith.constant 512 : i32
      %mul3A_589 = arith.muli %add3A_587, %mul3A_588 : i32
      %add3A_590 = arith.addi %mul3A_2, %mul3A_589 : i32
      "tpu.region"() ({
        %run_scoped3A = tpu.sem_alloc : memref<!tpu.dma_semaphore, #tpu.memory_space<semaphore_mem>>
        %dma_start3A_639 = tpu.memref_slice %arg4[%add3A_590] : memref<4000000xi32, #tpu.memory_space<hbm>> -> memref<512xi32, #tpu.memory_space<hbm>>
        %dma_start3A_640 = tpu.memref_slice %arg4[%add3A_590] : memref<4000000xi32, #tpu.memory_space<hbm>> -> memref<512xi32, #tpu.memory_space<hbm>>
        tpu.enqueue_dma source(%dma_start3A_640 : memref<512xi32, #tpu.memory_space<hbm>>) target(%arg11 : memref<512xi32, #tpu.memory_space<vmem>>) target_semaphore(%run_scoped3A : memref<!tpu.dma_semaphore, #tpu.memory_space<semaphore_mem>>)
        %dma_wait3A_641 = tpu.memref_slice %arg4[%add3A_590] : memref<4000000xi32, #tpu.memory_space<hbm>> -> memref<512xi32, #tpu.memory_space<hbm>>
        %dma_wait3A_642 = tpu.memref_slice %arg4[%add3A_590] : memref<4000000xi32, #tpu.memory_space<hbm>> -> memref<512xi32, #tpu.memory_space<hbm>>
        tpu.wait_dma2 semaphore(%run_scoped3A : memref<!tpu.dma_semaphore, #tpu.memory_space<semaphore_mem>>) src(%dma_wait3A_642 : memref<512xi32, #tpu.memory_space<hbm>>) dst(%arg11 : memref<512xi32, #tpu.memory_space<vmem>>)
        tpu.yield
      }) : () -> ()
      "tpu.region"() ({
        %run_scoped3A = tpu.sem_alloc : memref<!tpu.dma_semaphore, #tpu.memory_space<semaphore_mem>>
        %dma_start3A_639 = tpu.memref_slice %arg5[%add3A_590] : memref<4000000xi32, #tpu.memory_space<hbm>> -> memref<512xi32, #tpu.memory_space<hbm>>
        %dma_start3A_640 = tpu.memref_slice %arg5[%add3A_590] : memref<4000000xi32, #tpu.memory_space<hbm>> -> memref<512xi32, #tpu.memory_space<hbm>>
        tpu.enqueue_dma source(%dma_start3A_640 : memref<512xi32, #tpu.memory_space<hbm>>) target(%arg16 : memref<512xi32, #tpu.memory_space<vmem>>) target_semaphore(%run_scoped3A : memref<!tpu.dma_semaphore, #tpu.memory_space<semaphore_mem>>)
        %dma_wait3A_641 = tpu.memref_slice %arg5[%add3A_590] : memref<4000000xi32, #tpu.memory_space<hbm>> -> memref<512xi32, #tpu.memory_space<hbm>>
        %dma_wait3A_642 = tpu.memref_slice %arg5[%add3A_590] : memref<4000000xi32, #tpu.memory_space<hbm>> -> memref<512xi32, #tpu.memory_space<hbm>>
        tpu.wait_dma2 semaphore(%run_scoped3A : memref<!tpu.dma_semaphore, #tpu.memory_space<semaphore_mem>>) src(%dma_wait3A_642 : memref<512xi32, #tpu.memory_space<hbm>>) dst(%arg16 : memref<512xi32, #tpu.memory_space<vmem>>)
        tpu.yield
      }) : () -> ()
      %dma_start3A_591 = arith.constant 0 : i32
      %dma_start3A_592 = tpu.memref_slice %arg21[%dma_start3A_591] : memref<512xf32, #tpu.memory_space<vmem>> -> memref<128xf32, #tpu.memory_space<vmem>>
      %dma_start3A_593 = arith.constant 0 : i32
      %dma_start3A_594 = tpu.memref_slice %arg11[%dma_start3A_593] : memref<512xi32, #tpu.memory_space<vmem>> -> memref<128xi32, #tpu.memory_space<vmem>>
      %dma_start3A_595 = arith.constant 0 : i32
      %dma_start3A_596 = tpu.memref_slice %arg2[%dma_start3A_595] : memref<1000000xf32, #tpu.memory_space<hbm>> -> memref<1000000xf32, #tpu.memory_space<hbm>>
      tpu.enqueue_indirect_dma source(%dma_start3A_596 : memref<1000000xf32, #tpu.memory_space<hbm>>) target(%dma_start3A_592 : memref<128xf32, #tpu.memory_space<vmem>>) offsets(%dma_start3A_594 : memref<128xi32, #tpu.memory_space<vmem>>) semaphore(%arg36 : memref<!tpu.dma_semaphore, #tpu.memory_space<semaphore_mem>>)
      %dma_start3A_597 = arith.constant 0 : i32
      %dma_start3A_598 = tpu.memref_slice %arg26[%dma_start3A_597] : memref<512xf32, #tpu.memory_space<vmem>> -> memref<128xf32, #tpu.memory_space<vmem>>
      %dma_start3A_599 = arith.constant 0 : i32
      %dma_start3A_600 = tpu.memref_slice %arg16[%dma_start3A_599] : memref<512xi32, #tpu.memory_space<vmem>> -> memref<128xi32, #tpu.memory_space<vmem>>
      %dma_start3A_601 = arith.constant 0 : i32
      %dma_start3A_602 = tpu.memref_slice %arg3[%dma_start3A_601] : memref<1000000xf32, #tpu.memory_space<hbm>> -> memref<1000000xf32, #tpu.memory_space<hbm>>
      tpu.enqueue_indirect_dma source(%dma_start3A_602 : memref<1000000xf32, #tpu.memory_space<hbm>>) target(%dma_start3A_598 : memref<128xf32, #tpu.memory_space<vmem>>) offsets(%dma_start3A_600 : memref<128xi32, #tpu.memory_space<vmem>>) semaphore(%arg36 : memref<!tpu.dma_semaphore, #tpu.memory_space<semaphore_mem>>)
      %dma_start3A_603 = arith.constant 128 : i32
      %dma_start3A_604 = tpu.memref_slice %arg21[%dma_start3A_603] : memref<512xf32, #tpu.memory_space<vmem>> -> memref<128xf32, #tpu.memory_space<vmem>>
      %dma_start3A_605 = arith.constant 128 : i32
      %dma_start3A_606 = tpu.memref_slice %arg11[%dma_start3A_605] : memref<512xi32, #tpu.memory_space<vmem>> -> memref<128xi32, #tpu.memory_space<vmem>>
      %dma_start3A_607 = arith.constant 0 : i32
      %dma_start3A_608 = tpu.memref_slice %arg2[%dma_start3A_607] : memref<1000000xf32, #tpu.memory_space<hbm>> -> memref<1000000xf32, #tpu.memory_space<hbm>>
      tpu.enqueue_indirect_dma source(%dma_start3A_608 : memref<1000000xf32, #tpu.memory_space<hbm>>) target(%dma_start3A_604 : memref<128xf32, #tpu.memory_space<vmem>>) offsets(%dma_start3A_606 : memref<128xi32, #tpu.memory_space<vmem>>) semaphore(%arg36 : memref<!tpu.dma_semaphore, #tpu.memory_space<semaphore_mem>>)
      %dma_start3A_609 = arith.constant 128 : i32
      %dma_start3A_610 = tpu.memref_slice %arg26[%dma_start3A_609] : memref<512xf32, #tpu.memory_space<vmem>> -> memref<128xf32, #tpu.memory_space<vmem>>
      %dma_start3A_611 = arith.constant 128 : i32
      %dma_start3A_612 = tpu.memref_slice %arg16[%dma_start3A_611] : memref<512xi32, #tpu.memory_space<vmem>> -> memref<128xi32, #tpu.memory_space<vmem>>
      %dma_start3A_613 = arith.constant 0 : i32
      %dma_start3A_614 = tpu.memref_slice %arg3[%dma_start3A_613] : memref<1000000xf32, #tpu.memory_space<hbm>> -> memref<1000000xf32, #tpu.memory_space<hbm>>
      tpu.enqueue_indirect_dma source(%dma_start3A_614 : memref<1000000xf32, #tpu.memory_space<hbm>>) target(%dma_start3A_610 : memref<128xf32, #tpu.memory_space<vmem>>) offsets(%dma_start3A_612 : memref<128xi32, #tpu.memory_space<vmem>>) semaphore(%arg36 : memref<!tpu.dma_semaphore, #tpu.memory_space<semaphore_mem>>)
      %dma_start3A_615 = arith.constant 256 : i32
      %dma_start3A_616 = tpu.memref_slice %arg21[%dma_start3A_615] : memref<512xf32, #tpu.memory_space<vmem>> -> memref<128xf32, #tpu.memory_space<vmem>>
      %dma_start3A_617 = arith.constant 256 : i32
      %dma_start3A_618 = tpu.memref_slice %arg11[%dma_start3A_617] : memref<512xi32, #tpu.memory_space<vmem>> -> memref<128xi32, #tpu.memory_space<vmem>>
      %dma_start3A_619 = arith.constant 0 : i32
      %dma_start3A_620 = tpu.memref_slice %arg2[%dma_start3A_619] : memref<1000000xf32, #tpu.memory_space<hbm>> -> memref<1000000xf32, #tpu.memory_space<hbm>>
      tpu.enqueue_indirect_dma source(%dma_start3A_620 : memref<1000000xf32, #tpu.memory_space<hbm>>) target(%dma_start3A_616 : memref<128xf32, #tpu.memory_space<vmem>>) offsets(%dma_start3A_618 : memref<128xi32, #tpu.memory_space<vmem>>) semaphore(%arg36 : memref<!tpu.dma_semaphore, #tpu.memory_space<semaphore_mem>>)
      %dma_start3A_621 = arith.constant 256 : i32
      %dma_start3A_622 = tpu.memref_slice %arg26[%dma_start3A_621] : memref<512xf32, #tpu.memory_space<vmem>> -> memref<128xf32, #tpu.memory_space<vmem>>
      %dma_start3A_623 = arith.constant 256 : i32
      %dma_start3A_624 = tpu.memref_slice %arg16[%dma_start3A_623] : memref<512xi32, #tpu.memory_space<vmem>> -> memref<128xi32, #tpu.memory_space<vmem>>
      %dma_start3A_625 = arith.constant 0 : i32
      %dma_start3A_626 = tpu.memref_slice %arg3[%dma_start3A_625] : memref<1000000xf32, #tpu.memory_space<hbm>> -> memref<1000000xf32, #tpu.memory_space<hbm>>
      tpu.enqueue_indirect_dma source(%dma_start3A_626 : memref<1000000xf32, #tpu.memory_space<hbm>>) target(%dma_start3A_622 : memref<128xf32, #tpu.memory_space<vmem>>) offsets(%dma_start3A_624 : memref<128xi32, #tpu.memory_space<vmem>>) semaphore(%arg36 : memref<!tpu.dma_semaphore, #tpu.memory_space<semaphore_mem>>)
      %dma_start3A_627 = arith.constant 384 : i32
      %dma_start3A_628 = tpu.memref_slice %arg21[%dma_start3A_627] : memref<512xf32, #tpu.memory_space<vmem>> -> memref<128xf32, #tpu.memory_space<vmem>>
      %dma_start3A_629 = arith.constant 384 : i32
      %dma_start3A_630 = tpu.memref_slice %arg11[%dma_start3A_629] : memref<512xi32, #tpu.memory_space<vmem>> -> memref<128xi32, #tpu.memory_space<vmem>>
      %dma_start3A_631 = arith.constant 0 : i32
      %dma_start3A_632 = tpu.memref_slice %arg2[%dma_start3A_631] : memref<1000000xf32, #tpu.memory_space<hbm>> -> memref<1000000xf32, #tpu.memory_space<hbm>>
      tpu.enqueue_indirect_dma source(%dma_start3A_632 : memref<1000000xf32, #tpu.memory_space<hbm>>) target(%dma_start3A_628 : memref<128xf32, #tpu.memory_space<vmem>>) offsets(%dma_start3A_630 : memref<128xi32, #tpu.memory_space<vmem>>) semaphore(%arg36 : memref<!tpu.dma_semaphore, #tpu.memory_space<semaphore_mem>>)
      %dma_start3A_633 = arith.constant 384 : i32
      %dma_start3A_634 = tpu.memref_slice %arg26[%dma_start3A_633] : memref<512xf32, #tpu.memory_space<vmem>> -> memref<128xf32, #tpu.memory_space<vmem>>
      %dma_start3A_635 = arith.constant 384 : i32
      %dma_start3A_636 = tpu.memref_slice %arg16[%dma_start3A_635] : memref<512xi32, #tpu.memory_space<vmem>> -> memref<128xi32, #tpu.memory_space<vmem>>
      %dma_start3A_637 = arith.constant 0 : i32
      %dma_start3A_638 = tpu.memref_slice %arg3[%dma_start3A_637] : memref<1000000xf32, #tpu.memory_space<hbm>> -> memref<1000000xf32, #tpu.memory_space<hbm>>
      tpu.enqueue_indirect_dma source(%dma_start3A_638 : memref<1000000xf32, #tpu.memory_space<hbm>>) target(%dma_start3A_634 : memref<128xf32, #tpu.memory_space<vmem>>) offsets(%dma_start3A_636 : memref<128xi32, #tpu.memory_space<vmem>>) semaphore(%arg36 : memref<!tpu.dma_semaphore, #tpu.memory_space<semaphore_mem>>)
    } else {
    }
    %scan3A_393 = arith.constant 1 : i32
    %scan3A_394 = arith.constant 1 : i32
    %scan3A_395 = arith.constant 47 : i32
    %scan3A_396 = arith.addi %scan3A_394, %scan3A_395 : i32
    %scan3A_397 = arith.constant 1 : i32
    scf.for %scan3A_586 = %scan3A_394 to %scan3A_396 step %scan3A_397  : i32 {
      %mul3A_587 = arith.constant 5 : i32
      %mul3A_588 = arith.muli %scan3A_586, %mul3A_587 : i32
      %add3A_589 = arith.constant 0 : i32
      %add3A_590 = arith.addi %mul3A_588, %add3A_589 : i32
      %dma_wait3A_591 = arith.constant 0 : i32
      %dma_wait3A_592 = tpu.memref_slice %arg2[%dma_wait3A_591] : memref<1000000xf32, #tpu.memory_space<hbm>> -> memref<512xf32, #tpu.memory_space<hbm>>
      %dma_wait3A_593 = arith.constant 0 : i32
      %dma_wait3A_594 = tpu.memref_slice %arg2[%dma_wait3A_593] : memref<1000000xf32, #tpu.memory_space<hbm>> -> memref<512xf32, #tpu.memory_space<hbm>>
      tpu.wait_dma2 semaphore(%arg32 : memref<!tpu.dma_semaphore, #tpu.memory_space<semaphore_mem>>) src(%dma_wait3A_594 : memref<512xf32, #tpu.memory_space<hbm>>) dst(%arg17 : memref<512xf32, #tpu.memory_space<vmem>>)
      %dma_wait3A_595 = arith.constant 0 : i32
      %dma_wait3A_596 = tpu.memref_slice %arg3[%dma_wait3A_595] : memref<1000000xf32, #tpu.memory_space<hbm>> -> memref<512xf32, #tpu.memory_space<hbm>>
      %dma_wait3A_597 = arith.constant 0 : i32
      %dma_wait3A_598 = tpu.memref_slice %arg3[%dma_wait3A_597] : memref<1000000xf32, #tpu.memory_space<hbm>> -> memref<512xf32, #tpu.memory_space<hbm>>
      tpu.wait_dma2 semaphore(%arg32 : memref<!tpu.dma_semaphore, #tpu.memory_space<semaphore_mem>>) src(%dma_wait3A_598 : memref<512xf32, #tpu.memory_space<hbm>>) dst(%arg22 : memref<512xf32, #tpu.memory_space<vmem>>)
      %dma_wait3A_599 = arith.constant 0 : i32
      %dma_wait3A_600 = tpu.memref_slice %arg6[%dma_wait3A_599] : memref<4000000xf32, #tpu.memory_space<hbm>> -> memref<512xf32, #tpu.memory_space<hbm>>
      %dma_wait3A_601 = arith.constant 0 : i32
      %dma_wait3A_602 = tpu.memref_slice %arg6[%dma_wait3A_601] : memref<4000000xf32, #tpu.memory_space<hbm>> -> memref<512xf32, #tpu.memory_space<hbm>>
      tpu.wait_dma2 semaphore(%arg37 : memref<!tpu.dma_semaphore, #tpu.memory_space<semaphore_mem>>) src(%arg27 : memref<512xf32, #tpu.memory_space<vmem>>) dst(%dma_wait3A_602 : memref<512xf32, #tpu.memory_space<hbm>>)
      %scan3A_603 = arith.constant 0 : i32
      %scan3A_604 = arith.constant 32 : i32
      %scan3A_605 = arith.addi %scan3A_603, %scan3A_604 : i32
      %scan3A_606 = arith.constant 1 : i32
      scf.for %scan3A_752 = %scan3A_603 to %scan3A_605 step %scan3A_606  : i32 {
        %mul3A_753 = arith.constant 16 : i32
        %mul3A_754 = arith.muli %scan3A_752, %mul3A_753 : i32
        %get3A_755 = arith.index_cast %mul3A_754 : i32 to index
        %get3A_756 = tpu.vector_load %arg17[%get3A_755] {strides = array<i32>} : memref<512xf32, #tpu.memory_space<vmem>>, vector<16xf32>,
        %get3A_757 = vector.shape_cast %get3A_756 : vector<16xf32> to vector<16xf32>
        %get3A_758 = arith.index_cast %mul3A_754 : i32 to index
        %get3A_759 = tpu.vector_load %arg22[%get3A_758] {strides = array<i32>} : memref<512xf32, #tpu.memory_space<vmem>>, vector<16xf32>,
        %get3A_760 = vector.shape_cast %get3A_759 : vector<16xf32> to vector<16xf32>
        %mul3A_761 = arith.mulf %get3A_757, %get3A_760 : vector<16xf32>
        %swap3A_762 = arith.index_cast %mul3A_754 : i32 to index
        %swap3A_763 = tpu.vector_load %arg27[%swap3A_762] {strides = array<i32>} : memref<512xf32, #tpu.memory_space<vmem>>, vector<16xf32>,
        %swap3A_764 = vector.shape_cast %swap3A_763 : vector<16xf32> to vector<16xf32>
        %swap3A_765 = vector.shape_cast %mul3A_761 : vector<16xf32> to vector<16xf32>
        tpu.vector_store %arg27[%swap3A_762], %swap3A_765 {strides = array<i32>} : memref<512xf32, #tpu.memory_space<vmem>>, vector<16xf32>,
      }
      %scan3A_607 = arith.constant 32 : i32
      %mul3A_608 = arith.constant 512 : i32
      %mul3A_609 = arith.muli %add3A_590, %mul3A_608 : i32
      %add3A_610 = arith.addi %mul3A_2, %mul3A_609 : i32
      %dma_start3A_611 = tpu.memref_slice %arg6[%add3A_610] : memref<4000000xf32, #tpu.memory_space<hbm>> -> memref<512xf32, #tpu.memory_space<hbm>>
      %dma_start3A_612 = tpu.memref_slice %arg6[%add3A_610] : memref<4000000xf32, #tpu.memory_space<hbm>> -> memref<512xf32, #tpu.memory_space<hbm>>
      tpu.enqueue_dma source(%arg27 : memref<512xf32, #tpu.memory_space<vmem>>) target(%dma_start3A_612 : memref<512xf32, #tpu.memory_space<hbm>>) target_semaphore(%arg37 : memref<!tpu.dma_semaphore, #tpu.memory_space<semaphore_mem>>)
      %add3A_613 = arith.constant 5 : i32
      %add3A_614 = arith.addi %add3A_590, %add3A_613 : i32
      %lt3A_615 = arith.constant 244 : i32
      %lt3A_616 = arith.cmpi slt, %add3A_614, %lt3A_615 : i32
      %convert_element_type3A_617 = arith.extui %lt3A_616 : i1 to i32
      %cond3A_618 = arith.constant 0 : i32
      %cond3A_619 = arith.cmpi ne, %convert_element_type3A_617, %cond3A_618 : i32
      scf.if %cond3A_619 {
        %add3A_752 = arith.constant 5 : i32
        %add3A_753 = arith.addi %add3A_590, %add3A_752 : i32
        %mul3A_754 = arith.constant 512 : i32
        %mul3A_755 = arith.muli %add3A_753, %mul3A_754 : i32
        %add3A_756 = arith.addi %mul3A_2, %mul3A_755 : i32
        "tpu.region"() ({
          %run_scoped3A = tpu.sem_alloc : memref<!tpu.dma_semaphore, #tpu.memory_space<semaphore_mem>>
          %dma_start3A_805 = tpu.memref_slice %arg4[%add3A_756] : memref<4000000xi32, #tpu.memory_space<hbm>> -> memref<512xi32, #tpu.memory_space<hbm>>
          %dma_start3A_806 = tpu.memref_slice %arg4[%add3A_756] : memref<4000000xi32, #tpu.memory_space<hbm>> -> memref<512xi32, #tpu.memory_space<hbm>>
          tpu.enqueue_dma source(%dma_start3A_806 : memref<512xi32, #tpu.memory_space<hbm>>) target(%arg7 : memref<512xi32, #tpu.memory_space<vmem>>) target_semaphore(%run_scoped3A : memref<!tpu.dma_semaphore, #tpu.memory_space<semaphore_mem>>)
          %dma_wait3A_807 = tpu.memref_slice %arg4[%add3A_756] : memref<4000000xi32, #tpu.memory_space<hbm>> -> memref<512xi32, #tpu.memory_space<hbm>>
          %dma_wait3A_808 = tpu.memref_slice %arg4[%add3A_756] : memref<4000000xi32, #tpu.memory_space<hbm>> -> memref<512xi32, #tpu.memory_space<hbm>>
          tpu.wait_dma2 semaphore(%run_scoped3A : memref<!tpu.dma_semaphore, #tpu.memory_space<semaphore_mem>>) src(%dma_wait3A_808 : memref<512xi32, #tpu.memory_space<hbm>>) dst(%arg7 : memref<512xi32, #tpu.memory_space<vmem>>)
          tpu.yield
        }) : () -> ()
        "tpu.region"() ({
          %run_scoped3A = tpu.sem_alloc : memref<!tpu.dma_semaphore, #tpu.memory_space<semaphore_mem>>
          %dma_start3A_805 = tpu.memref_slice %arg5[%add3A_756] : memref<4000000xi32, #tpu.memory_space<hbm>> -> memref<512xi32, #tpu.memory_space<hbm>>
          %dma_start3A_806 = tpu.memref_slice %arg5[%add3A_756] : memref<4000000xi32, #tpu.memory_space<hbm>> -> memref<512xi32, #tpu.memory_space<hbm>>
          tpu.enqueue_dma source(%dma_start3A_806 : memref<512xi32, #tpu.memory_space<hbm>>) target(%arg12 : memref<512xi32, #tpu.memory_space<vmem>>) target_semaphore(%run_scoped3A : memref<!tpu.dma_semaphore, #tpu.memory_space<semaphore_mem>>)
          %dma_wait3A_807 = tpu.memref_slice %arg5[%add3A_756] : memref<4000000xi32, #tpu.memory_space<hbm>> -> memref<512xi32, #tpu.memory_space<hbm>>
          %dma_wait3A_808 = tpu.memref_slice %arg5[%add3A_756] : memref<4000000xi32, #tpu.memory_space<hbm>> -> memref<512xi32, #tpu.memory_space<hbm>>
          tpu.wait_dma2 semaphore(%run_scoped3A : memref<!tpu.dma_semaphore, #tpu.memory_space<semaphore_mem>>) src(%dma_wait3A_808 : memref<512xi32, #tpu.memory_space<hbm>>) dst(%arg12 : memref<512xi32, #tpu.memory_space<vmem>>)
          tpu.yield
        }) : () -> ()
        %dma_start3A_757 = arith.constant 0 : i32
        %dma_start3A_758 = tpu.memref_slice %arg17[%dma_start3A_757] : memref<512xf32, #tpu.memory_space<vmem>> -> memref<128xf32, #tpu.memory_space<vmem>>
        %dma_start3A_759 = arith.constant 0 : i32
        %dma_start3A_760 = tpu.memref_slice %arg7[%dma_start3A_759] : memref<512xi32, #tpu.memory_space<vmem>> -> memref<128xi32, #tpu.memory_space<vmem>>
        %dma_start3A_761 = arith.constant 0 : i32
        %dma_start3A_762 = tpu.memref_slice %arg2[%dma_start3A_761] : memref<1000000xf32, #tpu.memory_space<hbm>> -> memref<1000000xf32, #tpu.memory_space<hbm>>
        tpu.enqueue_indirect_dma source(%dma_start3A_762 : memref<1000000xf32, #tpu.memory_space<hbm>>) target(%dma_start3A_758 : memref<128xf32, #tpu.memory_space<vmem>>) offsets(%dma_start3A_760 : memref<128xi32, #tpu.memory_space<vmem>>) semaphore(%arg32 : memref<!tpu.dma_semaphore, #tpu.memory_space<semaphore_mem>>)
        %dma_start3A_763 = arith.constant 0 : i32
        %dma_start3A_764 = tpu.memref_slice %arg22[%dma_start3A_763] : memref<512xf32, #tpu.memory_space<vmem>> -> memref<128xf32, #tpu.memory_space<vmem>>
        %dma_start3A_765 = arith.constant 0 : i32
        %dma_start3A_766 = tpu.memref_slice %arg12[%dma_start3A_765] : memref<512xi32, #tpu.memory_space<vmem>> -> memref<128xi32, #tpu.memory_space<vmem>>
        %dma_start3A_767 = arith.constant 0 : i32
        %dma_start3A_768 = tpu.memref_slice %arg3[%dma_start3A_767] : memref<1000000xf32, #tpu.memory_space<hbm>> -> memref<1000000xf32, #tpu.memory_space<hbm>>
        tpu.enqueue_indirect_dma source(%dma_start3A_768 : memref<1000000xf32, #tpu.memory_space<hbm>>) target(%dma_start3A_764 : memref<128xf32, #tpu.memory_space<vmem>>) offsets(%dma_start3A_766 : memref<128xi32, #tpu.memory_space<vmem>>) semaphore(%arg32 : memref<!tpu.dma_semaphore, #tpu.memory_space<semaphore_mem>>)
        %dma_start3A_769 = arith.constant 128 : i32
        %dma_start3A_770 = tpu.memref_slice %arg17[%dma_start3A_769] : memref<512xf32, #tpu.memory_space<vmem>> -> memref<128xf32, #tpu.memory_space<vmem>>
        %dma_start3A_771 = arith.constant 128 : i32
        %dma_start3A_772 = tpu.memref_slice %arg7[%dma_start3A_771] : memref<512xi32, #tpu.memory_space<vmem>> -> memref<128xi32, #tpu.memory_space<vmem>>
        %dma_start3A_773 = arith.constant 0 : i32
        %dma_start3A_774 = tpu.memref_slice %arg2[%dma_start3A_773] : memref<1000000xf32, #tpu.memory_space<hbm>> -> memref<1000000xf32, #tpu.memory_space<hbm>>
        tpu.enqueue_indirect_dma source(%dma_start3A_774 : memref<1000000xf32, #tpu.memory_space<hbm>>) target(%dma_start3A_770 : memref<128xf32, #tpu.memory_space<vmem>>) offsets(%dma_start3A_772 : memref<128xi32, #tpu.memory_space<vmem>>) semaphore(%arg32 : memref<!tpu.dma_semaphore, #tpu.memory_space<semaphore_mem>>)
        %dma_start3A_775 = arith.constant 128 : i32
        %dma_start3A_776 = tpu.memref_slice %arg22[%dma_start3A_775] : memref<512xf32, #tpu.memory_space<vmem>> -> memref<128xf32, #tpu.memory_space<vmem>>
        %dma_start3A_777 = arith.constant 128 : i32
        %dma_start3A_778 = tpu.memref_slice %arg12[%dma_start3A_777] : memref<512xi32, #tpu.memory_space<vmem>> -> memref<128xi32, #tpu.memory_space<vmem>>
        %dma_start3A_779 = arith.constant 0 : i32
        %dma_start3A_780 = tpu.memref_slice %arg3[%dma_start3A_779] : memref<1000000xf32, #tpu.memory_space<hbm>> -> memref<1000000xf32, #tpu.memory_space<hbm>>
        tpu.enqueue_indirect_dma source(%dma_start3A_780 : memref<1000000xf32, #tpu.memory_space<hbm>>) target(%dma_start3A_776 : memref<128xf32, #tpu.memory_space<vmem>>) offsets(%dma_start3A_778 : memref<128xi32, #tpu.memory_space<vmem>>) semaphore(%arg32 : memref<!tpu.dma_semaphore, #tpu.memory_space<semaphore_mem>>)
        %dma_start3A_781 = arith.constant 256 : i32
        %dma_start3A_782 = tpu.memref_slice %arg17[%dma_start3A_781] : memref<512xf32, #tpu.memory_space<vmem>> -> memref<128xf32, #tpu.memory_space<vmem>>
        %dma_start3A_783 = arith.constant 256 : i32
        %dma_start3A_784 = tpu.memref_slice %arg7[%dma_start3A_783] : memref<512xi32, #tpu.memory_space<vmem>> -> memref<128xi32, #tpu.memory_space<vmem>>
        %dma_start3A_785 = arith.constant 0 : i32
        %dma_start3A_786 = tpu.memref_slice %arg2[%dma_start3A_785] : memref<1000000xf32, #tpu.memory_space<hbm>> -> memref<1000000xf32, #tpu.memory_space<hbm>>
        tpu.enqueue_indirect_dma source(%dma_start3A_786 : memref<1000000xf32, #tpu.memory_space<hbm>>) target(%dma_start3A_782 : memref<128xf32, #tpu.memory_space<vmem>>) offsets(%dma_start3A_784 : memref<128xi32, #tpu.memory_space<vmem>>) semaphore(%arg32 : memref<!tpu.dma_semaphore, #tpu.memory_space<semaphore_mem>>)
        %dma_start3A_787 = arith.constant 256 : i32
        %dma_start3A_788 = tpu.memref_slice %arg22[%dma_start3A_787] : memref<512xf32, #tpu.memory_space<vmem>> -> memref<128xf32, #tpu.memory_space<vmem>>
        %dma_start3A_789 = arith.constant 256 : i32
        %dma_start3A_790 = tpu.memref_slice %arg12[%dma_start3A_789] : memref<512xi32, #tpu.memory_space<vmem>> -> memref<128xi32, #tpu.memory_space<vmem>>
        %dma_start3A_791 = arith.constant 0 : i32
        %dma_start3A_792 = tpu.memref_slice %arg3[%dma_start3A_791] : memref<1000000xf32, #tpu.memory_space<hbm>> -> memref<1000000xf32, #tpu.memory_space<hbm>>
        tpu.enqueue_indirect_dma source(%dma_start3A_792 : memref<1000000xf32, #tpu.memory_space<hbm>>) target(%dma_start3A_788 : memref<128xf32, #tpu.memory_space<vmem>>) offsets(%dma_start3A_790 : memref<128xi32, #tpu.memory_space<vmem>>) semaphore(%arg32 : memref<!tpu.dma_semaphore, #tpu.memory_space<semaphore_mem>>)
        %dma_start3A_793 = arith.constant 384 : i32
        %dma_start3A_794 = tpu.memref_slice %arg17[%dma_start3A_793] : memref<512xf32, #tpu.memory_space<vmem>> -> memref<128xf32, #tpu.memory_space<vmem>>
        %dma_start3A_795 = arith.constant 384 : i32
        %dma_start3A_796 = tpu.memref_slice %arg7[%dma_start3A_795] : memref<512xi32, #tpu.memory_space<vmem>> -> memref<128xi32, #tpu.memory_space<vmem>>
        %dma_start3A_797 = arith.constant 0 : i32
        %dma_start3A_798 = tpu.memref_slice %arg2[%dma_start3A_797] : memref<1000000xf32, #tpu.memory_space<hbm>> -> memref<1000000xf32, #tpu.memory_space<hbm>>
        tpu.enqueue_indirect_dma source(%dma_start3A_798 : memref<1000000xf32, #tpu.memory_space<hbm>>) target(%dma_start3A_794 : memref<128xf32, #tpu.memory_space<vmem>>) offsets(%dma_start3A_796 : memref<128xi32, #tpu.memory_space<vmem>>) semaphore(%arg32 : memref<!tpu.dma_semaphore, #tpu.memory_space<semaphore_mem>>)
        %dma_start3A_799 = arith.constant 384 : i32
        %dma_start3A_800 = tpu.memref_slice %arg22[%dma_start3A_799] : memref<512xf32, #tpu.memory_space<vmem>> -> memref<128xf32, #tpu.memory_space<vmem>>
        %dma_start3A_801 = arith.constant 384 : i32
        %dma_start3A_802 = tpu.memref_slice %arg12[%dma_start3A_801] : memref<512xi32, #tpu.memory_space<vmem>> -> memref<128xi32, #tpu.memory_space<vmem>>
        %dma_start3A_803 = arith.constant 0 : i32
        %dma_start3A_804 = tpu.memref_slice %arg3[%dma_start3A_803] : memref<1000000xf32, #tpu.memory_space<hbm>> -> memref<1000000xf32, #tpu.memory_space<hbm>>
        tpu.enqueue_indirect_dma source(%dma_start3A_804 : memref<1000000xf32, #tpu.memory_space<hbm>>) target(%dma_start3A_800 : memref<128xf32, #tpu.memory_space<vmem>>) offsets(%dma_start3A_802 : memref<128xi32, #tpu.memory_space<vmem>>) semaphore(%arg32 : memref<!tpu.dma_semaphore, #tpu.memory_space<semaphore_mem>>)
      } else {
      }
      %mul3A_620 = arith.constant 5 : i32
      %mul3A_621 = arith.muli %scan3A_586, %mul3A_620 : i32
      %add3A_622 = arith.constant 1 : i32
      %add3A_623 = arith.addi %mul3A_621, %add3A_622 : i32
      %dma_wait3A_624 = arith.constant 0 : i32
      %dma_wait3A_625 = tpu.memref_slice %arg2[%dma_wait3A_624] : memref<1000000xf32, #tpu.memory_space<hbm>> -> memref<512xf32, #tpu.memory_space<hbm>>
      %dma_wait3A_626 = arith.constant 0 : i32
      %dma_wait3A_627 = tpu.memref_slice %arg2[%dma_wait3A_626] : memref<1000000xf32, #tpu.memory_space<hbm>> -> memref<512xf32, #tpu.memory_space<hbm>>
      tpu.wait_dma2 semaphore(%arg33 : memref<!tpu.dma_semaphore, #tpu.memory_space<semaphore_mem>>) src(%dma_wait3A_627 : memref<512xf32, #tpu.memory_space<hbm>>) dst(%arg18 : memref<512xf32, #tpu.memory_space<vmem>>)
      %dma_wait3A_628 = arith.constant 0 : i32
      %dma_wait3A_629 = tpu.memref_slice %arg3[%dma_wait3A_628] : memref<1000000xf32, #tpu.memory_space<hbm>> -> memref<512xf32, #tpu.memory_space<hbm>>
      %dma_wait3A_630 = arith.constant 0 : i32
      %dma_wait3A_631 = tpu.memref_slice %arg3[%dma_wait3A_630] : memref<1000000xf32, #tpu.memory_space<hbm>> -> memref<512xf32, #tpu.memory_space<hbm>>
      tpu.wait_dma2 semaphore(%arg33 : memref<!tpu.dma_semaphore, #tpu.memory_space<semaphore_mem>>) src(%dma_wait3A_631 : memref<512xf32, #tpu.memory_space<hbm>>) dst(%arg23 : memref<512xf32, #tpu.memory_space<vmem>>)
      %dma_wait3A_632 = arith.constant 0 : i32
      %dma_wait3A_633 = tpu.memref_slice %arg6[%dma_wait3A_632] : memref<4000000xf32, #tpu.memory_space<hbm>> -> memref<512xf32, #tpu.memory_space<hbm>>
      %dma_wait3A_634 = arith.constant 0 : i32
      %dma_wait3A_635 = tpu.memref_slice %arg6[%dma_wait3A_634] : memref<4000000xf32, #tpu.memory_space<hbm>> -> memref<512xf32, #tpu.memory_space<hbm>>
      tpu.wait_dma2 semaphore(%arg38 : memref<!tpu.dma_semaphore, #tpu.memory_space<semaphore_mem>>) src(%arg28 : memref<512xf32, #tpu.memory_space<vmem>>) dst(%dma_wait3A_635 : memref<512xf32, #tpu.memory_space<hbm>>)
      %scan3A_636 = arith.constant 0 : i32
      %scan3A_637 = arith.constant 32 : i32
      %scan3A_638 = arith.addi %scan3A_636, %scan3A_637 : i32
      %scan3A_639 = arith.constant 1 : i32
      scf.for %scan3A_752 = %scan3A_636 to %scan3A_638 step %scan3A_639  : i32 {
        %mul3A_753 = arith.constant 16 : i32
        %mul3A_754 = arith.muli %scan3A_752, %mul3A_753 : i32
        %get3A_755 = arith.index_cast %mul3A_754 : i32 to index
        %get3A_756 = tpu.vector_load %arg18[%get3A_755] {strides = array<i32>} : memref<512xf32, #tpu.memory_space<vmem>>, vector<16xf32>,
        %get3A_757 = vector.shape_cast %get3A_756 : vector<16xf32> to vector<16xf32>
        %get3A_758 = arith.index_cast %mul3A_754 : i32 to index
        %get3A_759 = tpu.vector_load %arg23[%get3A_758] {strides = array<i32>} : memref<512xf32, #tpu.memory_space<vmem>>, vector<16xf32>,
        %get3A_760 = vector.shape_cast %get3A_759 : vector<16xf32> to vector<16xf32>
        %mul3A_761 = arith.mulf %get3A_757, %get3A_760 : vector<16xf32>
        %swap3A_762 = arith.index_cast %mul3A_754 : i32 to index
        %swap3A_763 = tpu.vector_load %arg28[%swap3A_762] {strides = array<i32>} : memref<512xf32, #tpu.memory_space<vmem>>, vector<16xf32>,
        %swap3A_764 = vector.shape_cast %swap3A_763 : vector<16xf32> to vector<16xf32>
        %swap3A_765 = vector.shape_cast %mul3A_761 : vector<16xf32> to vector<16xf32>
        tpu.vector_store %arg28[%swap3A_762], %swap3A_765 {strides = array<i32>} : memref<512xf32, #tpu.memory_space<vmem>>, vector<16xf32>,
      }
      %scan3A_640 = arith.constant 32 : i32
      %mul3A_641 = arith.constant 512 : i32
      %mul3A_642 = arith.muli %add3A_623, %mul3A_641 : i32
      %add3A_643 = arith.addi %mul3A_2, %mul3A_642 : i32
      %dma_start3A_644 = tpu.memref_slice %arg6[%add3A_643] : memref<4000000xf32, #tpu.memory_space<hbm>> -> memref<512xf32, #tpu.memory_space<hbm>>
      %dma_start3A_645 = tpu.memref_slice %arg6[%add3A_643] : memref<4000000xf32, #tpu.memory_space<hbm>> -> memref<512xf32, #tpu.memory_space<hbm>>
      tpu.enqueue_dma source(%arg28 : memref<512xf32, #tpu.memory_space<vmem>>) target(%dma_start3A_645 : memref<512xf32, #tpu.memory_space<hbm>>) target_semaphore(%arg38 : memref<!tpu.dma_semaphore, #tpu.memory_space<semaphore_mem>>)
      %add3A_646 = arith.constant 5 : i32
      %add3A_647 = arith.addi %add3A_623, %add3A_646 : i32
      %lt3A_648 = arith.constant 244 : i32
      %lt3A_649 = arith.cmpi slt, %add3A_647, %lt3A_648 : i32
      %convert_element_type3A_650 = arith.extui %lt3A_649 : i1 to i32
      %cond3A_651 = arith.constant 0 : i32
      %cond3A_652 = arith.cmpi ne, %convert_element_type3A_650, %cond3A_651 : i32
      scf.if %cond3A_652 {
        %add3A_752 = arith.constant 5 : i32
        %add3A_753 = arith.addi %add3A_623, %add3A_752 : i32
        %mul3A_754 = arith.constant 512 : i32
        %mul3A_755 = arith.muli %add3A_753, %mul3A_754 : i32
        %add3A_756 = arith.addi %mul3A_2, %mul3A_755 : i32
        "tpu.region"() ({
          %run_scoped3A = tpu.sem_alloc : memref<!tpu.dma_semaphore, #tpu.memory_space<semaphore_mem>>
          %dma_start3A_805 = tpu.memref_slice %arg4[%add3A_756] : memref<4000000xi32, #tpu.memory_space<hbm>> -> memref<512xi32, #tpu.memory_space<hbm>>
          %dma_start3A_806 = tpu.memref_slice %arg4[%add3A_756] : memref<4000000xi32, #tpu.memory_space<hbm>> -> memref<512xi32, #tpu.memory_space<hbm>>
          tpu.enqueue_dma source(%dma_start3A_806 : memref<512xi32, #tpu.memory_space<hbm>>) target(%arg8 : memref<512xi32, #tpu.memory_space<vmem>>) target_semaphore(%run_scoped3A : memref<!tpu.dma_semaphore, #tpu.memory_space<semaphore_mem>>)
          %dma_wait3A_807 = tpu.memref_slice %arg4[%add3A_756] : memref<4000000xi32, #tpu.memory_space<hbm>> -> memref<512xi32, #tpu.memory_space<hbm>>
          %dma_wait3A_808 = tpu.memref_slice %arg4[%add3A_756] : memref<4000000xi32, #tpu.memory_space<hbm>> -> memref<512xi32, #tpu.memory_space<hbm>>
          tpu.wait_dma2 semaphore(%run_scoped3A : memref<!tpu.dma_semaphore, #tpu.memory_space<semaphore_mem>>) src(%dma_wait3A_808 : memref<512xi32, #tpu.memory_space<hbm>>) dst(%arg8 : memref<512xi32, #tpu.memory_space<vmem>>)
          tpu.yield
        }) : () -> ()
        "tpu.region"() ({
          %run_scoped3A = tpu.sem_alloc : memref<!tpu.dma_semaphore, #tpu.memory_space<semaphore_mem>>
          %dma_start3A_805 = tpu.memref_slice %arg5[%add3A_756] : memref<4000000xi32, #tpu.memory_space<hbm>> -> memref<512xi32, #tpu.memory_space<hbm>>
          %dma_start3A_806 = tpu.memref_slice %arg5[%add3A_756] : memref<4000000xi32, #tpu.memory_space<hbm>> -> memref<512xi32, #tpu.memory_space<hbm>>
          tpu.enqueue_dma source(%dma_start3A_806 : memref<512xi32, #tpu.memory_space<hbm>>) target(%arg13 : memref<512xi32, #tpu.memory_space<vmem>>) target_semaphore(%run_scoped3A : memref<!tpu.dma_semaphore, #tpu.memory_space<semaphore_mem>>)
          %dma_wait3A_807 = tpu.memref_slice %arg5[%add3A_756] : memref<4000000xi32, #tpu.memory_space<hbm>> -> memref<512xi32, #tpu.memory_space<hbm>>
          %dma_wait3A_808 = tpu.memref_slice %arg5[%add3A_756] : memref<4000000xi32, #tpu.memory_space<hbm>> -> memref<512xi32, #tpu.memory_space<hbm>>
          tpu.wait_dma2 semaphore(%run_scoped3A : memref<!tpu.dma_semaphore, #tpu.memory_space<semaphore_mem>>) src(%dma_wait3A_808 : memref<512xi32, #tpu.memory_space<hbm>>) dst(%arg13 : memref<512xi32, #tpu.memory_space<vmem>>)
          tpu.yield
        }) : () -> ()
        %dma_start3A_757 = arith.constant 0 : i32
        %dma_start3A_758 = tpu.memref_slice %arg18[%dma_start3A_757] : memref<512xf32, #tpu.memory_space<vmem>> -> memref<128xf32, #tpu.memory_space<vmem>>
        %dma_start3A_759 = arith.constant 0 : i32
        %dma_start3A_760 = tpu.memref_slice %arg8[%dma_start3A_759] : memref<512xi32, #tpu.memory_space<vmem>> -> memref<128xi32, #tpu.memory_space<vmem>>
        %dma_start3A_761 = arith.constant 0 : i32
        %dma_start3A_762 = tpu.memref_slice %arg2[%dma_start3A_761] : memref<1000000xf32, #tpu.memory_space<hbm>> -> memref<1000000xf32, #tpu.memory_space<hbm>>
        tpu.enqueue_indirect_dma source(%dma_start3A_762 : memref<1000000xf32, #tpu.memory_space<hbm>>) target(%dma_start3A_758 : memref<128xf32, #tpu.memory_space<vmem>>) offsets(%dma_start3A_760 : memref<128xi32, #tpu.memory_space<vmem>>) semaphore(%arg33 : memref<!tpu.dma_semaphore, #tpu.memory_space<semaphore_mem>>)
        %dma_start3A_763 = arith.constant 0 : i32
        %dma_start3A_764 = tpu.memref_slice %arg23[%dma_start3A_763] : memref<512xf32, #tpu.memory_space<vmem>> -> memref<128xf32, #tpu.memory_space<vmem>>
        %dma_start3A_765 = arith.constant 0 : i32
        %dma_start3A_766 = tpu.memref_slice %arg13[%dma_start3A_765] : memref<512xi32, #tpu.memory_space<vmem>> -> memref<128xi32, #tpu.memory_space<vmem>>
        %dma_start3A_767 = arith.constant 0 : i32
        %dma_start3A_768 = tpu.memref_slice %arg3[%dma_start3A_767] : memref<1000000xf32, #tpu.memory_space<hbm>> -> memref<1000000xf32, #tpu.memory_space<hbm>>
        tpu.enqueue_indirect_dma source(%dma_start3A_768 : memref<1000000xf32, #tpu.memory_space<hbm>>) target(%dma_start3A_764 : memref<128xf32, #tpu.memory_space<vmem>>) offsets(%dma_start3A_766 : memref<128xi32, #tpu.memory_space<vmem>>) semaphore(%arg33 : memref<!tpu.dma_semaphore, #tpu.memory_space<semaphore_mem>>)
        %dma_start3A_769 = arith.constant 128 : i32
        %dma_start3A_770 = tpu.memref_slice %arg18[%dma_start3A_769] : memref<512xf32, #tpu.memory_space<vmem>> -> memref<128xf32, #tpu.memory_space<vmem>>
        %dma_start3A_771 = arith.constant 128 : i32
        %dma_start3A_772 = tpu.memref_slice %arg8[%dma_start3A_771] : memref<512xi32, #tpu.memory_space<vmem>> -> memref<128xi32, #tpu.memory_space<vmem>>
        %dma_start3A_773 = arith.constant 0 : i32
        %dma_start3A_774 = tpu.memref_slice %arg2[%dma_start3A_773] : memref<1000000xf32, #tpu.memory_space<hbm>> -> memref<1000000xf32, #tpu.memory_space<hbm>>
        tpu.enqueue_indirect_dma source(%dma_start3A_774 : memref<1000000xf32, #tpu.memory_space<hbm>>) target(%dma_start3A_770 : memref<128xf32, #tpu.memory_space<vmem>>) offsets(%dma_start3A_772 : memref<128xi32, #tpu.memory_space<vmem>>) semaphore(%arg33 : memref<!tpu.dma_semaphore, #tpu.memory_space<semaphore_mem>>)
        %dma_start3A_775 = arith.constant 128 : i32
        %dma_start3A_776 = tpu.memref_slice %arg23[%dma_start3A_775] : memref<512xf32, #tpu.memory_space<vmem>> -> memref<128xf32, #tpu.memory_space<vmem>>
        %dma_start3A_777 = arith.constant 128 : i32
        %dma_start3A_778 = tpu.memref_slice %arg13[%dma_start3A_777] : memref<512xi32, #tpu.memory_space<vmem>> -> memref<128xi32, #tpu.memory_space<vmem>>
        %dma_start3A_779 = arith.constant 0 : i32
        %dma_start3A_780 = tpu.memref_slice %arg3[%dma_start3A_779] : memref<1000000xf32, #tpu.memory_space<hbm>> -> memref<1000000xf32, #tpu.memory_space<hbm>>
        tpu.enqueue_indirect_dma source(%dma_start3A_780 : memref<1000000xf32, #tpu.memory_space<hbm>>) target(%dma_start3A_776 : memref<128xf32, #tpu.memory_space<vmem>>) offsets(%dma_start3A_778 : memref<128xi32, #tpu.memory_space<vmem>>) semaphore(%arg33 : memref<!tpu.dma_semaphore, #tpu.memory_space<semaphore_mem>>)
        %dma_start3A_781 = arith.constant 256 : i32
        %dma_start3A_782 = tpu.memref_slice %arg18[%dma_start3A_781] : memref<512xf32, #tpu.memory_space<vmem>> -> memref<128xf32, #tpu.memory_space<vmem>>
        %dma_start3A_783 = arith.constant 256 : i32
        %dma_start3A_784 = tpu.memref_slice %arg8[%dma_start3A_783] : memref<512xi32, #tpu.memory_space<vmem>> -> memref<128xi32, #tpu.memory_space<vmem>>
        %dma_start3A_785 = arith.constant 0 : i32
        %dma_start3A_786 = tpu.memref_slice %arg2[%dma_start3A_785] : memref<1000000xf32, #tpu.memory_space<hbm>> -> memref<1000000xf32, #tpu.memory_space<hbm>>
        tpu.enqueue_indirect_dma source(%dma_start3A_786 : memref<1000000xf32, #tpu.memory_space<hbm>>) target(%dma_start3A_782 : memref<128xf32, #tpu.memory_space<vmem>>) offsets(%dma_start3A_784 : memref<128xi32, #tpu.memory_space<vmem>>) semaphore(%arg33 : memref<!tpu.dma_semaphore, #tpu.memory_space<semaphore_mem>>)
        %dma_start3A_787 = arith.constant 256 : i32
        %dma_start3A_788 = tpu.memref_slice %arg23[%dma_start3A_787] : memref<512xf32, #tpu.memory_space<vmem>> -> memref<128xf32, #tpu.memory_space<vmem>>
        %dma_start3A_789 = arith.constant 256 : i32
        %dma_start3A_790 = tpu.memref_slice %arg13[%dma_start3A_789] : memref<512xi32, #tpu.memory_space<vmem>> -> memref<128xi32, #tpu.memory_space<vmem>>
        %dma_start3A_791 = arith.constant 0 : i32
        %dma_start3A_792 = tpu.memref_slice %arg3[%dma_start3A_791] : memref<1000000xf32, #tpu.memory_space<hbm>> -> memref<1000000xf32, #tpu.memory_space<hbm>>
        tpu.enqueue_indirect_dma source(%dma_start3A_792 : memref<1000000xf32, #tpu.memory_space<hbm>>) target(%dma_start3A_788 : memref<128xf32, #tpu.memory_space<vmem>>) offsets(%dma_start3A_790 : memref<128xi32, #tpu.memory_space<vmem>>) semaphore(%arg33 : memref<!tpu.dma_semaphore, #tpu.memory_space<semaphore_mem>>)
        %dma_start3A_793 = arith.constant 384 : i32
        %dma_start3A_794 = tpu.memref_slice %arg18[%dma_start3A_793] : memref<512xf32, #tpu.memory_space<vmem>> -> memref<128xf32, #tpu.memory_space<vmem>>
        %dma_start3A_795 = arith.constant 384 : i32
        %dma_start3A_796 = tpu.memref_slice %arg8[%dma_start3A_795] : memref<512xi32, #tpu.memory_space<vmem>> -> memref<128xi32, #tpu.memory_space<vmem>>
        %dma_start3A_797 = arith.constant 0 : i32
        %dma_start3A_798 = tpu.memref_slice %arg2[%dma_start3A_797] : memref<1000000xf32, #tpu.memory_space<hbm>> -> memref<1000000xf32, #tpu.memory_space<hbm>>
        tpu.enqueue_indirect_dma source(%dma_start3A_798 : memref<1000000xf32, #tpu.memory_space<hbm>>) target(%dma_start3A_794 : memref<128xf32, #tpu.memory_space<vmem>>) offsets(%dma_start3A_796 : memref<128xi32, #tpu.memory_space<vmem>>) semaphore(%arg33 : memref<!tpu.dma_semaphore, #tpu.memory_space<semaphore_mem>>)
        %dma_start3A_799 = arith.constant 384 : i32
        %dma_start3A_800 = tpu.memref_slice %arg23[%dma_start3A_799] : memref<512xf32, #tpu.memory_space<vmem>> -> memref<128xf32, #tpu.memory_space<vmem>>
        %dma_start3A_801 = arith.constant 384 : i32
        %dma_start3A_802 = tpu.memref_slice %arg13[%dma_start3A_801] : memref<512xi32, #tpu.memory_space<vmem>> -> memref<128xi32, #tpu.memory_space<vmem>>
        %dma_start3A_803 = arith.constant 0 : i32
        %dma_start3A_804 = tpu.memref_slice %arg3[%dma_start3A_803] : memref<1000000xf32, #tpu.memory_space<hbm>> -> memref<1000000xf32, #tpu.memory_space<hbm>>
        tpu.enqueue_indirect_dma source(%dma_start3A_804 : memref<1000000xf32, #tpu.memory_space<hbm>>) target(%dma_start3A_800 : memref<128xf32, #tpu.memory_space<vmem>>) offsets(%dma_start3A_802 : memref<128xi32, #tpu.memory_space<vmem>>) semaphore(%arg33 : memref<!tpu.dma_semaphore, #tpu.memory_space<semaphore_mem>>)
      } else {
      }
      %mul3A_653 = arith.constant 5 : i32
      %mul3A_654 = arith.muli %scan3A_586, %mul3A_653 : i32
      %add3A_655 = arith.constant 2 : i32
      %add3A_656 = arith.addi %mul3A_654, %add3A_655 : i32
      %dma_wait3A_657 = arith.constant 0 : i32
      %dma_wait3A_658 = tpu.memref_slice %arg2[%dma_wait3A_657] : memref<1000000xf32, #tpu.memory_space<hbm>> -> memref<512xf32, #tpu.memory_space<hbm>>
      %dma_wait3A_659 = arith.constant 0 : i32
      %dma_wait3A_660 = tpu.memref_slice %arg2[%dma_wait3A_659] : memref<1000000xf32, #tpu.memory_space<hbm>> -> memref<512xf32, #tpu.memory_space<hbm>>
      tpu.wait_dma2 semaphore(%arg34 : memref<!tpu.dma_semaphore, #tpu.memory_space<semaphore_mem>>) src(%dma_wait3A_660 : memref<512xf32, #tpu.memory_space<hbm>>) dst(%arg19 : memref<512xf32, #tpu.memory_space<vmem>>)
      %dma_wait3A_661 = arith.constant 0 : i32
      %dma_wait3A_662 = tpu.memref_slice %arg3[%dma_wait3A_661] : memref<1000000xf32, #tpu.memory_space<hbm>> -> memref<512xf32, #tpu.memory_space<hbm>>
      %dma_wait3A_663 = arith.constant 0 : i32
      %dma_wait3A_664 = tpu.memref_slice %arg3[%dma_wait3A_663] : memref<1000000xf32, #tpu.memory_space<hbm>> -> memref<512xf32, #tpu.memory_space<hbm>>
      tpu.wait_dma2 semaphore(%arg34 : memref<!tpu.dma_semaphore, #tpu.memory_space<semaphore_mem>>) src(%dma_wait3A_664 : memref<512xf32, #tpu.memory_space<hbm>>) dst(%arg24 : memref<512xf32, #tpu.memory_space<vmem>>)
      %dma_wait3A_665 = arith.constant 0 : i32
      %dma_wait3A_666 = tpu.memref_slice %arg6[%dma_wait3A_665] : memref<4000000xf32, #tpu.memory_space<hbm>> -> memref<512xf32, #tpu.memory_space<hbm>>
      %dma_wait3A_667 = arith.constant 0 : i32
      %dma_wait3A_668 = tpu.memref_slice %arg6[%dma_wait3A_667] : memref<4000000xf32, #tpu.memory_space<hbm>> -> memref<512xf32, #tpu.memory_space<hbm>>
      tpu.wait_dma2 semaphore(%arg39 : memref<!tpu.dma_semaphore, #tpu.memory_space<semaphore_mem>>) src(%arg29 : memref<512xf32, #tpu.memory_space<vmem>>) dst(%dma_wait3A_668 : memref<512xf32, #tpu.memory_space<hbm>>)
      %scan3A_669 = arith.constant 0 : i32
      %scan3A_670 = arith.constant 32 : i32
      %scan3A_671 = arith.addi %scan3A_669, %scan3A_670 : i32
      %scan3A_672 = arith.constant 1 : i32
      scf.for %scan3A_752 = %scan3A_669 to %scan3A_671 step %scan3A_672  : i32 {
        %mul3A_753 = arith.constant 16 : i32
        %mul3A_754 = arith.muli %scan3A_752, %mul3A_753 : i32
        %get3A_755 = arith.index_cast %mul3A_754 : i32 to index
        %get3A_756 = tpu.vector_load %arg19[%get3A_755] {strides = array<i32>} : memref<512xf32, #tpu.memory_space<vmem>>, vector<16xf32>,
        %get3A_757 = vector.shape_cast %get3A_756 : vector<16xf32> to vector<16xf32>
        %get3A_758 = arith.index_cast %mul3A_754 : i32 to index
        %get3A_759 = tpu.vector_load %arg24[%get3A_758] {strides = array<i32>} : memref<512xf32, #tpu.memory_space<vmem>>, vector<16xf32>,
        %get3A_760 = vector.shape_cast %get3A_759 : vector<16xf32> to vector<16xf32>
        %mul3A_761 = arith.mulf %get3A_757, %get3A_760 : vector<16xf32>
        %swap3A_762 = arith.index_cast %mul3A_754 : i32 to index
        %swap3A_763 = tpu.vector_load %arg29[%swap3A_762] {strides = array<i32>} : memref<512xf32, #tpu.memory_space<vmem>>, vector<16xf32>,
        %swap3A_764 = vector.shape_cast %swap3A_763 : vector<16xf32> to vector<16xf32>
        %swap3A_765 = vector.shape_cast %mul3A_761 : vector<16xf32> to vector<16xf32>
        tpu.vector_store %arg29[%swap3A_762], %swap3A_765 {strides = array<i32>} : memref<512xf32, #tpu.memory_space<vmem>>, vector<16xf32>,
      }
      %scan3A_673 = arith.constant 32 : i32
      %mul3A_674 = arith.constant 512 : i32
      %mul3A_675 = arith.muli %add3A_656, %mul3A_674 : i32
      %add3A_676 = arith.addi %mul3A_2, %mul3A_675 : i32
      %dma_start3A_677 = tpu.memref_slice %arg6[%add3A_676] : memref<4000000xf32, #tpu.memory_space<hbm>> -> memref<512xf32, #tpu.memory_space<hbm>>
      %dma_start3A_678 = tpu.memref_slice %arg6[%add3A_676] : memref<4000000xf32, #tpu.memory_space<hbm>> -> memref<512xf32, #tpu.memory_space<hbm>>
      tpu.enqueue_dma source(%arg29 : memref<512xf32, #tpu.memory_space<vmem>>) target(%dma_start3A_678 : memref<512xf32, #tpu.memory_space<hbm>>) target_semaphore(%arg39 : memref<!tpu.dma_semaphore, #tpu.memory_space<semaphore_mem>>)
      %add3A_679 = arith.constant 5 : i32
      %add3A_680 = arith.addi %add3A_656, %add3A_679 : i32
      %lt3A_681 = arith.constant 244 : i32
      %lt3A_682 = arith.cmpi slt, %add3A_680, %lt3A_681 : i32
      %convert_element_type3A_683 = arith.extui %lt3A_682 : i1 to i32
      %cond3A_684 = arith.constant 0 : i32
      %cond3A_685 = arith.cmpi ne, %convert_element_type3A_683, %cond3A_684 : i32
      scf.if %cond3A_685 {
        %add3A_752 = arith.constant 5 : i32
        %add3A_753 = arith.addi %add3A_656, %add3A_752 : i32
        %mul3A_754 = arith.constant 512 : i32
        %mul3A_755 = arith.muli %add3A_753, %mul3A_754 : i32
        %add3A_756 = arith.addi %mul3A_2, %mul3A_755 : i32
        "tpu.region"() ({
          %run_scoped3A = tpu.sem_alloc : memref<!tpu.dma_semaphore, #tpu.memory_space<semaphore_mem>>
          %dma_start3A_805 = tpu.memref_slice %arg4[%add3A_756] : memref<4000000xi32, #tpu.memory_space<hbm>> -> memref<512xi32, #tpu.memory_space<hbm>>
          %dma_start3A_806 = tpu.memref_slice %arg4[%add3A_756] : memref<4000000xi32, #tpu.memory_space<hbm>> -> memref<512xi32, #tpu.memory_space<hbm>>
          tpu.enqueue_dma source(%dma_start3A_806 : memref<512xi32, #tpu.memory_space<hbm>>) target(%arg9 : memref<512xi32, #tpu.memory_space<vmem>>) target_semaphore(%run_scoped3A : memref<!tpu.dma_semaphore, #tpu.memory_space<semaphore_mem>>)
          %dma_wait3A_807 = tpu.memref_slice %arg4[%add3A_756] : memref<4000000xi32, #tpu.memory_space<hbm>> -> memref<512xi32, #tpu.memory_space<hbm>>
          %dma_wait3A_808 = tpu.memref_slice %arg4[%add3A_756] : memref<4000000xi32, #tpu.memory_space<hbm>> -> memref<512xi32, #tpu.memory_space<hbm>>
          tpu.wait_dma2 semaphore(%run_scoped3A : memref<!tpu.dma_semaphore, #tpu.memory_space<semaphore_mem>>) src(%dma_wait3A_808 : memref<512xi32, #tpu.memory_space<hbm>>) dst(%arg9 : memref<512xi32, #tpu.memory_space<vmem>>)
          tpu.yield
        }) : () -> ()
        "tpu.region"() ({
          %run_scoped3A = tpu.sem_alloc : memref<!tpu.dma_semaphore, #tpu.memory_space<semaphore_mem>>
          %dma_start3A_805 = tpu.memref_slice %arg5[%add3A_756] : memref<4000000xi32, #tpu.memory_space<hbm>> -> memref<512xi32, #tpu.memory_space<hbm>>
          %dma_start3A_806 = tpu.memref_slice %arg5[%add3A_756] : memref<4000000xi32, #tpu.memory_space<hbm>> -> memref<512xi32, #tpu.memory_space<hbm>>
          tpu.enqueue_dma source(%dma_start3A_806 : memref<512xi32, #tpu.memory_space<hbm>>) target(%arg14 : memref<512xi32, #tpu.memory_space<vmem>>) target_semaphore(%run_scoped3A : memref<!tpu.dma_semaphore, #tpu.memory_space<semaphore_mem>>)
          %dma_wait3A_807 = tpu.memref_slice %arg5[%add3A_756] : memref<4000000xi32, #tpu.memory_space<hbm>> -> memref<512xi32, #tpu.memory_space<hbm>>
          %dma_wait3A_808 = tpu.memref_slice %arg5[%add3A_756] : memref<4000000xi32, #tpu.memory_space<hbm>> -> memref<512xi32, #tpu.memory_space<hbm>>
          tpu.wait_dma2 semaphore(%run_scoped3A : memref<!tpu.dma_semaphore, #tpu.memory_space<semaphore_mem>>) src(%dma_wait3A_808 : memref<512xi32, #tpu.memory_space<hbm>>) dst(%arg14 : memref<512xi32, #tpu.memory_space<vmem>>)
          tpu.yield
        }) : () -> ()
        %dma_start3A_757 = arith.constant 0 : i32
        %dma_start3A_758 = tpu.memref_slice %arg19[%dma_start3A_757] : memref<512xf32, #tpu.memory_space<vmem>> -> memref<128xf32, #tpu.memory_space<vmem>>
        %dma_start3A_759 = arith.constant 0 : i32
        %dma_start3A_760 = tpu.memref_slice %arg9[%dma_start3A_759] : memref<512xi32, #tpu.memory_space<vmem>> -> memref<128xi32, #tpu.memory_space<vmem>>
        %dma_start3A_761 = arith.constant 0 : i32
        %dma_start3A_762 = tpu.memref_slice %arg2[%dma_start3A_761] : memref<1000000xf32, #tpu.memory_space<hbm>> -> memref<1000000xf32, #tpu.memory_space<hbm>>
        tpu.enqueue_indirect_dma source(%dma_start3A_762 : memref<1000000xf32, #tpu.memory_space<hbm>>) target(%dma_start3A_758 : memref<128xf32, #tpu.memory_space<vmem>>) offsets(%dma_start3A_760 : memref<128xi32, #tpu.memory_space<vmem>>) semaphore(%arg34 : memref<!tpu.dma_semaphore, #tpu.memory_space<semaphore_mem>>)
        %dma_start3A_763 = arith.constant 0 : i32
        %dma_start3A_764 = tpu.memref_slice %arg24[%dma_start3A_763] : memref<512xf32, #tpu.memory_space<vmem>> -> memref<128xf32, #tpu.memory_space<vmem>>
        %dma_start3A_765 = arith.constant 0 : i32
        %dma_start3A_766 = tpu.memref_slice %arg14[%dma_start3A_765] : memref<512xi32, #tpu.memory_space<vmem>> -> memref<128xi32, #tpu.memory_space<vmem>>
        %dma_start3A_767 = arith.constant 0 : i32
        %dma_start3A_768 = tpu.memref_slice %arg3[%dma_start3A_767] : memref<1000000xf32, #tpu.memory_space<hbm>> -> memref<1000000xf32, #tpu.memory_space<hbm>>
        tpu.enqueue_indirect_dma source(%dma_start3A_768 : memref<1000000xf32, #tpu.memory_space<hbm>>) target(%dma_start3A_764 : memref<128xf32, #tpu.memory_space<vmem>>) offsets(%dma_start3A_766 : memref<128xi32, #tpu.memory_space<vmem>>) semaphore(%arg34 : memref<!tpu.dma_semaphore, #tpu.memory_space<semaphore_mem>>)
        %dma_start3A_769 = arith.constant 128 : i32
        %dma_start3A_770 = tpu.memref_slice %arg19[%dma_start3A_769] : memref<512xf32, #tpu.memory_space<vmem>> -> memref<128xf32, #tpu.memory_space<vmem>>
        %dma_start3A_771 = arith.constant 128 : i32
        %dma_start3A_772 = tpu.memref_slice %arg9[%dma_start3A_771] : memref<512xi32, #tpu.memory_space<vmem>> -> memref<128xi32, #tpu.memory_space<vmem>>
        %dma_start3A_773 = arith.constant 0 : i32
        %dma_start3A_774 = tpu.memref_slice %arg2[%dma_start3A_773] : memref<1000000xf32, #tpu.memory_space<hbm>> -> memref<1000000xf32, #tpu.memory_space<hbm>>
        tpu.enqueue_indirect_dma source(%dma_start3A_774 : memref<1000000xf32, #tpu.memory_space<hbm>>) target(%dma_start3A_770 : memref<128xf32, #tpu.memory_space<vmem>>) offsets(%dma_start3A_772 : memref<128xi32, #tpu.memory_space<vmem>>) semaphore(%arg34 : memref<!tpu.dma_semaphore, #tpu.memory_space<semaphore_mem>>)
        %dma_start3A_775 = arith.constant 128 : i32
        %dma_start3A_776 = tpu.memref_slice %arg24[%dma_start3A_775] : memref<512xf32, #tpu.memory_space<vmem>> -> memref<128xf32, #tpu.memory_space<vmem>>
        %dma_start3A_777 = arith.constant 128 : i32
        %dma_start3A_778 = tpu.memref_slice %arg14[%dma_start3A_777] : memref<512xi32, #tpu.memory_space<vmem>> -> memref<128xi32, #tpu.memory_space<vmem>>
        %dma_start3A_779 = arith.constant 0 : i32
        %dma_start3A_780 = tpu.memref_slice %arg3[%dma_start3A_779] : memref<1000000xf32, #tpu.memory_space<hbm>> -> memref<1000000xf32, #tpu.memory_space<hbm>>
        tpu.enqueue_indirect_dma source(%dma_start3A_780 : memref<1000000xf32, #tpu.memory_space<hbm>>) target(%dma_start3A_776 : memref<128xf32, #tpu.memory_space<vmem>>) offsets(%dma_start3A_778 : memref<128xi32, #tpu.memory_space<vmem>>) semaphore(%arg34 : memref<!tpu.dma_semaphore, #tpu.memory_space<semaphore_mem>>)
        %dma_start3A_781 = arith.constant 256 : i32
        %dma_start3A_782 = tpu.memref_slice %arg19[%dma_start3A_781] : memref<512xf32, #tpu.memory_space<vmem>> -> memref<128xf32, #tpu.memory_space<vmem>>
        %dma_start3A_783 = arith.constant 256 : i32
        %dma_start3A_784 = tpu.memref_slice %arg9[%dma_start3A_783] : memref<512xi32, #tpu.memory_space<vmem>> -> memref<128xi32, #tpu.memory_space<vmem>>
        %dma_start3A_785 = arith.constant 0 : i32
        %dma_start3A_786 = tpu.memref_slice %arg2[%dma_start3A_785] : memref<1000000xf32, #tpu.memory_space<hbm>> -> memref<1000000xf32, #tpu.memory_space<hbm>>
        tpu.enqueue_indirect_dma source(%dma_start3A_786 : memref<1000000xf32, #tpu.memory_space<hbm>>) target(%dma_start3A_782 : memref<128xf32, #tpu.memory_space<vmem>>) offsets(%dma_start3A_784 : memref<128xi32, #tpu.memory_space<vmem>>) semaphore(%arg34 : memref<!tpu.dma_semaphore, #tpu.memory_space<semaphore_mem>>)
        %dma_start3A_787 = arith.constant 256 : i32
        %dma_start3A_788 = tpu.memref_slice %arg24[%dma_start3A_787] : memref<512xf32, #tpu.memory_space<vmem>> -> memref<128xf32, #tpu.memory_space<vmem>>
        %dma_start3A_789 = arith.constant 256 : i32
        %dma_start3A_790 = tpu.memref_slice %arg14[%dma_start3A_789] : memref<512xi32, #tpu.memory_space<vmem>> -> memref<128xi32, #tpu.memory_space<vmem>>
        %dma_start3A_791 = arith.constant 0 : i32
        %dma_start3A_792 = tpu.memref_slice %arg3[%dma_start3A_791] : memref<1000000xf32, #tpu.memory_space<hbm>> -> memref<1000000xf32, #tpu.memory_space<hbm>>
        tpu.enqueue_indirect_dma source(%dma_start3A_792 : memref<1000000xf32, #tpu.memory_space<hbm>>) target(%dma_start3A_788 : memref<128xf32, #tpu.memory_space<vmem>>) offsets(%dma_start3A_790 : memref<128xi32, #tpu.memory_space<vmem>>) semaphore(%arg34 : memref<!tpu.dma_semaphore, #tpu.memory_space<semaphore_mem>>)
        %dma_start3A_793 = arith.constant 384 : i32
        %dma_start3A_794 = tpu.memref_slice %arg19[%dma_start3A_793] : memref<512xf32, #tpu.memory_space<vmem>> -> memref<128xf32, #tpu.memory_space<vmem>>
        %dma_start3A_795 = arith.constant 384 : i32
        %dma_start3A_796 = tpu.memref_slice %arg9[%dma_start3A_795] : memref<512xi32, #tpu.memory_space<vmem>> -> memref<128xi32, #tpu.memory_space<vmem>>
        %dma_start3A_797 = arith.constant 0 : i32
        %dma_start3A_798 = tpu.memref_slice %arg2[%dma_start3A_797] : memref<1000000xf32, #tpu.memory_space<hbm>> -> memref<1000000xf32, #tpu.memory_space<hbm>>
        tpu.enqueue_indirect_dma source(%dma_start3A_798 : memref<1000000xf32, #tpu.memory_space<hbm>>) target(%dma_start3A_794 : memref<128xf32, #tpu.memory_space<vmem>>) offsets(%dma_start3A_796 : memref<128xi32, #tpu.memory_space<vmem>>) semaphore(%arg34 : memref<!tpu.dma_semaphore, #tpu.memory_space<semaphore_mem>>)
        %dma_start3A_799 = arith.constant 384 : i32
        %dma_start3A_800 = tpu.memref_slice %arg24[%dma_start3A_799] : memref<512xf32, #tpu.memory_space<vmem>> -> memref<128xf32, #tpu.memory_space<vmem>>
        %dma_start3A_801 = arith.constant 384 : i32
        %dma_start3A_802 = tpu.memref_slice %arg14[%dma_start3A_801] : memref<512xi32, #tpu.memory_space<vmem>> -> memref<128xi32, #tpu.memory_space<vmem>>
        %dma_start3A_803 = arith.constant 0 : i32
        %dma_start3A_804 = tpu.memref_slice %arg3[%dma_start3A_803] : memref<1000000xf32, #tpu.memory_space<hbm>> -> memref<1000000xf32, #tpu.memory_space<hbm>>
        tpu.enqueue_indirect_dma source(%dma_start3A_804 : memref<1000000xf32, #tpu.memory_space<hbm>>) target(%dma_start3A_800 : memref<128xf32, #tpu.memory_space<vmem>>) offsets(%dma_start3A_802 : memref<128xi32, #tpu.memory_space<vmem>>) semaphore(%arg34 : memref<!tpu.dma_semaphore, #tpu.memory_space<semaphore_mem>>)
      } else {
      }
      %mul3A_686 = arith.constant 5 : i32
      %mul3A_687 = arith.muli %scan3A_586, %mul3A_686 : i32
      %add3A_688 = arith.constant 3 : i32
      %add3A_689 = arith.addi %mul3A_687, %add3A_688 : i32
      %dma_wait3A_690 = arith.constant 0 : i32
      %dma_wait3A_691 = tpu.memref_slice %arg2[%dma_wait3A_690] : memref<1000000xf32, #tpu.memory_space<hbm>> -> memref<512xf32, #tpu.memory_space<hbm>>
      %dma_wait3A_692 = arith.constant 0 : i32
      %dma_wait3A_693 = tpu.memref_slice %arg2[%dma_wait3A_692] : memref<1000000xf32, #tpu.memory_space<hbm>> -> memref<512xf32, #tpu.memory_space<hbm>>
      tpu.wait_dma2 semaphore(%arg35 : memref<!tpu.dma_semaphore, #tpu.memory_space<semaphore_mem>>) src(%dma_wait3A_693 : memref<512xf32, #tpu.memory_space<hbm>>) dst(%arg20 : memref<512xf32, #tpu.memory_space<vmem>>)
      %dma_wait3A_694 = arith.constant 0 : i32
      %dma_wait3A_695 = tpu.memref_slice %arg3[%dma_wait3A_694] : memref<1000000xf32, #tpu.memory_space<hbm>> -> memref<512xf32, #tpu.memory_space<hbm>>
      %dma_wait3A_696 = arith.constant 0 : i32
      %dma_wait3A_697 = tpu.memref_slice %arg3[%dma_wait3A_696] : memref<1000000xf32, #tpu.memory_space<hbm>> -> memref<512xf32, #tpu.memory_space<hbm>>
      tpu.wait_dma2 semaphore(%arg35 : memref<!tpu.dma_semaphore, #tpu.memory_space<semaphore_mem>>) src(%dma_wait3A_697 : memref<512xf32, #tpu.memory_space<hbm>>) dst(%arg25 : memref<512xf32, #tpu.memory_space<vmem>>)
      %dma_wait3A_698 = arith.constant 0 : i32
      %dma_wait3A_699 = tpu.memref_slice %arg6[%dma_wait3A_698] : memref<4000000xf32, #tpu.memory_space<hbm>> -> memref<512xf32, #tpu.memory_space<hbm>>
      %dma_wait3A_700 = arith.constant 0 : i32
      %dma_wait3A_701 = tpu.memref_slice %arg6[%dma_wait3A_700] : memref<4000000xf32, #tpu.memory_space<hbm>> -> memref<512xf32, #tpu.memory_space<hbm>>
      tpu.wait_dma2 semaphore(%arg40 : memref<!tpu.dma_semaphore, #tpu.memory_space<semaphore_mem>>) src(%arg30 : memref<512xf32, #tpu.memory_space<vmem>>) dst(%dma_wait3A_701 : memref<512xf32, #tpu.memory_space<hbm>>)
      %scan3A_702 = arith.constant 0 : i32
      %scan3A_703 = arith.constant 32 : i32
      %scan3A_704 = arith.addi %scan3A_702, %scan3A_703 : i32
      %scan3A_705 = arith.constant 1 : i32
      scf.for %scan3A_752 = %scan3A_702 to %scan3A_704 step %scan3A_705  : i32 {
        %mul3A_753 = arith.constant 16 : i32
        %mul3A_754 = arith.muli %scan3A_752, %mul3A_753 : i32
        %get3A_755 = arith.index_cast %mul3A_754 : i32 to index
        %get3A_756 = tpu.vector_load %arg20[%get3A_755] {strides = array<i32>} : memref<512xf32, #tpu.memory_space<vmem>>, vector<16xf32>,
        %get3A_757 = vector.shape_cast %get3A_756 : vector<16xf32> to vector<16xf32>
        %get3A_758 = arith.index_cast %mul3A_754 : i32 to index
        %get3A_759 = tpu.vector_load %arg25[%get3A_758] {strides = array<i32>} : memref<512xf32, #tpu.memory_space<vmem>>, vector<16xf32>,
        %get3A_760 = vector.shape_cast %get3A_759 : vector<16xf32> to vector<16xf32>
        %mul3A_761 = arith.mulf %get3A_757, %get3A_760 : vector<16xf32>
        %swap3A_762 = arith.index_cast %mul3A_754 : i32 to index
        %swap3A_763 = tpu.vector_load %arg30[%swap3A_762] {strides = array<i32>} : memref<512xf32, #tpu.memory_space<vmem>>, vector<16xf32>,
        %swap3A_764 = vector.shape_cast %swap3A_763 : vector<16xf32> to vector<16xf32>
        %swap3A_765 = vector.shape_cast %mul3A_761 : vector<16xf32> to vector<16xf32>
        tpu.vector_store %arg30[%swap3A_762], %swap3A_765 {strides = array<i32>} : memref<512xf32, #tpu.memory_space<vmem>>, vector<16xf32>,
      }
      %scan3A_706 = arith.constant 32 : i32
      %mul3A_707 = arith.constant 512 : i32
      %mul3A_708 = arith.muli %add3A_689, %mul3A_707 : i32
      %add3A_709 = arith.addi %mul3A_2, %mul3A_708 : i32
      %dma_start3A_710 = tpu.memref_slice %arg6[%add3A_709] : memref<4000000xf32, #tpu.memory_space<hbm>> -> memref<512xf32, #tpu.memory_space<hbm>>
      %dma_start3A_711 = tpu.memref_slice %arg6[%add3A_709] : memref<4000000xf32, #tpu.memory_space<hbm>> -> memref<512xf32, #tpu.memory_space<hbm>>
      tpu.enqueue_dma source(%arg30 : memref<512xf32, #tpu.memory_space<vmem>>) target(%dma_start3A_711 : memref<512xf32, #tpu.memory_space<hbm>>) target_semaphore(%arg40 : memref<!tpu.dma_semaphore, #tpu.memory_space<semaphore_mem>>)
      %add3A_712 = arith.constant 5 : i32
      %add3A_713 = arith.addi %add3A_689, %add3A_712 : i32
      %lt3A_714 = arith.constant 244 : i32
      %lt3A_715 = arith.cmpi slt, %add3A_713, %lt3A_714 : i32
      %convert_element_type3A_716 = arith.extui %lt3A_715 : i1 to i32
      %cond3A_717 = arith.constant 0 : i32
      %cond3A_718 = arith.cmpi ne, %convert_element_type3A_716, %cond3A_717 : i32
      scf.if %cond3A_718 {
        %add3A_752 = arith.constant 5 : i32
        %add3A_753 = arith.addi %add3A_689, %add3A_752 : i32
        %mul3A_754 = arith.constant 512 : i32
        %mul3A_755 = arith.muli %add3A_753, %mul3A_754 : i32
        %add3A_756 = arith.addi %mul3A_2, %mul3A_755 : i32
        "tpu.region"() ({
          %run_scoped3A = tpu.sem_alloc : memref<!tpu.dma_semaphore, #tpu.memory_space<semaphore_mem>>
          %dma_start3A_805 = tpu.memref_slice %arg4[%add3A_756] : memref<4000000xi32, #tpu.memory_space<hbm>> -> memref<512xi32, #tpu.memory_space<hbm>>
          %dma_start3A_806 = tpu.memref_slice %arg4[%add3A_756] : memref<4000000xi32, #tpu.memory_space<hbm>> -> memref<512xi32, #tpu.memory_space<hbm>>
          tpu.enqueue_dma source(%dma_start3A_806 : memref<512xi32, #tpu.memory_space<hbm>>) target(%arg10 : memref<512xi32, #tpu.memory_space<vmem>>) target_semaphore(%run_scoped3A : memref<!tpu.dma_semaphore, #tpu.memory_space<semaphore_mem>>)
          %dma_wait3A_807 = tpu.memref_slice %arg4[%add3A_756] : memref<4000000xi32, #tpu.memory_space<hbm>> -> memref<512xi32, #tpu.memory_space<hbm>>
          %dma_wait3A_808 = tpu.memref_slice %arg4[%add3A_756] : memref<4000000xi32, #tpu.memory_space<hbm>> -> memref<512xi32, #tpu.memory_space<hbm>>
          tpu.wait_dma2 semaphore(%run_scoped3A : memref<!tpu.dma_semaphore, #tpu.memory_space<semaphore_mem>>) src(%dma_wait3A_808 : memref<512xi32, #tpu.memory_space<hbm>>) dst(%arg10 : memref<512xi32, #tpu.memory_space<vmem>>)
          tpu.yield
        }) : () -> ()
        "tpu.region"() ({
          %run_scoped3A = tpu.sem_alloc : memref<!tpu.dma_semaphore, #tpu.memory_space<semaphore_mem>>
          %dma_start3A_805 = tpu.memref_slice %arg5[%add3A_756] : memref<4000000xi32, #tpu.memory_space<hbm>> -> memref<512xi32, #tpu.memory_space<hbm>>
          %dma_start3A_806 = tpu.memref_slice %arg5[%add3A_756] : memref<4000000xi32, #tpu.memory_space<hbm>> -> memref<512xi32, #tpu.memory_space<hbm>>
          tpu.enqueue_dma source(%dma_start3A_806 : memref<512xi32, #tpu.memory_space<hbm>>) target(%arg15 : memref<512xi32, #tpu.memory_space<vmem>>) target_semaphore(%run_scoped3A : memref<!tpu.dma_semaphore, #tpu.memory_space<semaphore_mem>>)
          %dma_wait3A_807 = tpu.memref_slice %arg5[%add3A_756] : memref<4000000xi32, #tpu.memory_space<hbm>> -> memref<512xi32, #tpu.memory_space<hbm>>
          %dma_wait3A_808 = tpu.memref_slice %arg5[%add3A_756] : memref<4000000xi32, #tpu.memory_space<hbm>> -> memref<512xi32, #tpu.memory_space<hbm>>
          tpu.wait_dma2 semaphore(%run_scoped3A : memref<!tpu.dma_semaphore, #tpu.memory_space<semaphore_mem>>) src(%dma_wait3A_808 : memref<512xi32, #tpu.memory_space<hbm>>) dst(%arg15 : memref<512xi32, #tpu.memory_space<vmem>>)
          tpu.yield
        }) : () -> ()
        %dma_start3A_757 = arith.constant 0 : i32
        %dma_start3A_758 = tpu.memref_slice %arg20[%dma_start3A_757] : memref<512xf32, #tpu.memory_space<vmem>> -> memref<128xf32, #tpu.memory_space<vmem>>
        %dma_start3A_759 = arith.constant 0 : i32
        %dma_start3A_760 = tpu.memref_slice %arg10[%dma_start3A_759] : memref<512xi32, #tpu.memory_space<vmem>> -> memref<128xi32, #tpu.memory_space<vmem>>
        %dma_start3A_761 = arith.constant 0 : i32
        %dma_start3A_762 = tpu.memref_slice %arg2[%dma_start3A_761] : memref<1000000xf32, #tpu.memory_space<hbm>> -> memref<1000000xf32, #tpu.memory_space<hbm>>
        tpu.enqueue_indirect_dma source(%dma_start3A_762 : memref<1000000xf32, #tpu.memory_space<hbm>>) target(%dma_start3A_758 : memref<128xf32, #tpu.memory_space<vmem>>) offsets(%dma_start3A_760 : memref<128xi32, #tpu.memory_space<vmem>>) semaphore(%arg35 : memref<!tpu.dma_semaphore, #tpu.memory_space<semaphore_mem>>)
        %dma_start3A_763 = arith.constant 0 : i32
        %dma_start3A_764 = tpu.memref_slice %arg25[%dma_start3A_763] : memref<512xf32, #tpu.memory_space<vmem>> -> memref<128xf32, #tpu.memory_space<vmem>>
        %dma_start3A_765 = arith.constant 0 : i32
        %dma_start3A_766 = tpu.memref_slice %arg15[%dma_start3A_765] : memref<512xi32, #tpu.memory_space<vmem>> -> memref<128xi32, #tpu.memory_space<vmem>>
        %dma_start3A_767 = arith.constant 0 : i32
        %dma_start3A_768 = tpu.memref_slice %arg3[%dma_start3A_767] : memref<1000000xf32, #tpu.memory_space<hbm>> -> memref<1000000xf32, #tpu.memory_space<hbm>>
        tpu.enqueue_indirect_dma source(%dma_start3A_768 : memref<1000000xf32, #tpu.memory_space<hbm>>) target(%dma_start3A_764 : memref<128xf32, #tpu.memory_space<vmem>>) offsets(%dma_start3A_766 : memref<128xi32, #tpu.memory_space<vmem>>) semaphore(%arg35 : memref<!tpu.dma_semaphore, #tpu.memory_space<semaphore_mem>>)
        %dma_start3A_769 = arith.constant 128 : i32
        %dma_start3A_770 = tpu.memref_slice %arg20[%dma_start3A_769] : memref<512xf32, #tpu.memory_space<vmem>> -> memref<128xf32, #tpu.memory_space<vmem>>
        %dma_start3A_771 = arith.constant 128 : i32
        %dma_start3A_772 = tpu.memref_slice %arg10[%dma_start3A_771] : memref<512xi32, #tpu.memory_space<vmem>> -> memref<128xi32, #tpu.memory_space<vmem>>
        %dma_start3A_773 = arith.constant 0 : i32
        %dma_start3A_774 = tpu.memref_slice %arg2[%dma_start3A_773] : memref<1000000xf32, #tpu.memory_space<hbm>> -> memref<1000000xf32, #tpu.memory_space<hbm>>
        tpu.enqueue_indirect_dma source(%dma_start3A_774 : memref<1000000xf32, #tpu.memory_space<hbm>>) target(%dma_start3A_770 : memref<128xf32, #tpu.memory_space<vmem>>) offsets(%dma_start3A_772 : memref<128xi32, #tpu.memory_space<vmem>>) semaphore(%arg35 : memref<!tpu.dma_semaphore, #tpu.memory_space<semaphore_mem>>)
        %dma_start3A_775 = arith.constant 128 : i32
        %dma_start3A_776 = tpu.memref_slice %arg25[%dma_start3A_775] : memref<512xf32, #tpu.memory_space<vmem>> -> memref<128xf32, #tpu.memory_space<vmem>>
        %dma_start3A_777 = arith.constant 128 : i32
        %dma_start3A_778 = tpu.memref_slice %arg15[%dma_start3A_777] : memref<512xi32, #tpu.memory_space<vmem>> -> memref<128xi32, #tpu.memory_space<vmem>>
        %dma_start3A_779 = arith.constant 0 : i32
        %dma_start3A_780 = tpu.memref_slice %arg3[%dma_start3A_779] : memref<1000000xf32, #tpu.memory_space<hbm>> -> memref<1000000xf32, #tpu.memory_space<hbm>>
        tpu.enqueue_indirect_dma source(%dma_start3A_780 : memref<1000000xf32, #tpu.memory_space<hbm>>) target(%dma_start3A_776 : memref<128xf32, #tpu.memory_space<vmem>>) offsets(%dma_start3A_778 : memref<128xi32, #tpu.memory_space<vmem>>) semaphore(%arg35 : memref<!tpu.dma_semaphore, #tpu.memory_space<semaphore_mem>>)
        %dma_start3A_781 = arith.constant 256 : i32
        %dma_start3A_782 = tpu.memref_slice %arg20[%dma_start3A_781] : memref<512xf32, #tpu.memory_space<vmem>> -> memref<128xf32, #tpu.memory_space<vmem>>
        %dma_start3A_783 = arith.constant 256 : i32
        %dma_start3A_784 = tpu.memref_slice %arg10[%dma_start3A_783] : memref<512xi32, #tpu.memory_space<vmem>> -> memref<128xi32, #tpu.memory_space<vmem>>
        %dma_start3A_785 = arith.constant 0 : i32
        %dma_start3A_786 = tpu.memref_slice %arg2[%dma_start3A_785] : memref<1000000xf32, #tpu.memory_space<hbm>> -> memref<1000000xf32, #tpu.memory_space<hbm>>
        tpu.enqueue_indirect_dma source(%dma_start3A_786 : memref<1000000xf32, #tpu.memory_space<hbm>>) target(%dma_start3A_782 : memref<128xf32, #tpu.memory_space<vmem>>) offsets(%dma_start3A_784 : memref<128xi32, #tpu.memory_space<vmem>>) semaphore(%arg35 : memref<!tpu.dma_semaphore, #tpu.memory_space<semaphore_mem>>)
        %dma_start3A_787 = arith.constant 256 : i32
        %dma_start3A_788 = tpu.memref_slice %arg25[%dma_start3A_787] : memref<512xf32, #tpu.memory_space<vmem>> -> memref<128xf32, #tpu.memory_space<vmem>>
        %dma_start3A_789 = arith.constant 256 : i32
        %dma_start3A_790 = tpu.memref_slice %arg15[%dma_start3A_789] : memref<512xi32, #tpu.memory_space<vmem>> -> memref<128xi32, #tpu.memory_space<vmem>>
        %dma_start3A_791 = arith.constant 0 : i32
        %dma_start3A_792 = tpu.memref_slice %arg3[%dma_start3A_791] : memref<1000000xf32, #tpu.memory_space<hbm>> -> memref<1000000xf32, #tpu.memory_space<hbm>>
        tpu.enqueue_indirect_dma source(%dma_start3A_792 : memref<1000000xf32, #tpu.memory_space<hbm>>) target(%dma_start3A_788 : memref<128xf32, #tpu.memory_space<vmem>>) offsets(%dma_start3A_790 : memref<128xi32, #tpu.memory_space<vmem>>) semaphore(%arg35 : memref<!tpu.dma_semaphore, #tpu.memory_space<semaphore_mem>>)
        %dma_start3A_793 = arith.constant 384 : i32
        %dma_start3A_794 = tpu.memref_slice %arg20[%dma_start3A_793] : memref<512xf32, #tpu.memory_space<vmem>> -> memref<128xf32, #tpu.memory_space<vmem>>
        %dma_start3A_795 = arith.constant 384 : i32
        %dma_start3A_796 = tpu.memref_slice %arg10[%dma_start3A_795] : memref<512xi32, #tpu.memory_space<vmem>> -> memref<128xi32, #tpu.memory_space<vmem>>
        %dma_start3A_797 = arith.constant 0 : i32
        %dma_start3A_798 = tpu.memref_slice %arg2[%dma_start3A_797] : memref<1000000xf32, #tpu.memory_space<hbm>> -> memref<1000000xf32, #tpu.memory_space<hbm>>
        tpu.enqueue_indirect_dma source(%dma_start3A_798 : memref<1000000xf32, #tpu.memory_space<hbm>>) target(%dma_start3A_794 : memref<128xf32, #tpu.memory_space<vmem>>) offsets(%dma_start3A_796 : memref<128xi32, #tpu.memory_space<vmem>>) semaphore(%arg35 : memref<!tpu.dma_semaphore, #tpu.memory_space<semaphore_mem>>)
        %dma_start3A_799 = arith.constant 384 : i32
        %dma_start3A_800 = tpu.memref_slice %arg25[%dma_start3A_799] : memref<512xf32, #tpu.memory_space<vmem>> -> memref<128xf32, #tpu.memory_space<vmem>>
        %dma_start3A_801 = arith.constant 384 : i32
        %dma_start3A_802 = tpu.memref_slice %arg15[%dma_start3A_801] : memref<512xi32, #tpu.memory_space<vmem>> -> memref<128xi32, #tpu.memory_space<vmem>>
        %dma_start3A_803 = arith.constant 0 : i32
        %dma_start3A_804 = tpu.memref_slice %arg3[%dma_start3A_803] : memref<1000000xf32, #tpu.memory_space<hbm>> -> memref<1000000xf32, #tpu.memory_space<hbm>>
        tpu.enqueue_indirect_dma source(%dma_start3A_804 : memref<1000000xf32, #tpu.memory_space<hbm>>) target(%dma_start3A_800 : memref<128xf32, #tpu.memory_space<vmem>>) offsets(%dma_start3A_802 : memref<128xi32, #tpu.memory_space<vmem>>) semaphore(%arg35 : memref<!tpu.dma_semaphore, #tpu.memory_space<semaphore_mem>>)
      } else {
      }
      %mul3A_719 = arith.constant 5 : i32
      %mul3A_720 = arith.muli %scan3A_586, %mul3A_719 : i32
      %add3A_721 = arith.constant 4 : i32
      %add3A_722 = arith.addi %mul3A_720, %add3A_721 : i32
      %dma_wait3A_723 = arith.constant 0 : i32
      %dma_wait3A_724 = tpu.memref_slice %arg2[%dma_wait3A_723] : memref<1000000xf32, #tpu.memory_space<hbm>> -> memref<512xf32, #tpu.memory_space<hbm>>
      %dma_wait3A_725 = arith.constant 0 : i32
      %dma_wait3A_726 = tpu.memref_slice %arg2[%dma_wait3A_725] : memref<1000000xf32, #tpu.memory_space<hbm>> -> memref<512xf32, #tpu.memory_space<hbm>>
      tpu.wait_dma2 semaphore(%arg36 : memref<!tpu.dma_semaphore, #tpu.memory_space<semaphore_mem>>) src(%dma_wait3A_726 : memref<512xf32, #tpu.memory_space<hbm>>) dst(%arg21 : memref<512xf32, #tpu.memory_space<vmem>>)
      %dma_wait3A_727 = arith.constant 0 : i32
      %dma_wait3A_728 = tpu.memref_slice %arg3[%dma_wait3A_727] : memref<1000000xf32, #tpu.memory_space<hbm>> -> memref<512xf32, #tpu.memory_space<hbm>>
      %dma_wait3A_729 = arith.constant 0 : i32
      %dma_wait3A_730 = tpu.memref_slice %arg3[%dma_wait3A_729] : memref<1000000xf32, #tpu.memory_space<hbm>> -> memref<512xf32, #tpu.memory_space<hbm>>
      tpu.wait_dma2 semaphore(%arg36 : memref<!tpu.dma_semaphore, #tpu.memory_space<semaphore_mem>>) src(%dma_wait3A_730 : memref<512xf32, #tpu.memory_space<hbm>>) dst(%arg26 : memref<512xf32, #tpu.memory_space<vmem>>)
      %dma_wait3A_731 = arith.constant 0 : i32
      %dma_wait3A_732 = tpu.memref_slice %arg6[%dma_wait3A_731] : memref<4000000xf32, #tpu.memory_space<hbm>> -> memref<512xf32, #tpu.memory_space<hbm>>
      %dma_wait3A_733 = arith.constant 0 : i32
      %dma_wait3A_734 = tpu.memref_slice %arg6[%dma_wait3A_733] : memref<4000000xf32, #tpu.memory_space<hbm>> -> memref<512xf32, #tpu.memory_space<hbm>>
      tpu.wait_dma2 semaphore(%arg41 : memref<!tpu.dma_semaphore, #tpu.memory_space<semaphore_mem>>) src(%arg31 : memref<512xf32, #tpu.memory_space<vmem>>) dst(%dma_wait3A_734 : memref<512xf32, #tpu.memory_space<hbm>>)
      %scan3A_735 = arith.constant 0 : i32
      %scan3A_736 = arith.constant 32 : i32
      %scan3A_737 = arith.addi %scan3A_735, %scan3A_736 : i32
      %scan3A_738 = arith.constant 1 : i32
      scf.for %scan3A_752 = %scan3A_735 to %scan3A_737 step %scan3A_738  : i32 {
        %mul3A_753 = arith.constant 16 : i32
        %mul3A_754 = arith.muli %scan3A_752, %mul3A_753 : i32
        %get3A_755 = arith.index_cast %mul3A_754 : i32 to index
        %get3A_756 = tpu.vector_load %arg21[%get3A_755] {strides = array<i32>} : memref<512xf32, #tpu.memory_space<vmem>>, vector<16xf32>,
        %get3A_757 = vector.shape_cast %get3A_756 : vector<16xf32> to vector<16xf32>
        %get3A_758 = arith.index_cast %mul3A_754 : i32 to index
        %get3A_759 = tpu.vector_load %arg26[%get3A_758] {strides = array<i32>} : memref<512xf32, #tpu.memory_space<vmem>>, vector<16xf32>,
        %get3A_760 = vector.shape_cast %get3A_759 : vector<16xf32> to vector<16xf32>
        %mul3A_761 = arith.mulf %get3A_757, %get3A_760 : vector<16xf32>
        %swap3A_762 = arith.index_cast %mul3A_754 : i32 to index
        %swap3A_763 = tpu.vector_load %arg31[%swap3A_762] {strides = array<i32>} : memref<512xf32, #tpu.memory_space<vmem>>, vector<16xf32>,
        %swap3A_764 = vector.shape_cast %swap3A_763 : vector<16xf32> to vector<16xf32>
        %swap3A_765 = vector.shape_cast %mul3A_761 : vector<16xf32> to vector<16xf32>
        tpu.vector_store %arg31[%swap3A_762], %swap3A_765 {strides = array<i32>} : memref<512xf32, #tpu.memory_space<vmem>>, vector<16xf32>,
      }
      %scan3A_739 = arith.constant 32 : i32
      %mul3A_740 = arith.constant 512 : i32
      %mul3A_741 = arith.muli %add3A_722, %mul3A_740 : i32
      %add3A_742 = arith.addi %mul3A_2, %mul3A_741 : i32
      %dma_start3A_743 = tpu.memref_slice %arg6[%add3A_742] : memref<4000000xf32, #tpu.memory_space<hbm>> -> memref<512xf32, #tpu.memory_space<hbm>>
      %dma_start3A_744 = tpu.memref_slice %arg6[%add3A_742] : memref<4000000xf32, #tpu.memory_space<hbm>> -> memref<512xf32, #tpu.memory_space<hbm>>
      tpu.enqueue_dma source(%arg31 : memref<512xf32, #tpu.memory_space<vmem>>) target(%dma_start3A_744 : memref<512xf32, #tpu.memory_space<hbm>>) target_semaphore(%arg41 : memref<!tpu.dma_semaphore, #tpu.memory_space<semaphore_mem>>)
      %add3A_745 = arith.constant 5 : i32
      %add3A_746 = arith.addi %add3A_722, %add3A_745 : i32
      %lt3A_747 = arith.constant 244 : i32
      %lt3A_748 = arith.cmpi slt, %add3A_746, %lt3A_747 : i32
      %convert_element_type3A_749 = arith.extui %lt3A_748 : i1 to i32
      %cond3A_750 = arith.constant 0 : i32
      %cond3A_751 = arith.cmpi ne, %convert_element_type3A_749, %cond3A_750 : i32
      scf.if %cond3A_751 {
        %add3A_752 = arith.constant 5 : i32
        %add3A_753 = arith.addi %add3A_722, %add3A_752 : i32
        %mul3A_754 = arith.constant 512 : i32
        %mul3A_755 = arith.muli %add3A_753, %mul3A_754 : i32
        %add3A_756 = arith.addi %mul3A_2, %mul3A_755 : i32
        "tpu.region"() ({
          %run_scoped3A = tpu.sem_alloc : memref<!tpu.dma_semaphore, #tpu.memory_space<semaphore_mem>>
          %dma_start3A_805 = tpu.memref_slice %arg4[%add3A_756] : memref<4000000xi32, #tpu.memory_space<hbm>> -> memref<512xi32, #tpu.memory_space<hbm>>
          %dma_start3A_806 = tpu.memref_slice %arg4[%add3A_756] : memref<4000000xi32, #tpu.memory_space<hbm>> -> memref<512xi32, #tpu.memory_space<hbm>>
          tpu.enqueue_dma source(%dma_start3A_806 : memref<512xi32, #tpu.memory_space<hbm>>) target(%arg11 : memref<512xi32, #tpu.memory_space<vmem>>) target_semaphore(%run_scoped3A : memref<!tpu.dma_semaphore, #tpu.memory_space<semaphore_mem>>)
          %dma_wait3A_807 = tpu.memref_slice %arg4[%add3A_756] : memref<4000000xi32, #tpu.memory_space<hbm>> -> memref<512xi32, #tpu.memory_space<hbm>>
          %dma_wait3A_808 = tpu.memref_slice %arg4[%add3A_756] : memref<4000000xi32, #tpu.memory_space<hbm>> -> memref<512xi32, #tpu.memory_space<hbm>>
          tpu.wait_dma2 semaphore(%run_scoped3A : memref<!tpu.dma_semaphore, #tpu.memory_space<semaphore_mem>>) src(%dma_wait3A_808 : memref<512xi32, #tpu.memory_space<hbm>>) dst(%arg11 : memref<512xi32, #tpu.memory_space<vmem>>)
          tpu.yield
        }) : () -> ()
        "tpu.region"() ({
          %run_scoped3A = tpu.sem_alloc : memref<!tpu.dma_semaphore, #tpu.memory_space<semaphore_mem>>
          %dma_start3A_805 = tpu.memref_slice %arg5[%add3A_756] : memref<4000000xi32, #tpu.memory_space<hbm>> -> memref<512xi32, #tpu.memory_space<hbm>>
          %dma_start3A_806 = tpu.memref_slice %arg5[%add3A_756] : memref<4000000xi32, #tpu.memory_space<hbm>> -> memref<512xi32, #tpu.memory_space<hbm>>
          tpu.enqueue_dma source(%dma_start3A_806 : memref<512xi32, #tpu.memory_space<hbm>>) target(%arg16 : memref<512xi32, #tpu.memory_space<vmem>>) target_semaphore(%run_scoped3A : memref<!tpu.dma_semaphore, #tpu.memory_space<semaphore_mem>>)
          %dma_wait3A_807 = tpu.memref_slice %arg5[%add3A_756] : memref<4000000xi32, #tpu.memory_space<hbm>> -> memref<512xi32, #tpu.memory_space<hbm>>
          %dma_wait3A_808 = tpu.memref_slice %arg5[%add3A_756] : memref<4000000xi32, #tpu.memory_space<hbm>> -> memref<512xi32, #tpu.memory_space<hbm>>
          tpu.wait_dma2 semaphore(%run_scoped3A : memref<!tpu.dma_semaphore, #tpu.memory_space<semaphore_mem>>) src(%dma_wait3A_808 : memref<512xi32, #tpu.memory_space<hbm>>) dst(%arg16 : memref<512xi32, #tpu.memory_space<vmem>>)
          tpu.yield
        }) : () -> ()
        %dma_start3A_757 = arith.constant 0 : i32
        %dma_start3A_758 = tpu.memref_slice %arg21[%dma_start3A_757] : memref<512xf32, #tpu.memory_space<vmem>> -> memref<128xf32, #tpu.memory_space<vmem>>
        %dma_start3A_759 = arith.constant 0 : i32
        %dma_start3A_760 = tpu.memref_slice %arg11[%dma_start3A_759] : memref<512xi32, #tpu.memory_space<vmem>> -> memref<128xi32, #tpu.memory_space<vmem>>
        %dma_start3A_761 = arith.constant 0 : i32
        %dma_start3A_762 = tpu.memref_slice %arg2[%dma_start3A_761] : memref<1000000xf32, #tpu.memory_space<hbm>> -> memref<1000000xf32, #tpu.memory_space<hbm>>
        tpu.enqueue_indirect_dma source(%dma_start3A_762 : memref<1000000xf32, #tpu.memory_space<hbm>>) target(%dma_start3A_758 : memref<128xf32, #tpu.memory_space<vmem>>) offsets(%dma_start3A_760 : memref<128xi32, #tpu.memory_space<vmem>>) semaphore(%arg36 : memref<!tpu.dma_semaphore, #tpu.memory_space<semaphore_mem>>)
        %dma_start3A_763 = arith.constant 0 : i32
        %dma_start3A_764 = tpu.memref_slice %arg26[%dma_start3A_763] : memref<512xf32, #tpu.memory_space<vmem>> -> memref<128xf32, #tpu.memory_space<vmem>>
        %dma_start3A_765 = arith.constant 0 : i32
        %dma_start3A_766 = tpu.memref_slice %arg16[%dma_start3A_765] : memref<512xi32, #tpu.memory_space<vmem>> -> memref<128xi32, #tpu.memory_space<vmem>>
        %dma_start3A_767 = arith.constant 0 : i32
        %dma_start3A_768 = tpu.memref_slice %arg3[%dma_start3A_767] : memref<1000000xf32, #tpu.memory_space<hbm>> -> memref<1000000xf32, #tpu.memory_space<hbm>>
        tpu.enqueue_indirect_dma source(%dma_start3A_768 : memref<1000000xf32, #tpu.memory_space<hbm>>) target(%dma_start3A_764 : memref<128xf32, #tpu.memory_space<vmem>>) offsets(%dma_start3A_766 : memref<128xi32, #tpu.memory_space<vmem>>) semaphore(%arg36 : memref<!tpu.dma_semaphore, #tpu.memory_space<semaphore_mem>>)
        %dma_start3A_769 = arith.constant 128 : i32
        %dma_start3A_770 = tpu.memref_slice %arg21[%dma_start3A_769] : memref<512xf32, #tpu.memory_space<vmem>> -> memref<128xf32, #tpu.memory_space<vmem>>
        %dma_start3A_771 = arith.constant 128 : i32
        %dma_start3A_772 = tpu.memref_slice %arg11[%dma_start3A_771] : memref<512xi32, #tpu.memory_space<vmem>> -> memref<128xi32, #tpu.memory_space<vmem>>
        %dma_start3A_773 = arith.constant 0 : i32
        %dma_start3A_774 = tpu.memref_slice %arg2[%dma_start3A_773] : memref<1000000xf32, #tpu.memory_space<hbm>> -> memref<1000000xf32, #tpu.memory_space<hbm>>
        tpu.enqueue_indirect_dma source(%dma_start3A_774 : memref<1000000xf32, #tpu.memory_space<hbm>>) target(%dma_start3A_770 : memref<128xf32, #tpu.memory_space<vmem>>) offsets(%dma_start3A_772 : memref<128xi32, #tpu.memory_space<vmem>>) semaphore(%arg36 : memref<!tpu.dma_semaphore, #tpu.memory_space<semaphore_mem>>)
        %dma_start3A_775 = arith.constant 128 : i32
        %dma_start3A_776 = tpu.memref_slice %arg26[%dma_start3A_775] : memref<512xf32, #tpu.memory_space<vmem>> -> memref<128xf32, #tpu.memory_space<vmem>>
        %dma_start3A_777 = arith.constant 128 : i32
        %dma_start3A_778 = tpu.memref_slice %arg16[%dma_start3A_777] : memref<512xi32, #tpu.memory_space<vmem>> -> memref<128xi32, #tpu.memory_space<vmem>>
        %dma_start3A_779 = arith.constant 0 : i32
        %dma_start3A_780 = tpu.memref_slice %arg3[%dma_start3A_779] : memref<1000000xf32, #tpu.memory_space<hbm>> -> memref<1000000xf32, #tpu.memory_space<hbm>>
        tpu.enqueue_indirect_dma source(%dma_start3A_780 : memref<1000000xf32, #tpu.memory_space<hbm>>) target(%dma_start3A_776 : memref<128xf32, #tpu.memory_space<vmem>>) offsets(%dma_start3A_778 : memref<128xi32, #tpu.memory_space<vmem>>) semaphore(%arg36 : memref<!tpu.dma_semaphore, #tpu.memory_space<semaphore_mem>>)
        %dma_start3A_781 = arith.constant 256 : i32
        %dma_start3A_782 = tpu.memref_slice %arg21[%dma_start3A_781] : memref<512xf32, #tpu.memory_space<vmem>> -> memref<128xf32, #tpu.memory_space<vmem>>
        %dma_start3A_783 = arith.constant 256 : i32
        %dma_start3A_784 = tpu.memref_slice %arg11[%dma_start3A_783] : memref<512xi32, #tpu.memory_space<vmem>> -> memref<128xi32, #tpu.memory_space<vmem>>
        %dma_start3A_785 = arith.constant 0 : i32
        %dma_start3A_786 = tpu.memref_slice %arg2[%dma_start3A_785] : memref<1000000xf32, #tpu.memory_space<hbm>> -> memref<1000000xf32, #tpu.memory_space<hbm>>
        tpu.enqueue_indirect_dma source(%dma_start3A_786 : memref<1000000xf32, #tpu.memory_space<hbm>>) target(%dma_start3A_782 : memref<128xf32, #tpu.memory_space<vmem>>) offsets(%dma_start3A_784 : memref<128xi32, #tpu.memory_space<vmem>>) semaphore(%arg36 : memref<!tpu.dma_semaphore, #tpu.memory_space<semaphore_mem>>)
        %dma_start3A_787 = arith.constant 256 : i32
        %dma_start3A_788 = tpu.memref_slice %arg26[%dma_start3A_787] : memref<512xf32, #tpu.memory_space<vmem>> -> memref<128xf32, #tpu.memory_space<vmem>>
        %dma_start3A_789 = arith.constant 256 : i32
        %dma_start3A_790 = tpu.memref_slice %arg16[%dma_start3A_789] : memref<512xi32, #tpu.memory_space<vmem>> -> memref<128xi32, #tpu.memory_space<vmem>>
        %dma_start3A_791 = arith.constant 0 : i32
        %dma_start3A_792 = tpu.memref_slice %arg3[%dma_start3A_791] : memref<1000000xf32, #tpu.memory_space<hbm>> -> memref<1000000xf32, #tpu.memory_space<hbm>>
        tpu.enqueue_indirect_dma source(%dma_start3A_792 : memref<1000000xf32, #tpu.memory_space<hbm>>) target(%dma_start3A_788 : memref<128xf32, #tpu.memory_space<vmem>>) offsets(%dma_start3A_790 : memref<128xi32, #tpu.memory_space<vmem>>) semaphore(%arg36 : memref<!tpu.dma_semaphore, #tpu.memory_space<semaphore_mem>>)
        %dma_start3A_793 = arith.constant 384 : i32
        %dma_start3A_794 = tpu.memref_slice %arg21[%dma_start3A_793] : memref<512xf32, #tpu.memory_space<vmem>> -> memref<128xf32, #tpu.memory_space<vmem>>
        %dma_start3A_795 = arith.constant 384 : i32
        %dma_start3A_796 = tpu.memref_slice %arg11[%dma_start3A_795] : memref<512xi32, #tpu.memory_space<vmem>> -> memref<128xi32, #tpu.memory_space<vmem>>
        %dma_start3A_797 = arith.constant 0 : i32
        %dma_start3A_798 = tpu.memref_slice %arg2[%dma_start3A_797] : memref<1000000xf32, #tpu.memory_space<hbm>> -> memref<1000000xf32, #tpu.memory_space<hbm>>
        tpu.enqueue_indirect_dma source(%dma_start3A_798 : memref<1000000xf32, #tpu.memory_space<hbm>>) target(%dma_start3A_794 : memref<128xf32, #tpu.memory_space<vmem>>) offsets(%dma_start3A_796 : memref<128xi32, #tpu.memory_space<vmem>>) semaphore(%arg36 : memref<!tpu.dma_semaphore, #tpu.memory_space<semaphore_mem>>)
        %dma_start3A_799 = arith.constant 384 : i32
        %dma_start3A_800 = tpu.memref_slice %arg26[%dma_start3A_799] : memref<512xf32, #tpu.memory_space<vmem>> -> memref<128xf32, #tpu.memory_space<vmem>>
        %dma_start3A_801 = arith.constant 384 : i32
        %dma_start3A_802 = tpu.memref_slice %arg16[%dma_start3A_801] : memref<512xi32, #tpu.memory_space<vmem>> -> memref<128xi32, #tpu.memory_space<vmem>>
        %dma_start3A_803 = arith.constant 0 : i32
        %dma_start3A_804 = tpu.memref_slice %arg3[%dma_start3A_803] : memref<1000000xf32, #tpu.memory_space<hbm>> -> memref<1000000xf32, #tpu.memory_space<hbm>>
        tpu.enqueue_indirect_dma source(%dma_start3A_804 : memref<1000000xf32, #tpu.memory_space<hbm>>) target(%dma_start3A_800 : memref<128xf32, #tpu.memory_space<vmem>>) offsets(%dma_start3A_802 : memref<128xi32, #tpu.memory_space<vmem>>) semaphore(%arg36 : memref<!tpu.dma_semaphore, #tpu.memory_space<semaphore_mem>>)
      } else {
      }
    }
    %scan3A_398 = arith.constant 47 : i32
    %dma_wait3A_399 = arith.constant 0 : i32
    %dma_wait3A_400 = tpu.memref_slice %arg2[%dma_wait3A_399] : memref<1000000xf32, #tpu.memory_space<hbm>> -> memref<512xf32, #tpu.memory_space<hbm>>
    %dma_wait3A_401 = arith.constant 0 : i32
    %dma_wait3A_402 = tpu.memref_slice %arg2[%dma_wait3A_401] : memref<1000000xf32, #tpu.memory_space<hbm>> -> memref<512xf32, #tpu.memory_space<hbm>>
    tpu.wait_dma2 semaphore(%arg32 : memref<!tpu.dma_semaphore, #tpu.memory_space<semaphore_mem>>) src(%dma_wait3A_402 : memref<512xf32, #tpu.memory_space<hbm>>) dst(%arg17 : memref<512xf32, #tpu.memory_space<vmem>>)
    %dma_wait3A_403 = arith.constant 0 : i32
    %dma_wait3A_404 = tpu.memref_slice %arg3[%dma_wait3A_403] : memref<1000000xf32, #tpu.memory_space<hbm>> -> memref<512xf32, #tpu.memory_space<hbm>>
    %dma_wait3A_405 = arith.constant 0 : i32
    %dma_wait3A_406 = tpu.memref_slice %arg3[%dma_wait3A_405] : memref<1000000xf32, #tpu.memory_space<hbm>> -> memref<512xf32, #tpu.memory_space<hbm>>
    tpu.wait_dma2 semaphore(%arg32 : memref<!tpu.dma_semaphore, #tpu.memory_space<semaphore_mem>>) src(%dma_wait3A_406 : memref<512xf32, #tpu.memory_space<hbm>>) dst(%arg22 : memref<512xf32, #tpu.memory_space<vmem>>)
    %dma_wait3A_407 = arith.constant 0 : i32
    %dma_wait3A_408 = tpu.memref_slice %arg6[%dma_wait3A_407] : memref<4000000xf32, #tpu.memory_space<hbm>> -> memref<512xf32, #tpu.memory_space<hbm>>
    %dma_wait3A_409 = arith.constant 0 : i32
    %dma_wait3A_410 = tpu.memref_slice %arg6[%dma_wait3A_409] : memref<4000000xf32, #tpu.memory_space<hbm>> -> memref<512xf32, #tpu.memory_space<hbm>>
    tpu.wait_dma2 semaphore(%arg37 : memref<!tpu.dma_semaphore, #tpu.memory_space<semaphore_mem>>) src(%arg27 : memref<512xf32, #tpu.memory_space<vmem>>) dst(%dma_wait3A_410 : memref<512xf32, #tpu.memory_space<hbm>>)
    %scan3A_411 = arith.constant 0 : i32
    %scan3A_412 = arith.constant 32 : i32
    %scan3A_413 = arith.addi %scan3A_411, %scan3A_412 : i32
    %scan3A_414 = arith.constant 1 : i32
    scf.for %scan3A_586 = %scan3A_411 to %scan3A_413 step %scan3A_414  : i32 {
      %mul3A_587 = arith.constant 16 : i32
      %mul3A_588 = arith.muli %scan3A_586, %mul3A_587 : i32
      %get3A_589 = arith.index_cast %mul3A_588 : i32 to index
      %get3A_590 = tpu.vector_load %arg17[%get3A_589] {strides = array<i32>} : memref<512xf32, #tpu.memory_space<vmem>>, vector<16xf32>,
      %get3A_591 = vector.shape_cast %get3A_590 : vector<16xf32> to vector<16xf32>
      %get3A_592 = arith.index_cast %mul3A_588 : i32 to index
      %get3A_593 = tpu.vector_load %arg22[%get3A_592] {strides = array<i32>} : memref<512xf32, #tpu.memory_space<vmem>>, vector<16xf32>,
      %get3A_594 = vector.shape_cast %get3A_593 : vector<16xf32> to vector<16xf32>
      %mul3A_595 = arith.mulf %get3A_591, %get3A_594 : vector<16xf32>
      %swap3A_596 = arith.index_cast %mul3A_588 : i32 to index
      %swap3A_597 = tpu.vector_load %arg27[%swap3A_596] {strides = array<i32>} : memref<512xf32, #tpu.memory_space<vmem>>, vector<16xf32>,
      %swap3A_598 = vector.shape_cast %swap3A_597 : vector<16xf32> to vector<16xf32>
      %swap3A_599 = vector.shape_cast %mul3A_595 : vector<16xf32> to vector<16xf32>
      tpu.vector_store %arg27[%swap3A_596], %swap3A_599 {strides = array<i32>} : memref<512xf32, #tpu.memory_space<vmem>>, vector<16xf32>,
    }
    %scan3A_415 = arith.constant 32 : i32
    %add3A_416 = arith.constant 122880 : i32
    %add3A_417 = arith.addi %mul3A_2, %add3A_416 : i32
    %dma_start3A_418 = tpu.memref_slice %arg6[%add3A_417] : memref<4000000xf32, #tpu.memory_space<hbm>> -> memref<512xf32, #tpu.memory_space<hbm>>
    %dma_start3A_419 = tpu.memref_slice %arg6[%add3A_417] : memref<4000000xf32, #tpu.memory_space<hbm>> -> memref<512xf32, #tpu.memory_space<hbm>>
    tpu.enqueue_dma source(%arg27 : memref<512xf32, #tpu.memory_space<vmem>>) target(%dma_start3A_419 : memref<512xf32, #tpu.memory_space<hbm>>) target_semaphore(%arg37 : memref<!tpu.dma_semaphore, #tpu.memory_space<semaphore_mem>>)
    %dma_wait3A_420 = arith.constant 0 : i32
    %dma_wait3A_421 = tpu.memref_slice %arg2[%dma_wait3A_420] : memref<1000000xf32, #tpu.memory_space<hbm>> -> memref<512xf32, #tpu.memory_space<hbm>>
    %dma_wait3A_422 = arith.constant 0 : i32
    %dma_wait3A_423 = tpu.memref_slice %arg2[%dma_wait3A_422] : memref<1000000xf32, #tpu.memory_space<hbm>> -> memref<512xf32, #tpu.memory_space<hbm>>
    tpu.wait_dma2 semaphore(%arg33 : memref<!tpu.dma_semaphore, #tpu.memory_space<semaphore_mem>>) src(%dma_wait3A_423 : memref<512xf32, #tpu.memory_space<hbm>>) dst(%arg18 : memref<512xf32, #tpu.memory_space<vmem>>)
    %dma_wait3A_424 = arith.constant 0 : i32
    %dma_wait3A_425 = tpu.memref_slice %arg3[%dma_wait3A_424] : memref<1000000xf32, #tpu.memory_space<hbm>> -> memref<512xf32, #tpu.memory_space<hbm>>
    %dma_wait3A_426 = arith.constant 0 : i32
    %dma_wait3A_427 = tpu.memref_slice %arg3[%dma_wait3A_426] : memref<1000000xf32, #tpu.memory_space<hbm>> -> memref<512xf32, #tpu.memory_space<hbm>>
    tpu.wait_dma2 semaphore(%arg33 : memref<!tpu.dma_semaphore, #tpu.memory_space<semaphore_mem>>) src(%dma_wait3A_427 : memref<512xf32, #tpu.memory_space<hbm>>) dst(%arg23 : memref<512xf32, #tpu.memory_space<vmem>>)
    %dma_wait3A_428 = arith.constant 0 : i32
    %dma_wait3A_429 = tpu.memref_slice %arg6[%dma_wait3A_428] : memref<4000000xf32, #tpu.memory_space<hbm>> -> memref<512xf32, #tpu.memory_space<hbm>>
    %dma_wait3A_430 = arith.constant 0 : i32
    %dma_wait3A_431 = tpu.memref_slice %arg6[%dma_wait3A_430] : memref<4000000xf32, #tpu.memory_space<hbm>> -> memref<512xf32, #tpu.memory_space<hbm>>
    tpu.wait_dma2 semaphore(%arg38 : memref<!tpu.dma_semaphore, #tpu.memory_space<semaphore_mem>>) src(%arg28 : memref<512xf32, #tpu.memory_space<vmem>>) dst(%dma_wait3A_431 : memref<512xf32, #tpu.memory_space<hbm>>)
    %scan3A_432 = arith.constant 0 : i32
    %scan3A_433 = arith.constant 32 : i32
    %scan3A_434 = arith.addi %scan3A_432, %scan3A_433 : i32
    %scan3A_435 = arith.constant 1 : i32
    scf.for %scan3A_586 = %scan3A_432 to %scan3A_434 step %scan3A_435  : i32 {
      %mul3A_587 = arith.constant 16 : i32
      %mul3A_588 = arith.muli %scan3A_586, %mul3A_587 : i32
      %get3A_589 = arith.index_cast %mul3A_588 : i32 to index
      %get3A_590 = tpu.vector_load %arg18[%get3A_589] {strides = array<i32>} : memref<512xf32, #tpu.memory_space<vmem>>, vector<16xf32>,
      %get3A_591 = vector.shape_cast %get3A_590 : vector<16xf32> to vector<16xf32>
      %get3A_592 = arith.index_cast %mul3A_588 : i32 to index
      %get3A_593 = tpu.vector_load %arg23[%get3A_592] {strides = array<i32>} : memref<512xf32, #tpu.memory_space<vmem>>, vector<16xf32>,
      %get3A_594 = vector.shape_cast %get3A_593 : vector<16xf32> to vector<16xf32>
      %mul3A_595 = arith.mulf %get3A_591, %get3A_594 : vector<16xf32>
      %swap3A_596 = arith.index_cast %mul3A_588 : i32 to index
      %swap3A_597 = tpu.vector_load %arg28[%swap3A_596] {strides = array<i32>} : memref<512xf32, #tpu.memory_space<vmem>>, vector<16xf32>,
      %swap3A_598 = vector.shape_cast %swap3A_597 : vector<16xf32> to vector<16xf32>
      %swap3A_599 = vector.shape_cast %mul3A_595 : vector<16xf32> to vector<16xf32>
      tpu.vector_store %arg28[%swap3A_596], %swap3A_599 {strides = array<i32>} : memref<512xf32, #tpu.memory_space<vmem>>, vector<16xf32>,
    }
    %scan3A_436 = arith.constant 32 : i32
    %add3A_437 = arith.constant 123392 : i32
    %add3A_438 = arith.addi %mul3A_2, %add3A_437 : i32
    %dma_start3A_439 = tpu.memref_slice %arg6[%add3A_438] : memref<4000000xf32, #tpu.memory_space<hbm>> -> memref<512xf32, #tpu.memory_space<hbm>>
    %dma_start3A_440 = tpu.memref_slice %arg6[%add3A_438] : memref<4000000xf32, #tpu.memory_space<hbm>> -> memref<512xf32, #tpu.memory_space<hbm>>
    tpu.enqueue_dma source(%arg28 : memref<512xf32, #tpu.memory_space<vmem>>) target(%dma_start3A_440 : memref<512xf32, #tpu.memory_space<hbm>>) target_semaphore(%arg38 : memref<!tpu.dma_semaphore, #tpu.memory_space<semaphore_mem>>)
    %dma_wait3A_441 = arith.constant 0 : i32
    %dma_wait3A_442 = tpu.memref_slice %arg2[%dma_wait3A_441] : memref<1000000xf32, #tpu.memory_space<hbm>> -> memref<512xf32, #tpu.memory_space<hbm>>
    %dma_wait3A_443 = arith.constant 0 : i32
    %dma_wait3A_444 = tpu.memref_slice %arg2[%dma_wait3A_443] : memref<1000000xf32, #tpu.memory_space<hbm>> -> memref<512xf32, #tpu.memory_space<hbm>>
    tpu.wait_dma2 semaphore(%arg34 : memref<!tpu.dma_semaphore, #tpu.memory_space<semaphore_mem>>) src(%dma_wait3A_444 : memref<512xf32, #tpu.memory_space<hbm>>) dst(%arg19 : memref<512xf32, #tpu.memory_space<vmem>>)
    %dma_wait3A_445 = arith.constant 0 : i32
    %dma_wait3A_446 = tpu.memref_slice %arg3[%dma_wait3A_445] : memref<1000000xf32, #tpu.memory_space<hbm>> -> memref<512xf32, #tpu.memory_space<hbm>>
    %dma_wait3A_447 = arith.constant 0 : i32
    %dma_wait3A_448 = tpu.memref_slice %arg3[%dma_wait3A_447] : memref<1000000xf32, #tpu.memory_space<hbm>> -> memref<512xf32, #tpu.memory_space<hbm>>
    tpu.wait_dma2 semaphore(%arg34 : memref<!tpu.dma_semaphore, #tpu.memory_space<semaphore_mem>>) src(%dma_wait3A_448 : memref<512xf32, #tpu.memory_space<hbm>>) dst(%arg24 : memref<512xf32, #tpu.memory_space<vmem>>)
    %dma_wait3A_449 = arith.constant 0 : i32
    %dma_wait3A_450 = tpu.memref_slice %arg6[%dma_wait3A_449] : memref<4000000xf32, #tpu.memory_space<hbm>> -> memref<512xf32, #tpu.memory_space<hbm>>
    %dma_wait3A_451 = arith.constant 0 : i32
    %dma_wait3A_452 = tpu.memref_slice %arg6[%dma_wait3A_451] : memref<4000000xf32, #tpu.memory_space<hbm>> -> memref<512xf32, #tpu.memory_space<hbm>>
    tpu.wait_dma2 semaphore(%arg39 : memref<!tpu.dma_semaphore, #tpu.memory_space<semaphore_mem>>) src(%arg29 : memref<512xf32, #tpu.memory_space<vmem>>) dst(%dma_wait3A_452 : memref<512xf32, #tpu.memory_space<hbm>>)
    %scan3A_453 = arith.constant 0 : i32
    %scan3A_454 = arith.constant 32 : i32
    %scan3A_455 = arith.addi %scan3A_453, %scan3A_454 : i32
    %scan3A_456 = arith.constant 1 : i32
    scf.for %scan3A_586 = %scan3A_453 to %scan3A_455 step %scan3A_456  : i32 {
      %mul3A_587 = arith.constant 16 : i32
      %mul3A_588 = arith.muli %scan3A_586, %mul3A_587 : i32
      %get3A_589 = arith.index_cast %mul3A_588 : i32 to index
      %get3A_590 = tpu.vector_load %arg19[%get3A_589] {strides = array<i32>} : memref<512xf32, #tpu.memory_space<vmem>>, vector<16xf32>,
      %get3A_591 = vector.shape_cast %get3A_590 : vector<16xf32> to vector<16xf32>
      %get3A_592 = arith.index_cast %mul3A_588 : i32 to index
      %get3A_593 = tpu.vector_load %arg24[%get3A_592] {strides = array<i32>} : memref<512xf32, #tpu.memory_space<vmem>>, vector<16xf32>,
      %get3A_594 = vector.shape_cast %get3A_593 : vector<16xf32> to vector<16xf32>
      %mul3A_595 = arith.mulf %get3A_591, %get3A_594 : vector<16xf32>
      %swap3A_596 = arith.index_cast %mul3A_588 : i32 to index
      %swap3A_597 = tpu.vector_load %arg29[%swap3A_596] {strides = array<i32>} : memref<512xf32, #tpu.memory_space<vmem>>, vector<16xf32>,
      %swap3A_598 = vector.shape_cast %swap3A_597 : vector<16xf32> to vector<16xf32>
      %swap3A_599 = vector.shape_cast %mul3A_595 : vector<16xf32> to vector<16xf32>
      tpu.vector_store %arg29[%swap3A_596], %swap3A_599 {strides = array<i32>} : memref<512xf32, #tpu.memory_space<vmem>>, vector<16xf32>,
    }
    %scan3A_457 = arith.constant 32 : i32
    %add3A_458 = arith.constant 123904 : i32
    %add3A_459 = arith.addi %mul3A_2, %add3A_458 : i32
    %dma_start3A_460 = tpu.memref_slice %arg6[%add3A_459] : memref<4000000xf32, #tpu.memory_space<hbm>> -> memref<512xf32, #tpu.memory_space<hbm>>
    %dma_start3A_461 = tpu.memref_slice %arg6[%add3A_459] : memref<4000000xf32, #tpu.memory_space<hbm>> -> memref<512xf32, #tpu.memory_space<hbm>>
    tpu.enqueue_dma source(%arg29 : memref<512xf32, #tpu.memory_space<vmem>>) target(%dma_start3A_461 : memref<512xf32, #tpu.memory_space<hbm>>) target_semaphore(%arg39 : memref<!tpu.dma_semaphore, #tpu.memory_space<semaphore_mem>>)
    %dma_wait3A_462 = arith.constant 0 : i32
    %dma_wait3A_463 = tpu.memref_slice %arg2[%dma_wait3A_462] : memref<1000000xf32, #tpu.memory_space<hbm>> -> memref<512xf32, #tpu.memory_space<hbm>>
    %dma_wait3A_464 = arith.constant 0 : i32
    %dma_wait3A_465 = tpu.memref_slice %arg2[%dma_wait3A_464] : memref<1000000xf32, #tpu.memory_space<hbm>> -> memref<512xf32, #tpu.memory_space<hbm>>
    tpu.wait_dma2 semaphore(%arg35 : memref<!tpu.dma_semaphore, #tpu.memory_space<semaphore_mem>>) src(%dma_wait3A_465 : memref<512xf32, #tpu.memory_space<hbm>>) dst(%arg20 : memref<512xf32, #tpu.memory_space<vmem>>)
    %dma_wait3A_466 = arith.constant 0 : i32
    %dma_wait3A_467 = tpu.memref_slice %arg3[%dma_wait3A_466] : memref<1000000xf32, #tpu.memory_space<hbm>> -> memref<512xf32, #tpu.memory_space<hbm>>
    %dma_wait3A_468 = arith.constant 0 : i32
    %dma_wait3A_469 = tpu.memref_slice %arg3[%dma_wait3A_468] : memref<1000000xf32, #tpu.memory_space<hbm>> -> memref<512xf32, #tpu.memory_space<hbm>>
    tpu.wait_dma2 semaphore(%arg35 : memref<!tpu.dma_semaphore, #tpu.memory_space<semaphore_mem>>) src(%dma_wait3A_469 : memref<512xf32, #tpu.memory_space<hbm>>) dst(%arg25 : memref<512xf32, #tpu.memory_space<vmem>>)
    %dma_wait3A_470 = arith.constant 0 : i32
    %dma_wait3A_471 = tpu.memref_slice %arg6[%dma_wait3A_470] : memref<4000000xf32, #tpu.memory_space<hbm>> -> memref<512xf32, #tpu.memory_space<hbm>>
    %dma_wait3A_472 = arith.constant 0 : i32
    %dma_wait3A_473 = tpu.memref_slice %arg6[%dma_wait3A_472] : memref<4000000xf32, #tpu.memory_space<hbm>> -> memref<512xf32, #tpu.memory_space<hbm>>
    tpu.wait_dma2 semaphore(%arg40 : memref<!tpu.dma_semaphore, #tpu.memory_space<semaphore_mem>>) src(%arg30 : memref<512xf32, #tpu.memory_space<vmem>>) dst(%dma_wait3A_473 : memref<512xf32, #tpu.memory_space<hbm>>)
    %scan3A_474 = arith.constant 0 : i32
    %scan3A_475 = arith.constant 32 : i32
    %scan3A_476 = arith.addi %scan3A_474, %scan3A_475 : i32
    %scan3A_477 = arith.constant 1 : i32
    scf.for %scan3A_586 = %scan3A_474 to %scan3A_476 step %scan3A_477  : i32 {
      %mul3A_587 = arith.constant 16 : i32
      %mul3A_588 = arith.muli %scan3A_586, %mul3A_587 : i32
      %get3A_589 = arith.index_cast %mul3A_588 : i32 to index
      %get3A_590 = tpu.vector_load %arg20[%get3A_589] {strides = array<i32>} : memref<512xf32, #tpu.memory_space<vmem>>, vector<16xf32>,
      %get3A_591 = vector.shape_cast %get3A_590 : vector<16xf32> to vector<16xf32>
      %get3A_592 = arith.index_cast %mul3A_588 : i32 to index
      %get3A_593 = tpu.vector_load %arg25[%get3A_592] {strides = array<i32>} : memref<512xf32, #tpu.memory_space<vmem>>, vector<16xf32>,
      %get3A_594 = vector.shape_cast %get3A_593 : vector<16xf32> to vector<16xf32>
      %mul3A_595 = arith.mulf %get3A_591, %get3A_594 : vector<16xf32>
      %swap3A_596 = arith.index_cast %mul3A_588 : i32 to index
      %swap3A_597 = tpu.vector_load %arg30[%swap3A_596] {strides = array<i32>} : memref<512xf32, #tpu.memory_space<vmem>>, vector<16xf32>,
      %swap3A_598 = vector.shape_cast %swap3A_597 : vector<16xf32> to vector<16xf32>
      %swap3A_599 = vector.shape_cast %mul3A_595 : vector<16xf32> to vector<16xf32>
      tpu.vector_store %arg30[%swap3A_596], %swap3A_599 {strides = array<i32>} : memref<512xf32, #tpu.memory_space<vmem>>, vector<16xf32>,
    }
    %scan3A_478 = arith.constant 32 : i32
    %add3A_479 = arith.constant 124416 : i32
    %add3A_480 = arith.addi %mul3A_2, %add3A_479 : i32
    %dma_start3A_481 = tpu.memref_slice %arg6[%add3A_480] : memref<4000000xf32, #tpu.memory_space<hbm>> -> memref<512xf32, #tpu.memory_space<hbm>>
    %dma_start3A_482 = tpu.memref_slice %arg6[%add3A_480] : memref<4000000xf32, #tpu.memory_space<hbm>> -> memref<512xf32, #tpu.memory_space<hbm>>
    tpu.enqueue_dma source(%arg30 : memref<512xf32, #tpu.memory_space<vmem>>) target(%dma_start3A_482 : memref<512xf32, #tpu.memory_space<hbm>>) target_semaphore(%arg40 : memref<!tpu.dma_semaphore, #tpu.memory_space<semaphore_mem>>)
    %dma_wait3A_483 = arith.constant 0 : i32
    %dma_wait3A_484 = tpu.memref_slice %arg6[%dma_wait3A_483] : memref<4000000xf32, #tpu.memory_space<hbm>> -> memref<512xf32, #tpu.memory_space<hbm>>
    %dma_wait3A_485 = arith.constant 0 : i32
    %dma_wait3A_486 = tpu.memref_slice %arg6[%dma_wait3A_485] : memref<4000000xf32, #tpu.memory_space<hbm>> -> memref<512xf32, #tpu.memory_space<hbm>>
    tpu.wait_dma2 semaphore(%arg37 : memref<!tpu.dma_semaphore, #tpu.memory_space<semaphore_mem>>) src(%arg27 : memref<512xf32, #tpu.memory_space<vmem>>) dst(%dma_wait3A_486 : memref<512xf32, #tpu.memory_space<hbm>>)
    %dma_wait3A_487 = arith.constant 0 : i32
    %dma_wait3A_488 = tpu.memref_slice %arg6[%dma_wait3A_487] : memref<4000000xf32, #tpu.memory_space<hbm>> -> memref<512xf32, #tpu.memory_space<hbm>>
    %dma_wait3A_489 = arith.constant 0 : i32
    %dma_wait3A_490 = tpu.memref_slice %arg6[%dma_wait3A_489] : memref<4000000xf32, #tpu.memory_space<hbm>> -> memref<512xf32, #tpu.memory_space<hbm>>
    tpu.wait_dma2 semaphore(%arg38 : memref<!tpu.dma_semaphore, #tpu.memory_space<semaphore_mem>>) src(%arg28 : memref<512xf32, #tpu.memory_space<vmem>>) dst(%dma_wait3A_490 : memref<512xf32, #tpu.memory_space<hbm>>)
    %dma_wait3A_491 = arith.constant 0 : i32
    %dma_wait3A_492 = tpu.memref_slice %arg6[%dma_wait3A_491] : memref<4000000xf32, #tpu.memory_space<hbm>> -> memref<512xf32, #tpu.memory_space<hbm>>
    %dma_wait3A_493 = arith.constant 0 : i32
    %dma_wait3A_494 = tpu.memref_slice %arg6[%dma_wait3A_493] : memref<4000000xf32, #tpu.memory_space<hbm>> -> memref<512xf32, #tpu.memory_space<hbm>>
    tpu.wait_dma2 semaphore(%arg39 : memref<!tpu.dma_semaphore, #tpu.memory_space<semaphore_mem>>) src(%arg29 : memref<512xf32, #tpu.memory_space<vmem>>) dst(%dma_wait3A_494 : memref<512xf32, #tpu.memory_space<hbm>>)
    %dma_wait3A_495 = arith.constant 0 : i32
    %dma_wait3A_496 = tpu.memref_slice %arg6[%dma_wait3A_495] : memref<4000000xf32, #tpu.memory_space<hbm>> -> memref<512xf32, #tpu.memory_space<hbm>>
    %dma_wait3A_497 = arith.constant 0 : i32
    %dma_wait3A_498 = tpu.memref_slice %arg6[%dma_wait3A_497] : memref<4000000xf32, #tpu.memory_space<hbm>> -> memref<512xf32, #tpu.memory_space<hbm>>
    tpu.wait_dma2 semaphore(%arg40 : memref<!tpu.dma_semaphore, #tpu.memory_space<semaphore_mem>>) src(%arg30 : memref<512xf32, #tpu.memory_space<vmem>>) dst(%dma_wait3A_498 : memref<512xf32, #tpu.memory_space<hbm>>)
    %dma_wait3A_499 = arith.constant 0 : i32
    %dma_wait3A_500 = tpu.memref_slice %arg6[%dma_wait3A_499] : memref<4000000xf32, #tpu.memory_space<hbm>> -> memref<512xf32, #tpu.memory_space<hbm>>
    %dma_wait3A_501 = arith.constant 0 : i32
    %dma_wait3A_502 = tpu.memref_slice %arg6[%dma_wait3A_501] : memref<4000000xf32, #tpu.memory_space<hbm>> -> memref<512xf32, #tpu.memory_space<hbm>>
    tpu.wait_dma2 semaphore(%arg41 : memref<!tpu.dma_semaphore, #tpu.memory_space<semaphore_mem>>) src(%arg31 : memref<512xf32, #tpu.memory_space<vmem>>) dst(%dma_wait3A_502 : memref<512xf32, #tpu.memory_space<hbm>>)
    %add3A_503 = arith.constant 124928 : i32
    %add3A_504 = arith.addi %mul3A_2, %add3A_503 : i32
    "tpu.region"() ({
      %run_scoped3A = tpu.sem_alloc : memref<!tpu.dma_semaphore, #tpu.memory_space<semaphore_mem>>
      %dma_start3A_586 = arith.constant 0 : i32
      %dma_start3A_587 = tpu.memref_slice %arg7[%dma_start3A_586] : memref<512xi32, #tpu.memory_space<vmem>> -> memref<72xi32, #tpu.memory_space<vmem>>
      %dma_start3A_588 = tpu.memref_slice %arg4[%add3A_504] : memref<4000000xi32, #tpu.memory_space<hbm>> -> memref<72xi32, #tpu.memory_space<hbm>>
      %dma_start3A_589 = arith.constant 0 : i32
      %dma_start3A_590 = tpu.memref_slice %arg7[%dma_start3A_589] : memref<512xi32, #tpu.memory_space<vmem>> -> memref<72xi32, #tpu.memory_space<vmem>>
      %dma_start3A_591 = tpu.memref_slice %arg4[%add3A_504] : memref<4000000xi32, #tpu.memory_space<hbm>> -> memref<72xi32, #tpu.memory_space<hbm>>
      tpu.enqueue_dma source(%dma_start3A_591 : memref<72xi32, #tpu.memory_space<hbm>>) target(%dma_start3A_590 : memref<72xi32, #tpu.memory_space<vmem>>) target_semaphore(%run_scoped3A : memref<!tpu.dma_semaphore, #tpu.memory_space<semaphore_mem>>)
      %dma_wait3A_592 = arith.constant 0 : i32
      %dma_wait3A_593 = tpu.memref_slice %arg7[%dma_wait3A_592] : memref<512xi32, #tpu.memory_space<vmem>> -> memref<72xi32, #tpu.memory_space<vmem>>
      %dma_wait3A_594 = tpu.memref_slice %arg4[%add3A_504] : memref<4000000xi32, #tpu.memory_space<hbm>> -> memref<72xi32, #tpu.memory_space<hbm>>
      %dma_wait3A_595 = arith.constant 0 : i32
      %dma_wait3A_596 = tpu.memref_slice %arg7[%dma_wait3A_595] : memref<512xi32, #tpu.memory_space<vmem>> -> memref<72xi32, #tpu.memory_space<vmem>>
      %dma_wait3A_597 = tpu.memref_slice %arg4[%add3A_504] : memref<4000000xi32, #tpu.memory_space<hbm>> -> memref<72xi32, #tpu.memory_space<hbm>>
      tpu.wait_dma2 semaphore(%run_scoped3A : memref<!tpu.dma_semaphore, #tpu.memory_space<semaphore_mem>>) src(%dma_wait3A_597 : memref<72xi32, #tpu.memory_space<hbm>>) dst(%dma_wait3A_596 : memref<72xi32, #tpu.memory_space<vmem>>)
      tpu.yield
    }) : () -> ()
    "tpu.region"() ({
      %run_scoped3A = tpu.sem_alloc : memref<!tpu.dma_semaphore, #tpu.memory_space<semaphore_mem>>
      %dma_start3A_586 = arith.constant 0 : i32
      %dma_start3A_587 = tpu.memref_slice %arg12[%dma_start3A_586] : memref<512xi32, #tpu.memory_space<vmem>> -> memref<72xi32, #tpu.memory_space<vmem>>
      %dma_start3A_588 = tpu.memref_slice %arg5[%add3A_504] : memref<4000000xi32, #tpu.memory_space<hbm>> -> memref<72xi32, #tpu.memory_space<hbm>>
      %dma_start3A_589 = arith.constant 0 : i32
      %dma_start3A_590 = tpu.memref_slice %arg12[%dma_start3A_589] : memref<512xi32, #tpu.memory_space<vmem>> -> memref<72xi32, #tpu.memory_space<vmem>>
      %dma_start3A_591 = tpu.memref_slice %arg5[%add3A_504] : memref<4000000xi32, #tpu.memory_space<hbm>> -> memref<72xi32, #tpu.memory_space<hbm>>
      tpu.enqueue_dma source(%dma_start3A_591 : memref<72xi32, #tpu.memory_space<hbm>>) target(%dma_start3A_590 : memref<72xi32, #tpu.memory_space<vmem>>) target_semaphore(%run_scoped3A : memref<!tpu.dma_semaphore, #tpu.memory_space<semaphore_mem>>)
      %dma_wait3A_592 = arith.constant 0 : i32
      %dma_wait3A_593 = tpu.memref_slice %arg12[%dma_wait3A_592] : memref<512xi32, #tpu.memory_space<vmem>> -> memref<72xi32, #tpu.memory_space<vmem>>
      %dma_wait3A_594 = tpu.memref_slice %arg5[%add3A_504] : memref<4000000xi32, #tpu.memory_space<hbm>> -> memref<72xi32, #tpu.memory_space<hbm>>
      %dma_wait3A_595 = arith.constant 0 : i32
      %dma_wait3A_596 = tpu.memref_slice %arg12[%dma_wait3A_595] : memref<512xi32, #tpu.memory_space<vmem>> -> memref<72xi32, #tpu.memory_space<vmem>>
      %dma_wait3A_597 = tpu.memref_slice %arg5[%add3A_504] : memref<4000000xi32, #tpu.memory_space<hbm>> -> memref<72xi32, #tpu.memory_space<hbm>>
      tpu.wait_dma2 semaphore(%run_scoped3A : memref<!tpu.dma_semaphore, #tpu.memory_space<semaphore_mem>>) src(%dma_wait3A_597 : memref<72xi32, #tpu.memory_space<hbm>>) dst(%dma_wait3A_596 : memref<72xi32, #tpu.memory_space<vmem>>)
      tpu.yield
    }) : () -> ()
    %dma_start3A_505 = arith.constant 0 : i32
    %dma_start3A_506 = tpu.memref_slice %arg17[%dma_start3A_505] : memref<512xf32, #tpu.memory_space<vmem>> -> memref<72xf32, #tpu.memory_space<vmem>>
    %dma_start3A_507 = arith.constant 0 : i32
    %dma_start3A_508 = tpu.memref_slice %arg7[%dma_start3A_507] : memref<512xi32, #tpu.memory_space<vmem>> -> memref<72xi32, #tpu.memory_space<vmem>>
    %dma_start3A_509 = arith.constant 0 : i32
    %dma_start3A_510 = tpu.memref_slice %arg2[%dma_start3A_509] : memref<1000000xf32, #tpu.memory_space<hbm>> -> memref<1000000xf32, #tpu.memory_space<hbm>>
    tpu.enqueue_indirect_dma source(%dma_start3A_510 : memref<1000000xf32, #tpu.memory_space<hbm>>) target(%dma_start3A_506 : memref<72xf32, #tpu.memory_space<vmem>>) offsets(%dma_start3A_508 : memref<72xi32, #tpu.memory_space<vmem>>) semaphore(%arg32 : memref<!tpu.dma_semaphore, #tpu.memory_space<semaphore_mem>>)
    %dma_start3A_511 = arith.constant 0 : i32
    %dma_start3A_512 = tpu.memref_slice %arg22[%dma_start3A_511] : memref<512xf32, #tpu.memory_space<vmem>> -> memref<72xf32, #tpu.memory_space<vmem>>
    %dma_start3A_513 = arith.constant 0 : i32
    %dma_start3A_514 = tpu.memref_slice %arg12[%dma_start3A_513] : memref<512xi32, #tpu.memory_space<vmem>> -> memref<72xi32, #tpu.memory_space<vmem>>
    %dma_start3A_515 = arith.constant 0 : i32
    %dma_start3A_516 = tpu.memref_slice %arg3[%dma_start3A_515] : memref<1000000xf32, #tpu.memory_space<hbm>> -> memref<1000000xf32, #tpu.memory_space<hbm>>
    tpu.enqueue_indirect_dma source(%dma_start3A_516 : memref<1000000xf32, #tpu.memory_space<hbm>>) target(%dma_start3A_512 : memref<72xf32, #tpu.memory_space<vmem>>) offsets(%dma_start3A_514 : memref<72xi32, #tpu.memory_space<vmem>>) semaphore(%arg32 : memref<!tpu.dma_semaphore, #tpu.memory_space<semaphore_mem>>)
    %dma_wait3A_517 = arith.constant 0 : i32
    %dma_wait3A_518 = tpu.memref_slice %arg17[%dma_wait3A_517] : memref<512xf32, #tpu.memory_space<vmem>> -> memref<72xf32, #tpu.memory_space<vmem>>
    %dma_wait3A_519 = arith.constant 0 : i32
    %dma_wait3A_520 = tpu.memref_slice %arg2[%dma_wait3A_519] : memref<1000000xf32, #tpu.memory_space<hbm>> -> memref<72xf32, #tpu.memory_space<hbm>>
    %dma_wait3A_521 = arith.constant 0 : i32
    %dma_wait3A_522 = tpu.memref_slice %arg17[%dma_wait3A_521] : memref<512xf32, #tpu.memory_space<vmem>> -> memref<72xf32, #tpu.memory_space<vmem>>
    %dma_wait3A_523 = arith.constant 0 : i32
    %dma_wait3A_524 = tpu.memref_slice %arg2[%dma_wait3A_523] : memref<1000000xf32, #tpu.memory_space<hbm>> -> memref<72xf32, #tpu.memory_space<hbm>>
    tpu.wait_dma2 semaphore(%arg32 : memref<!tpu.dma_semaphore, #tpu.memory_space<semaphore_mem>>) src(%dma_wait3A_524 : memref<72xf32, #tpu.memory_space<hbm>>) dst(%dma_wait3A_522 : memref<72xf32, #tpu.memory_space<vmem>>)
    %dma_wait3A_525 = arith.constant 0 : i32
    %dma_wait3A_526 = tpu.memref_slice %arg22[%dma_wait3A_525] : memref<512xf32, #tpu.memory_space<vmem>> -> memref<72xf32, #tpu.memory_space<vmem>>
    %dma_wait3A_527 = arith.constant 0 : i32
    %dma_wait3A_528 = tpu.memref_slice %arg3[%dma_wait3A_527] : memref<1000000xf32, #tpu.memory_space<hbm>> -> memref<72xf32, #tpu.memory_space<hbm>>
    %dma_wait3A_529 = arith.constant 0 : i32
    %dma_wait3A_530 = tpu.memref_slice %arg22[%dma_wait3A_529] : memref<512xf32, #tpu.memory_space<vmem>> -> memref<72xf32, #tpu.memory_space<vmem>>
    %dma_wait3A_531 = arith.constant 0 : i32
    %dma_wait3A_532 = tpu.memref_slice %arg3[%dma_wait3A_531] : memref<1000000xf32, #tpu.memory_space<hbm>> -> memref<72xf32, #tpu.memory_space<hbm>>
    tpu.wait_dma2 semaphore(%arg32 : memref<!tpu.dma_semaphore, #tpu.memory_space<semaphore_mem>>) src(%dma_wait3A_532 : memref<72xf32, #tpu.memory_space<hbm>>) dst(%dma_wait3A_530 : memref<72xf32, #tpu.memory_space<vmem>>)
    %get3A = arith.constant 0 : index
    %get3A_533 = tpu.vector_load %arg17[%get3A] {strides = array<i32>} : memref<512xf32, #tpu.memory_space<vmem>>, vector<16xf32>,
    %get3A_534 = vector.shape_cast %get3A_533 : vector<16xf32> to vector<16xf32>
    %get3A_535 = arith.constant 0 : index
    %get3A_536 = tpu.vector_load %arg22[%get3A_535] {strides = array<i32>} : memref<512xf32, #tpu.memory_space<vmem>>, vector<16xf32>,
    %get3A_537 = vector.shape_cast %get3A_536 : vector<16xf32> to vector<16xf32>
    %mul3A_538 = arith.mulf %get3A_534, %get3A_537 : vector<16xf32>
    %swap3A = arith.constant 0 : index
    %swap3A_539 = tpu.vector_load %arg27[%swap3A] {strides = array<i32>} : memref<512xf32, #tpu.memory_space<vmem>>, vector<16xf32>,
    %swap3A_540 = vector.shape_cast %swap3A_539 : vector<16xf32> to vector<16xf32>
    %swap3A_541 = vector.shape_cast %mul3A_538 : vector<16xf32> to vector<16xf32>
    tpu.vector_store %arg27[%swap3A], %swap3A_541 {strides = array<i32>} : memref<512xf32, #tpu.memory_space<vmem>>, vector<16xf32>,
    %get3A_542 = arith.constant 16 : index
    %get3A_543 = tpu.vector_load %arg17[%get3A_542] {strides = array<i32>} : memref<512xf32, #tpu.memory_space<vmem>>, vector<16xf32>,
    %get3A_544 = vector.shape_cast %get3A_543 : vector<16xf32> to vector<16xf32>
    %get3A_545 = arith.constant 16 : index
    %get3A_546 = tpu.vector_load %arg22[%get3A_545] {strides = array<i32>} : memref<512xf32, #tpu.memory_space<vmem>>, vector<16xf32>,
    %get3A_547 = vector.shape_cast %get3A_546 : vector<16xf32> to vector<16xf32>
    %mul3A_548 = arith.mulf %get3A_544, %get3A_547 : vector<16xf32>
    %swap3A_549 = arith.constant 16 : index
    %swap3A_550 = tpu.vector_load %arg27[%swap3A_549] {strides = array<i32>} : memref<512xf32, #tpu.memory_space<vmem>>, vector<16xf32>,
    %swap3A_551 = vector.shape_cast %swap3A_550 : vector<16xf32> to vector<16xf32>
    %swap3A_552 = vector.shape_cast %mul3A_548 : vector<16xf32> to vector<16xf32>
    tpu.vector_store %arg27[%swap3A_549], %swap3A_552 {strides = array<i32>} : memref<512xf32, #tpu.memory_space<vmem>>, vector<16xf32>,
    %get3A_553 = arith.constant 32 : index
    %get3A_554 = tpu.vector_load %arg17[%get3A_553] {strides = array<i32>} : memref<512xf32, #tpu.memory_space<vmem>>, vector<16xf32>,
    %get3A_555 = vector.shape_cast %get3A_554 : vector<16xf32> to vector<16xf32>
    %get3A_556 = arith.constant 32 : index
    %get3A_557 = tpu.vector_load %arg22[%get3A_556] {strides = array<i32>} : memref<512xf32, #tpu.memory_space<vmem>>, vector<16xf32>,
    %get3A_558 = vector.shape_cast %get3A_557 : vector<16xf32> to vector<16xf32>
    %mul3A_559 = arith.mulf %get3A_555, %get3A_558 : vector<16xf32>
    %swap3A_560 = arith.constant 32 : index
    %swap3A_561 = tpu.vector_load %arg27[%swap3A_560] {strides = array<i32>} : memref<512xf32, #tpu.memory_space<vmem>>, vector<16xf32>,
    %swap3A_562 = vector.shape_cast %swap3A_561 : vector<16xf32> to vector<16xf32>
    %swap3A_563 = vector.shape_cast %mul3A_559 : vector<16xf32> to vector<16xf32>
    tpu.vector_store %arg27[%swap3A_560], %swap3A_563 {strides = array<i32>} : memref<512xf32, #tpu.memory_space<vmem>>, vector<16xf32>,
    %get3A_564 = arith.constant 48 : index
    %get3A_565 = tpu.vector_load %arg17[%get3A_564] {strides = array<i32>} : memref<512xf32, #tpu.memory_space<vmem>>, vector<16xf32>,
    %get3A_566 = vector.shape_cast %get3A_565 : vector<16xf32> to vector<16xf32>
    %get3A_567 = arith.constant 48 : index
    %get3A_568 = tpu.vector_load %arg22[%get3A_567] {strides = array<i32>} : memref<512xf32, #tpu.memory_space<vmem>>, vector<16xf32>,
    %get3A_569 = vector.shape_cast %get3A_568 : vector<16xf32> to vector<16xf32>
    %mul3A_570 = arith.mulf %get3A_566, %get3A_569 : vector<16xf32>
    %swap3A_571 = arith.constant 48 : index
    %swap3A_572 = tpu.vector_load %arg27[%swap3A_571] {strides = array<i32>} : memref<512xf32, #tpu.memory_space<vmem>>, vector<16xf32>,
    %swap3A_573 = vector.shape_cast %swap3A_572 : vector<16xf32> to vector<16xf32>
    %swap3A_574 = vector.shape_cast %mul3A_570 : vector<16xf32> to vector<16xf32>
    tpu.vector_store %arg27[%swap3A_571], %swap3A_574 {strides = array<i32>} : memref<512xf32, #tpu.memory_space<vmem>>, vector<16xf32>,
    %get3A_575 = arith.constant 56 : index
    %get3A_576 = tpu.vector_load %arg17[%get3A_575] {strides = array<i32>} : memref<512xf32, #tpu.memory_space<vmem>>, vector<16xf32>,
    %get3A_577 = vector.shape_cast %get3A_576 : vector<16xf32> to vector<16xf32>
    %get3A_578 = arith.constant 56 : index
    %get3A_579 = tpu.vector_load %arg22[%get3A_578] {strides = array<i32>} : memref<512xf32, #tpu.memory_space<vmem>>, vector<16xf32>,
    %get3A_580 = vector.shape_cast %get3A_579 : vector<16xf32> to vector<16xf32>
    %mul3A_581 = arith.mulf %get3A_577, %get3A_580 : vector<16xf32>
    %swap3A_582 = arith.constant 56 : index
    %swap3A_583 = tpu.vector_load %arg27[%swap3A_582] {strides = array<i32>} : memref<512xf32, #tpu.memory_space<vmem>>, vector<16xf32>,
    %swap3A_584 = vector.shape_cast %swap3A_583 : vector<16xf32> to vector<16xf32>
    %swap3A_585 = vector.shape_cast %mul3A_581 : vector<16xf32> to vector<16xf32>
    tpu.vector_store %arg27[%swap3A_582], %swap3A_585 {strides = array<i32>} : memref<512xf32, #tpu.memory_space<vmem>>, vector<16xf32>,
    "tpu.region"() ({
      %run_scoped3A = tpu.sem_alloc : memref<!tpu.dma_semaphore, #tpu.memory_space<semaphore_mem>>
      %dma_start3A_586 = arith.constant 0 : i32
      %dma_start3A_587 = tpu.memref_slice %arg27[%dma_start3A_586] : memref<512xf32, #tpu.memory_space<vmem>> -> memref<72xf32, #tpu.memory_space<vmem>>
      %dma_start3A_588 = tpu.memref_slice %arg6[%add3A_504] : memref<4000000xf32, #tpu.memory_space<hbm>> -> memref<72xf32, #tpu.memory_space<hbm>>
      %dma_start3A_589 = tpu.memref_slice %arg6[%add3A_504] : memref<4000000xf32, #tpu.memory_space<hbm>> -> memref<72xf32, #tpu.memory_space<hbm>>
      %dma_start3A_590 = arith.constant 0 : i32
      %dma_start3A_591 = tpu.memref_slice %arg27[%dma_start3A_590] : memref<512xf32, #tpu.memory_space<vmem>> -> memref<72xf32, #tpu.memory_space<vmem>>
      tpu.enqueue_dma source(%dma_start3A_591 : memref<72xf32, #tpu.memory_space<vmem>>) target(%dma_start3A_589 : memref<72xf32, #tpu.memory_space<hbm>>) target_semaphore(%run_scoped3A : memref<!tpu.dma_semaphore, #tpu.memory_space<semaphore_mem>>)
      %dma_wait3A_592 = arith.constant 0 : i32
      %dma_wait3A_593 = tpu.memref_slice %arg27[%dma_wait3A_592] : memref<512xf32, #tpu.memory_space<vmem>> -> memref<72xf32, #tpu.memory_space<vmem>>
      %dma_wait3A_594 = tpu.memref_slice %arg6[%add3A_504] : memref<4000000xf32, #tpu.memory_space<hbm>> -> memref<72xf32, #tpu.memory_space<hbm>>
      %dma_wait3A_595 = tpu.memref_slice %arg6[%add3A_504] : memref<4000000xf32, #tpu.memory_space<hbm>> -> memref<72xf32, #tpu.memory_space<hbm>>
      %dma_wait3A_596 = arith.constant 0 : i32
      %dma_wait3A_597 = tpu.memref_slice %arg27[%dma_wait3A_596] : memref<512xf32, #tpu.memory_space<vmem>> -> memref<72xf32, #tpu.memory_space<vmem>>
      tpu.wait_dma2 semaphore(%run_scoped3A : memref<!tpu.dma_semaphore, #tpu.memory_space<semaphore_mem>>) src(%dma_wait3A_597 : memref<72xf32, #tpu.memory_space<vmem>>) dst(%dma_wait3A_595 : memref<72xf32, #tpu.memory_space<hbm>>)
      tpu.yield
    }) : () -> ()
    return
  }
}

</mosaic_0001>

<sc_bundles>
// kernel: kernel.3.cloned.1.call-start
scs
__scs_entry_jumppad:
0x0: {  	(pc) =	sbr.rel $0x88, $3  }
0x1: {  	(tag) =	ssettag $0x0;
	lr =	simm.s32 $0x1  }
0x2: {  	[smem:$0x3F9D] =	sst lr;
	_ =	strace $0xD0000000  }
0x3: {  	_ = 	snop  }
0x4: {  	_ = 	snop  }
0x5: {  	_ = 	snop  }
0x6: {  	_ = 	snop  }
0x7: {  	_ = 	snop  }
__scs_overlays_trampoline_lowered:
0x8: {  	[smem:$0x3FAC] =	sst s0  }
0x9: {  	[smem:$0x3FAD] =	sst s1  }
0xa: {  	[smem:$0x3FAE] =	sst s2  }
0xb: {  	[smem:$0x3FAF] =	sst s3  }
0xc: {  	[smem:$0x3FB0] =	sst s4  }
0xd: {  	[smem:$0x3FB1] =	sst s5  }
0xe: {  	[smem:$0x3FB2] =	sst s6  }
0xf: {  	[smem:$0x3FB3] =	sst s7  }
0x10: {  	[smem:$0x3FB4] =	sst s8  }
0x11: {  	[smem:$0x3FB5] =	sst s9;
	s0 =	simm.s32 @!p0 $0x0  }
0x12: {  	s1 =	sld [smem:$0x3F9B];
	s0 =	simm.s32 @p0 $0x1  }
0x13: {  	[smem:$0x3FB6] =	sst s0;
	s0 =	simm.s32 @!p1 $0x0  }
0x14: {  	s2 =	sld [smem:$0x3F9A];
	s0 =	simm.s32 @p1 $0x1  }
0x15: {  	[smem:$0x3FB7] =	sst s0;
	s0 =	simm.s32 @!p2 $0x0  }
0x16: {  	s3 =	sld [smem:$0x3FDB];
	s0 =	simm.s32 @p2 $0x1  }
0x17: {  	s4 =	simm.s32 $0x1BF5;
	[smem:$0x3FB9] =	sst s0  }
0x18: {  	s0 =	sld [smem:$0x3F9C];
	_ =	swait.ge [sflag:s4], $0x0  }
0x19: {  	s7 =	sld [smem:$0x3F9D]  }
0x1a: {  	s8 =	sadd.s32 $0xFFFFE003, lr  }
0x1b: {  	s9 =	sadd.s32 $0xFFFFFEF7, lr;
	s5 =	simm.s32 $0xFFFFFFFF;
	p2 =	slt.u32 s8, $0xFFFFF086  }
0x1c: {  	p1 =	slt.u32 s9, $0xF7A;
	s5 =	simm.s32 @!p2 $0x0  }
0x1d: {  	s5 =	simm.s32 @p1 $0x1;
	p0 =	seq.s32 s7, s2  }
0x1e: {  	s7 =	smul.u32 @!p0 $0xF7A, s2;
	p2 =	seq.s32 @!p0 s5, $0x0  }
0x1f: {  	s9 =	smul.u32 $0xF7A, s1;
	s8 =	simm.s32 @!p0 $0x1BF5;
	p2 =	por !p2, p0  }
0x20: {  	[sflag:s8] =	ssyncset.s32 @!p0 $0xFFFFF086;
	s6 =	sadd.s32 @!p0 s3, s7;
	s7 =	simm.s32 @!p0 $0x108  }
0x21: {  	s3 =	sadd.s32 s3, s9;
	s6 =	sadd.s32 @!p0 $0x88, s6;
	s7 =	simm.s32 @p2 $0x1082  }
0x22: {  	[simem:s7], [sflag:s8] =	dma.local @!p0 [hbm:s6], $0xF7A  }
0x23: {  	s9 =	sor.u32 $0xD0000000, s2;
	s6 =	simm.s32 $0x108;
	_ =	swait.ge @!p0 [sflag:s8], $0x0  }
0x24: {  	s3 =	sadd.s32 $0x88, s3;
	s6 =	simm.s32 @!p1 $0x1082;
	[sflag:s4] =	ssyncset.s32 $0xFFFFF086  }
0x25: {  	[simem:s6], [sflag:s4] =	dma.local [hbm:s3], $0xF7A  }
0x26: {  	[smem:$0x3F9D] =	sst s1;
	(tag) =	ssettag s2;
	_ =	strace s9  }
0x27: {  	s1 =	sld [smem:$0x3FAD]  }
0x28: {  	s2 =	sld [smem:$0x3FAE]  }
0x29: {  	s4 =	sld [smem:$0x3FB0]  }
0x2a: {  	p0 =	seq.s32 s5, $0x0;
	s5 =	sld [smem:$0x3FB1]  }
0x2b: {  	s6 =	sld [smem:$0x3FB2]  }
0x2c: {  	s7 =	sld [smem:$0x3FB3]  }
0x2d: {  	s3 =	simm.s32 $0x108;
	s8 =	sld [smem:$0x3FB4]  }
0x2e: {  	s3 =	simm.s32 @!p0 $0x1082;
	s9 =	sld [smem:$0x3FB5]  }
0x2f: {  	lr =	sadd.s32 s0, s3;
	s0 =	sld [smem:$0x3FAC]  }
0x30: {  	s3 =	sld [smem:$0x3FAF]  }
0x31: {  	[smem:$0x3FB8] =	sst s10  }
0x32: {  	s10 =	sld [smem:$0x3FB6];
	_ =	sdelay $0x3  }
0x33: {  	p0 =	seq.s32 s10, $0x1;
	s10 =	sld [smem:$0x3FB8];
	_ =	sdelay $0x3  }
0x34: {  	[smem:$0x3FB8] =	sst s10  }
0x35: {  	s10 =	sld [smem:$0x3FB7];
	_ =	sdelay $0x3  }
0x36: {  	p1 =	seq.s32 s10, $0x1;
	s10 =	sld [smem:$0x3FB8];
	_ =	sdelay $0x3  }
0x37: {  	[smem:$0x3FB8] =	sst s10  }
0x38: {  	s10 =	sld [smem:$0x3FB9]  }
0x39: {  	_ = 	snop;
	(pc) =	sbr.ind lr, $3  }
0x3a: {  	_ = 	snop  }
0x3b: {  	_ = 	snop  }
0x3c: {  	p2 =	seq.s32 s10, $0x1;
	s10 =	sld [smem:$0x3FB8]  }
0x3d: {  	_ =	shalt  }
0x3e: {  	_ =	shalt  }
0x3f: {  	_ =	shalt  }
0x40: {  	_ =	shalt  }
0x41: {  	_ =	shalt  }
0x42: {  	_ =	shalt  }
0x43: {  	_ =	shalt  }
0x44: {  	_ =	shalt  }
0x45: {  	_ =	shalt  }
0x46: {  	_ =	shalt  }
0x47: {  	_ =	shalt  }
0x48: {  	_ =	shalt  }
0x49: {  	_ =	shalt  }
0x4a: {  	_ =	shalt  }
0x4b: {  	_ =	shalt  }
0x4c: {  	_ =	shalt  }
0x4d: {  	_ =	shalt  }
0x4e: {  	_ =	shalt  }
0x4f: {  	_ =	shalt  }
0x50: {  	_ =	shalt  }
0x51: {  	_ =	shalt  }
0x52: {  	_ =	shalt  }
0x53: {  	_ =	shalt  }
0x54: {  	_ =	shalt  }
0x55: {  	_ =	shalt  }
0x56: {  	_ =	shalt  }
0x57: {  	_ =	shalt  }
0x58: {  	_ =	shalt  }
0x59: {  	_ =	shalt  }
0x5a: {  	_ =	shalt  }
0x5b: {  	_ =	shalt  }
0x5c: {  	_ =	shalt  }
0x5d: {  	_ =	shalt  }
0x5e: {  	_ =	shalt  }
0x5f: {  	_ =	shalt  }
0x60: {  	_ =	shalt  }
0x61: {  	_ =	shalt  }
0x62: {  	_ =	shalt  }
0x63: {  	_ =	shalt  }
0x64: {  	_ =	shalt  }
0x65: {  	_ =	shalt  }
0x66: {  	_ =	shalt  }
0x67: {  	_ =	shalt  }
0x68: {  	_ =	shalt  }
0x69: {  	_ =	shalt  }
0x6a: {  	_ =	shalt  }
0x6b: {  	_ =	shalt  }
0x6c: {  	_ =	shalt  }
0x6d: {  	_ =	shalt  }
0x6e: {  	_ =	shalt  }
0x6f: {  	_ =	shalt  }
0x70: {  	_ =	shalt  }
0x71: {  	_ =	shalt  }
0x72: {  	_ =	shalt  }
0x73: {  	_ =	shalt  }
0x74: {  	_ =	shalt  }
0x75: {  	_ =	shalt  }
0x76: {  	_ =	shalt  }
0x77: {  	_ =	shalt  }
0x78: {  	_ =	shalt  }
0x79: {  	_ =	shalt  }
0x7a: {  	_ =	shalt  }
0x7b: {  	_ =	shalt  }
0x7c: {  	_ =	shalt  }
0x7d: {  	_ =	shalt  }
0x7e: {  	_ =	shalt  }
0x7f: {  	_ =	shalt  }
0x80: {  	_ =	shalt  }
0x81: {  	_ =	shalt  }
0x82: {  	_ =	shalt  }
0x83: {  	_ =	shalt  }
0x84: {  	_ =	shalt  }
0x85: {  	_ =	shalt  }
0x86: {  	_ =	shalt  }
0x87: {  	_ =	shalt  }
.Lfunc_end0:
.L_simem_size_0:
called_computation_lowered:
.L_overlay_start_0:
0x88: {  	s2 =	sld [smem:$0x3FD9]  }
0x89: {  	s3 =	sld [smem:$0x3FFE];
	_ =	sdelay $0x1  }
0x8a: {  	s1 =	srdreg.scid  }
0x8b: {  	s0 =	sand.u32 $0x1, s1  }
0x8c: {  	s18 =	sshll.u32 s0, $0xA;
	s2 =	sadd.s32 s3, s2  }
0x8d: {  	s2 =	sadd.s32 s2, s18  }
0x8e: {  	[smem:$0x3FC4] =	sst s2  }
0x8f: {  	_ = 	snop  }
0x90: {  	s2 =	sld [smem:$0x3FC9]  }
0x91: {  	s19 =	sld [smem:$0x3FC8]  }
0x92: {  	s4 =	sld [smem:$0x3FC7]  }
0x93: {  	s5 =	sld [smem:$0x3FC6]  }
0x94: {  	s6 =	sld [smem:$0x3FD0];
	(tm) =	ssettm $0x1  }
0x95: {  	s7 =	sld [smem:$0x3FFB];
	_ =	sdelay $0x3  }
0x96: {  	_ =	strace s7  }
0x97: {  	s7 =	sld [smem:$0x3FFC];
	_ =	sdelay $0x3  }
0x98: {  	_ =	strace s7  }
0x99: {  	s7 =	sld [smem:$0x3FFD];
	_ =	sdelay $0x3  }
0x9a: {  	_ =	strace s7  }
0x9b: {  	_ =	strace $0x8FFFFFFF  }
0x9c: {  	s20 =	sld [smem:$0x3FDB];
	_ =	sdelay $0x1  }
0x9d: {  	s8 =	simm.s32 $_scs_section_size  }
0x9e: {  	s9 =	simm.s32 $_size__tile_overlayer_lowered;
	s10 =	simm.s32 $_tile_overlayer_lowered  }
0x9f: {  	s23 =	simm.s32 $0x1BFF;
	s22 =	sshll.u32 s10, $0x1;
	s7 =	sadd.s32 s8, s20  }
0xa0: {  	s11 =	simm.s32 $0x0;
	s21 =	sshll.u32 s9, $0x1;
	s9 =	sadd.s32 s22, s7  }
0xa1: {  	[timem:s11], [sflag:s23] =	dma.local [hbm:s9], s21  }
0xa2: {  	_ =	swait.ge [sflag:s23], s21  }
0xa3: {  	s8 =	ssub.s32 $0x0, s21;
	[sflag:s23] =	ssyncset.done $0x0  }
0xa4: {  	[sflag:s23] =	ssyncadd.s32 s8;
	_ =	sdelay $0x1  }
0xa5: {  	s24 =	simm.s32 $0x1B8B  }
0xa6: {  	_ =	swait.ge [sflag:s24], $0x1  }
0xa7: {  	[sflag:s24] =	ssyncset.done $0x0  }
0xa8: {  	s25 =	simm.s32 $0x1B8E;
	[sflag:s24] =	ssyncadd.s32 $0xFFFFFFFF  }
0xa9: {  	s26 =	simm.s32 $execute0_lowered;
	[smem:$0x3FD2] =	sst s25  }
0xaa: {  	s8 =	sshll.u32 s26, $0x1;
	_ =	strace $0x80000046;
	[dreg:$0x1] =	wrdreg $0xFFFFFFFF  }
0xab: {  	s28 =	simm.s32 $_size_execute0_lowered;
	s7 =	sadd.s32 s7, s8;
	[dreg:$0x0] =	wrdreg $0x0  }
0xac: {  	s8 =	sshll.u32 s28, $0x1;
	[dreg:$0x2] =	wrdreg s7  }
0xad: {  	[dreg:$0x3] =	wrdreg s8  }
0xae: {  	[dreg:$0x4] =	wrdreg $0xC0  }
0xaf: {  	_ =	task [dreg:s11], $0x5FFFF  }
0xb0: {  	[dreg:$0x1] =	wrdreg $0xFFFFFFFF  }
0xb1: {  	[dreg:$0x0] =	wrdreg $0x60  }
0xb2: {  	[dreg:$0x2] =	wrdreg s2  }
0xb3: {  	[dreg:$0x3] =	wrdreg s19  }
0xb4: {  	[dreg:$0x4] =	wrdreg s4  }
0xb5: {  	[dreg:$0x5] =	wrdreg s5  }
0xb6: {  	[dreg:$0x6] =	wrdreg s6  }
0xb7: {  	[dreg:$0x7] =	wrdreg $0x9  }
0xb8: {  	_ =	task.clear_ibuf [dreg:s11], $0x8FFFF;
	_ =	strace $0x90000046  }
0xb9: {  	s29 =	simm.s32 $0x9;
	_ =	strace $0x80000048  }
0xba: {  	_ =	swait.ge [sflag:s29], $0x1  }
0xbb: {  	[sflag:s29] =	ssyncadd.s32 $0xFFFFFFFF  }
0xbc: {  	_ =	strace $0x90000048  }
0xbd: {  	_ =	sfence  }
0xbe: {  	s30 =	sld [smem:$0x0];
	_ =	sdelay $0x2  }
0xbf: {  	s31 =	sshll.u32 s1, $0xD;
	s1 =	sshrl.u32 s1, $0x2  }
0xc0: {  	s3 =	sand.u32 $0x4000, s31;
	s1 =	sadd.s32 s1, s30  }
0xc1: {  	s0 =	sor.u32 s3, s0;
	s1 =	sshll.u32 s1, $0x11  }
0xc2: {  	s0 =	sor.u32 s1, s0  }
0xc3: {  	s0 =	sadd.s32 $0x8F2B, s0  }
0xc4: {  	[sflag:s0] =	ssyncadd.remote.s32 $0x1  }
0xc5: {  	_ =	sfence.sel $0xFFFF  }
0xc6: {  	[dreg:$0x0] =	wrdreg $0xFFFFFFFF;
	(pc) =	sbr.abs _section_cstart, $3  }
0xc7: {  	[dreg:$0x1] =	wrdreg $0xFFFFFFFF  }
0xc8: {  	_ =	task.clear_ibuf [dreg:s11], $0x2FFFF;
	_ =	strace $0x9FFFFFFF  }
0xc9: {  	(tm) =	ssettm $0x7FFFFFFF  }
tec
execute0_lowered:
.L_overlay_start_1:
0x0: {  	(tag) =	ssettag $0x1  }
0x1: {  	s1 =	rddreg [dreg:$0x0]  }
0x2: {  	s2 =	rddreg [dreg:$0x1]  }
0x3: {  	s0 =	srdreg.scid;
	s4 =	stileid.u32  }
0x4: {  	s3 =	rddreg [dreg:$0x2];
	s0 =	sand.u32 $0x1, s0;
	s4 =	sshll.u32 s4, $0x1  }
0x5: {  	s5 =	rddreg [dreg:$0x3];
	s4 =	sor.u32 s0, s4  }
0x6: {  	s6 =	rddreg [dreg:$0x4];
	s7 =	simm.s32 $0x0;
	s10 =	smul.u32 $0x1E848, s4  }
0x7: {  	[smem:$0x7FF] =	sst s7  }
0x8: {  	_ =	strace $0x80000047;
	s8 =	sadd.s32 $0x200, s10;
	[dreg:$0x6] =	wrdreg s10  }
0x9: {  	s16 =	sadd.s32 $0x400, s10;
	[dreg:$0x7] =	wrdreg s8  }
0xa: {  	s20 =	sadd.s32 $0xA00, s10;
	[dreg:$0x8] =	wrdreg s16  }
0xb: {  	s0 =	ssub.s32 $0x2, s0;
	s12 =	sadd.s32 $0xC00, s10;
	[dreg:$0xd] =	wrdreg s20  }
0xc: {  	s14 =	sshrl.u32 s0, $0x1;
	s23 =	sadd.s32 $0xE00, s10;
	[dreg:$0xf] =	wrdreg s12  }
0xd: {  	s0 =	ssub.s32 s0, s14;
	s11 =	sadd.s32 $0x600, s10;
	[dreg:$0x14] =	wrdreg s23  }
0xe: {  	s0 =	smax.u32 s0, $0x1;
	s15 =	sshrl.u32 s8, $0x3;
	[dreg:$0xe] =	wrdreg s11  }
0xf: {  	s25 =	sshrl.u32 s11, $0x3;
	s11 =	sadd.s32 $0x800, s10;
	[smem:$0x7F8] =	sst s0  }
0x10: {  	s8 =	sshrl.u32 s16, $0x3;
	s16 =	sadd.s32 $0x1200, s10;
	[dreg:$0x1d] =	wrdreg s11  }
0x11: {  	s9 =	sadd.s32 s3, s15;
	[smem:$0x7F0] =	sst s16  }
0x12: {  	s17 =	sadd.s32 s5, s15;
	[dreg:$0x9] =	wrdreg s9  }
0x13: {  	s18 =	sadd.s32 s3, s8;
	[dreg:$0xa] =	wrdreg s17  }
0x14: {  	s19 =	sadd.s32 s5, s8;
	[dreg:$0xb] =	wrdreg s18  }
0x15: {  	s21 =	sshrl.u32 s12, $0x3;
	s4 =	sadd.s32 s6, s15;
	[dreg:$0xc] =	wrdreg s19  }
0x16: {  	s22 =	sadd.s32 s3, s21;
	[dreg:$0x12] =	wrdreg s4  }
0x17: {  	s8 =	sadd.s32 s6, s8;
	[dreg:$0x13] =	wrdreg s22  }
0x18: {  	s26 =	sadd.s32 s3, s25;
	[dreg:$0x16] =	wrdreg s8  }
0x19: {  	s30 =	sadd.s32 s5, s25;
	s9 =	sshrl.u32 s20, $0x3;
	[dreg:$0x19] =	wrdreg s26  }
0x1a: {  	[dreg:$0x1a] =	wrdreg s30;
	s13 =	sadd.s32 s3, s9  }
0x1b: {  	s4 =	sshrl.u32 s23, $0x3;
	s9 =	sadd.s32 s5, s9;
	[dreg:$0x10] =	wrdreg s13  }
0x1c: {  	s24 =	sadd.s32 s3, s4;
	[dreg:$0x11] =	wrdreg s9  }
0x1d: {  	s17 =	sshrl.u32 s10, $0x3;
	s4 =	sadd.s32 s5, s4;
	[dreg:$0x17] =	wrdreg s24  }
0x1e: {  	s19 =	sadd.s32 s3, s17;
	[dreg:$0x18] =	wrdreg s4  }
0x1f: {  	s20 =	sadd.s32 s5, s17;
	[smem:$0x7F3] =	sst s19  }
0x20: {  	s9 =	sadd.s32 s5, s21;
	[smem:$0x7F4] =	sst s20  }
0x21: {  	s31 =	simm.s32 $0x800;
	s4 =	sadd.s32 s6, s25;
	[dreg:$0x15] =	wrdreg s9  }
0x22: {  	s28 =	simm.s32 $0x2;
	s21 =	sadd.s32 s6, s17;
	[dreg:$0x1c] =	wrdreg s4  }
0x23: {  	s13 =	sshrl.u32 s11, $0x3;
	s9 =	sadd.s32 $0x1000, s10;
	[smem:$0x7FC] =	sst s21  }
0x24: {  	s29 =	simm.s32 $0x3;
	s14 =	sadd.s32 s3, s13;
	[dreg:$0x1b] =	wrdreg s9  }
0x25: {  	s0 =	simm.s32 $0x1;
	s15 =	sadd.s32 s5, s13;
	[smem:$0x7ED] =	sst s14  }
0x26: {  	s19 =	simm.s32 $0x80;
	s24 =	sadd.s32 $0x3C00, s21;
	[smem:$0x7EE] =	sst s15  }
0x27: {  	s11 =	simm.s32 $0x600;
	s25 =	sadd.s32 $0x3C40, s21;
	[smem:$0x7F9] =	sst s24  }
0x28: {  	s20 =	simm.s32 $0x1200;
	s26 =	sadd.s32 $0x3C80, s21;
	[smem:$0x7FA] =	sst s25  }
0x29: {  	s30 =	sadd.s32 $0x3CC0, s21;
	s21 =	simm.s32 $0x4;
	[smem:$0x7FB] =	sst s26  }
0x2a: {  	s10 =	simm.s32 $0x6;
	s12 =	sshrl.u32 s9, $0x3;
	[smem:$0x7FD] =	sst s30  }
0x2b: {  	s26 =	simm.s32 $0xA00;
	s25 =	simm.s32 $0x1400;
	s9 =	simm.s32 $0x5  }
0x2c: {  	s14 =	simm.s32 $0x8;
	s15 =	simm.s32 $0x9;
	s8 =	sadd.s32 s3, s12  }
0x2d: {  	s4 =	sadd.s32 s5, s12;
	s12 =	simm.s32 $0x1000;
	[dreg:$0x1e] =	wrdreg s8  }
0x2e: {  	[dreg:$0x1f] =	wrdreg s4;
	s4 =	sadd.s32 s6, s13;
	s8 =	sshrl.u32 s16, $0x3  }
0x2f: {  	s13 =	simm.s32 $0xB;
	[smem:$0x7EF] =	sst s4;
	s18 =	sadd.s32 s3, s8  }
0x30: {  	s8 =	sadd.s32 s5, s8;
	s4 =	sadd.s32 $0x3D00, s17;
	[smem:$0x7F1] =	sst s18  }
0x31: {  	s16 =	simm.s32 $0xA;
	[smem:$0x7F2] =	sst s8;
	s22 =	sadd.s32 s3, s4  }
0x32: {  	s17 =	simm.s32 $0x0;
	s23 =	sadd.s32 s5, s4;
	[smem:$0x7F5] =	sst s22  }
0x33: {  	s4 =	sadd.s32 s6, s4;
	s18 =	simm.s32 $0x1E00;
	[smem:$0x7F6] =	sst s23  }
0x34: {  	s8 =	simm.s32 $0x7;
	[smem:$0x7F7] =	sst s4;
	s23 =	simm.s32 $0xE00  }
.LBB2_1:
0x35: {  	s4 =	sld [smem:$0x7F3];
	_ =	sdelay $0x1  }
0x36: {  	[smem:$0x7EC] =	sst s17  }
0x37: {  	[tilespmem:s7], [sflag:$0xB] =	stream.linear.gather [hbm4b:s4+s7], $0x200, $0x38;
	[tilespmem:$0x3200] =	vst v63  }
0x38: {  	_ =	swait.ge [sflag:s13], $0x200  }
0x39: {  	s17 =	sld [smem:$0x7F4]  }
0x3a: {  	[sflag:s13] =	ssyncset.done $0x0  }
0x3b: {  	[sflag:s13] =	ssyncadd.s32 $0xFFFFFE00  }
0x3c: {  	[tilespmem:s26], [sflag:$0xB] =	stream.linear.gather [hbm4b:s17+s7], $0x200, $0x38;
	[tilespmem:$0x3200] =	vst v63  }
0x3d: {  	_ =	swait.ge [sflag:s13], $0x200  }
0x3e: {  	[sflag:s13] =	ssyncset.done $0x0  }
0x3f: {  	[sflag:s13] =	ssyncadd.s32 $0xFFFFFE00  }
0x40: {  	[tilespmem:s25], [sflag:$0x1] =	stream.indirect.gather [hbm4b:s1+s19], $0x1, s7, s19, $0xb8;
	[tilespmem:$0x3200] =	vst v63  }
0x41: {  	_ = 	snop  }
0x42: {  	[tilespmem:s18], [sflag:$0x1] =	stream.indirect.gather [hbm4b:s2+s19], $0x1, s26, s19, $0xb8;
	[tilespmem:$0x3200] =	vst v63  }
0x43: {  	s22 =	simm.s32 $0x1480  }
0x44: {  	[tilespmem:s22], [sflag:$0x1] =	stream.indirect.gather [hbm4b:s1+s19], $0x1, s19, s19, $0xb8;
	[tilespmem:$0x3200] =	vst v63  }
0x45: {  	s24 =	simm.s32 $0xA80;
	s30 =	simm.s32 $0x1E80  }
0x46: {  	[tilespmem:s30], [sflag:$0x1] =	stream.indirect.gather [hbm4b:s2+s19], $0x1, s24, s19, $0xb8;
	[tilespmem:$0x3200] =	vst v63  }
0x47: {  	s17 =	simm.s32 $0x100;
	s22 =	simm.s32 $0x1500  }
0x48: {  	[tilespmem:s22], [sflag:$0x1] =	stream.indirect.gather [hbm4b:s1+s19], $0x1, s17, s19, $0xb8;
	[tilespmem:$0x3200] =	vst v63  }
0x49: {  	s24 =	simm.s32 $0xB00;
	s30 =	simm.s32 $0x1F00  }
0x4a: {  	[tilespmem:s30], [sflag:$0x1] =	stream.indirect.gather [hbm4b:s2+s19], $0x1, s24, s19, $0xb8;
	[tilespmem:$0x3200] =	vst v63  }
0x4b: {  	s17 =	simm.s32 $0x180;
	s22 =	simm.s32 $0x1580  }
0x4c: {  	[tilespmem:s22], [sflag:$0x1] =	stream.indirect.gather [hbm4b:s1+s19], $0x1, s17, s19, $0xb8;
	[tilespmem:$0x3200] =	vst v63  }
0x4d: {  	s24 =	simm.s32 $0xB80;
	s30 =	simm.s32 $0x1F80  }
0x4e: {  	[tilespmem:s30], [sflag:$0x1] =	stream.indirect.gather [hbm4b:s2+s19], $0x1, s24, s19, $0xb8;
	[tilespmem:$0x3200] =	vst v63  }
0x4f: {  	s22 =	rddreg [dreg:$0x9];
	s17 =	simm.s32 $0x200  }
0x50: {  	[tilespmem:s17], [sflag:$0xB] =	stream.linear.gather [hbm4b:s22+s7], $0x200, $0x38;
	[tilespmem:$0x3200] =	vst v63  }
0x51: {  	_ =	swait.ge [sflag:s13], $0x200  }
0x52: {  	[sflag:s13] =	ssyncset.done $0x0  }
0x53: {  	s22 =	simm.s32 $0xC00;
	s24 =	rddreg [dreg:$0xa];
	[sflag:s13] =	ssyncadd.s32 $0xFFFFFE00  }
0x54: {  	[tilespmem:s22], [sflag:$0xB] =	stream.linear.gather [hbm4b:s24+s7], $0x200, $0x38;
	[tilespmem:$0x3200] =	vst v63  }
0x55: {  	_ =	swait.ge [sflag:s13], $0x200  }
0x56: {  	[sflag:s13] =	ssyncset.done $0x0  }
0x57: {  	s30 =	simm.s32 $0x1600;
	[sflag:s13] =	ssyncadd.s32 $0xFFFFFE00  }
0x58: {  	[tilespmem:s30], [sflag:$0x2] =	stream.indirect.gather [hbm4b:s1+s19], $0x1, s17, s19, $0xb8;
	[tilespmem:$0x3200] =	vst v63  }
0x59: {  	s17 =	simm.s32 $0x2000  }
0x5a: {  	[tilespmem:s17], [sflag:$0x2] =	stream.indirect.gather [hbm4b:s2+s19], $0x1, s22, s19, $0xb8;
	[tilespmem:$0x3200] =	vst v63  }
0x5b: {  	s24 =	simm.s32 $0x280;
	s30 =	simm.s32 $0x1680  }
0x5c: {  	[tilespmem:s30], [sflag:$0x2] =	stream.indirect.gather [hbm4b:s1+s19], $0x1, s24, s19, $0xb8;
	[tilespmem:$0x3200] =	vst v63  }
0x5d: {  	s17 =	simm.s32 $0xC80;
	s22 =	simm.s32 $0x2080  }
0x5e: {  	[tilespmem:s22], [sflag:$0x2] =	stream.indirect.gather [hbm4b:s2+s19], $0x1, s17, s19, $0xb8;
	[tilespmem:$0x3200] =	vst v63  }
0x5f: {  	s24 =	simm.s32 $0x300;
	s30 =	simm.s32 $0x1700  }
0x60: {  	[tilespmem:s30], [sflag:$0x2] =	stream.indirect.gather [hbm4b:s1+s19], $0x1, s24, s19, $0xb8;
	[tilespmem:$0x3200] =	vst v63  }
0x61: {  	s17 =	simm.s32 $0xD00;
	s22 =	simm.s32 $0x2100  }
0x62: {  	[tilespmem:s22], [sflag:$0x2] =	stream.indirect.gather [hbm4b:s2+s19], $0x1, s17, s19, $0xb8;
	[tilespmem:$0x3200] =	vst v63  }
0x63: {  	s24 =	simm.s32 $0x380;
	s30 =	simm.s32 $0x1780  }
0x64: {  	[tilespmem:s30], [sflag:$0x2] =	stream.indirect.gather [hbm4b:s1+s19], $0x1, s24, s19, $0xb8;
	[tilespmem:$0x3200] =	vst v63  }
0x65: {  	s17 =	simm.s32 $0xD80;
	s22 =	simm.s32 $0x2180  }
0x66: {  	[tilespmem:s22], [sflag:$0x2] =	stream.indirect.gather [hbm4b:s2+s19], $0x1, s17, s19, $0xb8;
	[tilespmem:$0x3200] =	vst v63  }
0x67: {  	s24 =	rddreg [dreg:$0xb];
	s30 =	simm.s32 $0x400  }
0x68: {  	[tilespmem:s30], [sflag:$0xB] =	stream.linear.gather [hbm4b:s24+s7], $0x200, $0x38;
	[tilespmem:$0x3200] =	vst v63  }
0x69: {  	_ =	swait.ge [sflag:s13], $0x200  }
0x6a: {  	[sflag:s13] =	ssyncset.done $0x0  }
0x6b: {  	s22 =	rddreg [dreg:$0xc];
	[sflag:s13] =	ssyncadd.s32 $0xFFFFFE00  }
0x6c: {  	[tilespmem:s23], [sflag:$0xB] =	stream.linear.gather [hbm4b:s22+s7], $0x200, $0x38;
	[tilespmem:$0x3200] =	vst v63  }
0x6d: {  	_ =	swait.ge [sflag:s13], $0x200  }
0x6e: {  	[sflag:s13] =	ssyncset.done $0x0  }
0x6f: {  	s24 =	simm.s32 $0x1800;
	[sflag:s13] =	ssyncadd.s32 $0xFFFFFE00  }
0x70: {  	[tilespmem:s24], [sflag:$0x3] =	stream.indirect.gather [hbm4b:s1+s19], $0x1, s30, s19, $0xb8;
	[tilespmem:$0x3200] =	vst v63  }
0x71: {  	s30 =	simm.s32 $0x2200  }
0x72: {  	[tilespmem:s30], [sflag:$0x3] =	stream.indirect.gather [hbm4b:s2+s19], $0x1, s23, s19, $0xb8;
	[tilespmem:$0x3200] =	vst v63  }
0x73: {  	s17 =	simm.s32 $0x480;
	s22 =	simm.s32 $0x1880  }
0x74: {  	[tilespmem:s22], [sflag:$0x3] =	stream.indirect.gather [hbm4b:s1+s19], $0x1, s17, s19, $0xb8;
	[tilespmem:$0x3200] =	vst v63  }
0x75: {  	s24 =	simm.s32 $0xE80;
	s30 =	simm.s32 $0x2280  }
0x76: {  	[tilespmem:s30], [sflag:$0x3] =	stream.indirect.gather [hbm4b:s2+s19], $0x1, s24, s19, $0xb8;
	[tilespmem:$0x3200] =	vst v63  }
0x77: {  	s17 =	simm.s32 $0x500;
	s22 =	simm.s32 $0x1900  }
0x78: {  	[tilespmem:s22], [sflag:$0x3] =	stream.indirect.gather [hbm4b:s1+s19], $0x1, s17, s19, $0xb8;
	[tilespmem:$0x3200] =	vst v63  }
0x79: {  	s24 =	simm.s32 $0xF00;
	s30 =	simm.s32 $0x2300  }
0x7a: {  	[tilespmem:s30], [sflag:$0x3] =	stream.indirect.gather [hbm4b:s2+s19], $0x1, s24, s19, $0xb8;
	[tilespmem:$0x3200] =	vst v63  }
0x7b: {  	s17 =	simm.s32 $0x580;
	s22 =	simm.s32 $0x1980  }
0x7c: {  	[tilespmem:s22], [sflag:$0x3] =	stream.indirect.gather [hbm4b:s1+s19], $0x1, s17, s19, $0xb8;
	[tilespmem:$0x3200] =	vst v63  }
0x7d: {  	s24 =	simm.s32 $0xF80;
	s30 =	simm.s32 $0x2380  }
0x7e: {  	[tilespmem:s30], [sflag:$0x3] =	stream.indirect.gather [hbm4b:s2+s19], $0x1, s24, s19, $0xb8;
	[tilespmem:$0x3200] =	vst v63  }
0x7f: {  	s17 =	rddreg [dreg:$0x19]  }
0x80: {  	[tilespmem:s11], [sflag:$0xB] =	stream.linear.gather [hbm4b:s17+s7], $0x200, $0x38;
	[tilespmem:$0x3200] =	vst v63  }
0x81: {  	_ =	swait.ge [sflag:s13], $0x200  }
0x82: {  	[sflag:s13] =	ssyncset.done $0x0  }
0x83: {  	s22 =	rddreg [dreg:$0x1a];
	[sflag:s13] =	ssyncadd.s32 $0xFFFFFE00  }
0x84: {  	[tilespmem:s12], [sflag:$0xB] =	stream.linear.gather [hbm4b:s22+s7], $0x200, $0x38;
	[tilespmem:$0x3200] =	vst v63  }
0x85: {  	_ =	swait.ge [sflag:s13], $0x200  }
0x86: {  	[sflag:s13] =	ssyncset.done $0x0  }
0x87: {  	s24 =	simm.s32 $0x1A00;
	[sflag:s13] =	ssyncadd.s32 $0xFFFFFE00  }
0x88: {  	[tilespmem:s24], [sflag:$0x4] =	stream.indirect.gather [hbm4b:s1+s19], $0x1, s11, s19, $0xb8;
	[tilespmem:$0x3200] =	vst v63  }
0x89: {  	s30 =	simm.s32 $0x2400  }
0x8a: {  	[tilespmem:s30], [sflag:$0x4] =	stream.indirect.gather [hbm4b:s2+s19], $0x1, s12, s19, $0xb8;
	[tilespmem:$0x3200] =	vst v63  }
0x8b: {  	s17 =	simm.s32 $0x680;
	s22 =	simm.s32 $0x1A80  }
0x8c: {  	[tilespmem:s22], [sflag:$0x4] =	stream.indirect.gather [hbm4b:s1+s19], $0x1, s17, s19, $0xb8;
	[tilespmem:$0x3200] =	vst v63  }
0x8d: {  	s24 =	simm.s32 $0x1080;
	s30 =	simm.s32 $0x2480  }
0x8e: {  	[tilespmem:s30], [sflag:$0x4] =	stream.indirect.gather [hbm4b:s2+s19], $0x1, s24, s19, $0xb8;
	[tilespmem:$0x3200] =	vst v63  }
0x8f: {  	s17 =	simm.s32 $0x700;
	s22 =	simm.s32 $0x1B00  }
0x90: {  	[tilespmem:s22], [sflag:$0x4] =	stream.indirect.gather [hbm4b:s1+s19], $0x1, s17, s19, $0xb8;
	[tilespmem:$0x3200] =	vst v63  }
0x91: {  	s24 =	simm.s32 $0x1100;
	s30 =	simm.s32 $0x2500  }
0x92: {  	[tilespmem:s30], [sflag:$0x4] =	stream.indirect.gather [hbm4b:s2+s19], $0x1, s24, s19, $0xb8;
	[tilespmem:$0x3200] =	vst v63  }
0x93: {  	s17 =	simm.s32 $0x780;
	s22 =	simm.s32 $0x1B80  }
0x94: {  	[tilespmem:s22], [sflag:$0x4] =	stream.indirect.gather [hbm4b:s1+s19], $0x1, s17, s19, $0xb8;
	[tilespmem:$0x3200] =	vst v63  }
0x95: {  	s24 =	simm.s32 $0x1180;
	s30 =	simm.s32 $0x2580;
	s17 =	sld [smem:$0x7ED]  }
0x96: {  	[tilespmem:s30], [sflag:$0x4] =	stream.indirect.gather [hbm4b:s2+s19], $0x1, s24, s19, $0xb8;
	[tilespmem:$0x3200] =	vst v63  }
0x97: {  	_ = 	snop  }
0x98: {  	[tilespmem:s31], [sflag:$0xB] =	stream.linear.gather [hbm4b:s17+s7], $0x200, $0x38;
	[tilespmem:$0x3200] =	vst v63  }
0x99: {  	_ =	swait.ge [sflag:s13], $0x200  }
0x9a: {  	s22 =	sld [smem:$0x7EE]  }
0x9b: {  	[sflag:s13] =	ssyncset.done $0x0  }
0x9c: {  	[sflag:s13] =	ssyncadd.s32 $0xFFFFFE00  }
0x9d: {  	[tilespmem:s20], [sflag:$0xB] =	stream.linear.gather [hbm4b:s22+s7], $0x200, $0x38;
	[tilespmem:$0x3200] =	vst v63  }
0x9e: {  	_ =	swait.ge [sflag:s13], $0x200  }
0x9f: {  	[sflag:s13] =	ssyncset.done $0x0  }
0xa0: {  	s24 =	simm.s32 $0x1C00;
	[sflag:s13] =	ssyncadd.s32 $0xFFFFFE00  }
0xa1: {  	[tilespmem:s24], [sflag:$0x5] =	stream.indirect.gather [hbm4b:s1+s19], $0x1, s31, s19, $0xb8;
	[tilespmem:$0x3200] =	vst v63  }
0xa2: {  	s30 =	simm.s32 $0x2600  }
0xa3: {  	[tilespmem:s30], [sflag:$0x5] =	stream.indirect.gather [hbm4b:s2+s19], $0x1, s20, s19, $0xb8;
	[tilespmem:$0x3200] =	vst v63  }
0xa4: {  	s17 =	simm.s32 $0x880;
	s22 =	simm.s32 $0x1C80  }
0xa5: {  	[tilespmem:s22], [sflag:$0x5] =	stream.indirect.gather [hbm4b:s1+s19], $0x1, s17, s19, $0xb8;
	[tilespmem:$0x3200] =	vst v63  }
0xa6: {  	s24 =	simm.s32 $0x1280;
	s30 =	simm.s32 $0x2680  }
0xa7: {  	[tilespmem:s30], [sflag:$0x5] =	stream.indirect.gather [hbm4b:s2+s19], $0x1, s24, s19, $0xb8;
	[tilespmem:$0x3200] =	vst v63  }
0xa8: {  	s17 =	simm.s32 $0x900;
	s22 =	simm.s32 $0x1D00  }
0xa9: {  	[tilespmem:s22], [sflag:$0x5] =	stream.indirect.gather [hbm4b:s1+s19], $0x1, s17, s19, $0xb8;
	[tilespmem:$0x3200] =	vst v63  }
0xaa: {  	s24 =	simm.s32 $0x1300;
	s30 =	simm.s32 $0x2700  }
0xab: {  	[tilespmem:s30], [sflag:$0x5] =	stream.indirect.gather [hbm4b:s2+s19], $0x1, s24, s19, $0xb8;
	[tilespmem:$0x3200] =	vst v63  }
0xac: {  	s17 =	simm.s32 $0x980;
	s22 =	simm.s32 $0x1D80  }
0xad: {  	[tilespmem:s22], [sflag:$0x5] =	stream.indirect.gather [hbm4b:s1+s19], $0x1, s17, s19, $0xb8;
	[tilespmem:$0x3200] =	vst v63  }
0xae: {  	s24 =	simm.s32 $0x1380;
	s30 =	simm.s32 $0x2780  }
0xaf: {  	[tilespmem:s30], [sflag:$0x5] =	stream.indirect.gather [hbm4b:s2+s19], $0x1, s24, s19, $0xb8;
	[tilespmem:$0x3200] =	vst v63  }
0xb0: {  	_ =	swait.ge [sflag:s0], $0x200  }
0xb1: {  	[sflag:s0] =	ssyncset.done $0x0  }
0xb2: {  	[sflag:s0] =	ssyncadd.s32 $0xFFFFFE00  }
0xb3: {  	_ =	swait.ge [sflag:s0], $0x200  }
0xb4: {  	[sflag:s0] =	ssyncset.done $0x0  }
0xb5: {  	s17 =	simm.s32 $0x0;
	[sflag:s0] =	ssyncadd.s32 $0xFFFFFE00  }
0xb6: {  	v0 =	vld [tilespmem:s17+$0x1400]  }
0xb7: {  	s22 =	simm.s32 $0x40;
	v1 =	vld [tilespmem:s17+$0x1E00]  }
.LBB2_2:
0xb8: {  	_ = 	snop  }
0xb9: {  	p0 =	sne.s32 s22, $0x7C0  }
.Ltmp0:
0xba: {  	_ = 	snop;
	(pc) =	sbr.rel @p0 .LBB2_2-.Ltmp0, $4  }
0xbb: {  	_ = 	snop  }
0xbc: {  	s4 =	sshra.s32 s22, $0x2;
	v2 =	vmul.f32 v1, v0  }
0xbd: {  	v0 =	vld [tilespmem:s4+$0x1400]  }
0xbe: {  	s22 =	sadd.s32 $0x40, s22;
	v1 =	vld [tilespmem:s4+$0x1E00];
	[tilespmem:s17+$0x2800] =	vst v2;
	s17 =	smov.u32 s4  }
0xbf: {  	_ =	sdelay $0x3  }
0xc0: {  	s30 =	sld [smem:$0x7FC];
	v0 =	vmul.f32 v1, v0;
	_ =	sdelay $0x1  }
0xc1: {  	s4 =	simm.s32 $0x0;
	s22 =	simm.s32 $0x2800;
	[tilespmem:s17+$0x2800] =	vst v0  }
0xc2: {  	[hbm4b:s30+s4] =	stream.linear.scatter [tilespmem:s22], [sflag:$0x6], $0x200, $0x38;
	[tilespmem:$0x3200] =	vst v63  }
0xc3: {  	s24 =	rddreg [dreg:$0x10]  }
0xc4: {  	[tilespmem:s4], [sflag:$0xB] =	stream.linear.gather [hbm4b:s24+s4], $0x200, $0x38;
	[tilespmem:$0x3200] =	vst v63  }
0xc5: {  	_ =	swait.ge [sflag:s13], $0x200  }
0xc6: {  	[sflag:s13] =	ssyncset.done $0x0  }
0xc7: {  	s30 =	rddreg [dreg:$0x11];
	[sflag:s13] =	ssyncadd.s32 $0xFFFFFE00  }
0xc8: {  	[tilespmem:s26], [sflag:$0xB] =	stream.linear.gather [hbm4b:s30+s4], $0x200, $0x38;
	[tilespmem:$0x3200] =	vst v63  }
0xc9: {  	_ =	swait.ge [sflag:s13], $0x200  }
0xca: {  	[sflag:s13] =	ssyncset.done $0x0  }
0xcb: {  	[sflag:s13] =	ssyncadd.s32 $0xFFFFFE00  }
0xcc: {  	[tilespmem:s25], [sflag:$0x1] =	stream.indirect.gather [hbm4b:s1+s19], $0x1, s4, s19, $0xb8;
	[tilespmem:$0x3200] =	vst v63  }
0xcd: {  	_ = 	snop  }
0xce: {  	[tilespmem:s18], [sflag:$0x1] =	stream.indirect.gather [hbm4b:s2+s19], $0x1, s26, s19, $0xb8;
	[tilespmem:$0x3200] =	vst v63  }
0xcf: {  	s22 =	simm.s32 $0x1480  }
0xd0: {  	[tilespmem:s22], [sflag:$0x1] =	stream.indirect.gather [hbm4b:s1+s19], $0x1, s19, s19, $0xb8;
	[tilespmem:$0x3200] =	vst v63  }
0xd1: {  	s24 =	simm.s32 $0xA80;
	s25 =	simm.s32 $0x1E80  }
0xd2: {  	[tilespmem:s25], [sflag:$0x1] =	stream.indirect.gather [hbm4b:s2+s19], $0x1, s24, s19, $0xb8;
	[tilespmem:$0x3200] =	vst v63  }
0xd3: {  	s30 =	simm.s32 $0x1500;
	s26 =	simm.s32 $0x100  }
0xd4: {  	[tilespmem:s30], [sflag:$0x1] =	stream.indirect.gather [hbm4b:s1+s19], $0x1, s26, s19, $0xb8;
	[tilespmem:$0x3200] =	vst v63  }
0xd5: {  	s18 =	simm.s32 $0xB00;
	s22 =	simm.s32 $0x1F00  }
0xd6: {  	[tilespmem:s22], [sflag:$0x1] =	stream.indirect.gather [hbm4b:s2+s19], $0x1, s18, s19, $0xb8;
	[tilespmem:$0x3200] =	vst v63  }
0xd7: {  	s24 =	simm.s32 $0x180;
	s25 =	simm.s32 $0x1580  }
0xd8: {  	[tilespmem:s25], [sflag:$0x1] =	stream.indirect.gather [hbm4b:s1+s19], $0x1, s24, s19, $0xb8;
	[tilespmem:$0x3200] =	vst v63  }
0xd9: {  	s26 =	simm.s32 $0xB80;
	s30 =	simm.s32 $0x1F80  }
0xda: {  	[tilespmem:s30], [sflag:$0x1] =	stream.indirect.gather [hbm4b:s2+s19], $0x1, s26, s19, $0xb8;
	[tilespmem:$0x3200] =	vst v63  }
0xdb: {  	_ =	swait.ge [sflag:s28], $0x200  }
0xdc: {  	[sflag:s28] =	ssyncset.done $0x0  }
0xdd: {  	[sflag:s28] =	ssyncadd.s32 $0xFFFFFE00  }
0xde: {  	_ =	swait.ge [sflag:s28], $0x200  }
0xdf: {  	[sflag:s28] =	ssyncset.done $0x0  }
0xe0: {  	s17 =	simm.s32 $0x0;
	[sflag:s28] =	ssyncadd.s32 $0xFFFFFE00  }
0xe1: {  	v0 =	vld [tilespmem:s17+$0x1600]  }
0xe2: {  	s22 =	simm.s32 $0x40;
	v1 =	vld [tilespmem:s17+$0x2000]  }
.LBB2_4:
0xe3: {  	_ = 	snop  }
0xe4: {  	p0 =	sne.s32 s22, $0x7C0  }
.Ltmp1:
0xe5: {  	_ = 	snop;
	(pc) =	sbr.rel @p0 .LBB2_4-.Ltmp1, $4  }
0xe6: {  	_ = 	snop  }
0xe7: {  	s4 =	sshra.s32 s22, $0x2;
	v2 =	vmul.f32 v1, v0  }
0xe8: {  	v0 =	vld [tilespmem:s4+$0x1600]  }
0xe9: {  	s22 =	sadd.s32 $0x40, s22;
	v1 =	vld [tilespmem:s4+$0x2000];
	[tilespmem:s17+$0x2A00] =	vst v2;
	s17 =	smov.u32 s4  }
0xea: {  	_ =	sdelay $0x3  }
0xeb: {  	v0 =	vmul.f32 v1, v0;
	_ =	sdelay $0x1  }
0xec: {  	s4 =	simm.s32 $0x0;
	s22 =	rddreg [dreg:$0x12];
	s18 =	simm.s32 $0x2A00;
	[tilespmem:s17+$0x2A00] =	vst v0  }
0xed: {  	[hbm4b:s22+s4] =	stream.linear.scatter [tilespmem:s18], [sflag:$0x7], $0x200, $0x38;
	[tilespmem:$0x3200] =	vst v63  }
0xee: {  	s24 =	rddreg [dreg:$0x13];
	s25 =	simm.s32 $0x200  }
0xef: {  	[tilespmem:s25], [sflag:$0xB] =	stream.linear.gather [hbm4b:s24+s4], $0x200, $0x38;
	[tilespmem:$0x3200] =	vst v63  }
0xf0: {  	_ =	swait.ge [sflag:s13], $0x200  }
0xf1: {  	[sflag:s13] =	ssyncset.done $0x0  }
0xf2: {  	s22 =	simm.s32 $0xC00;
	s26 =	rddreg [dreg:$0x15];
	[sflag:s13] =	ssyncadd.s32 $0xFFFFFE00  }
0xf3: {  	[tilespmem:s22], [sflag:$0xB] =	stream.linear.gather [hbm4b:s26+s4], $0x200, $0x38;
	[tilespmem:$0x3200] =	vst v63  }
0xf4: {  	_ =	swait.ge [sflag:s13], $0x200  }
0xf5: {  	[sflag:s13] =	ssyncset.done $0x0  }
0xf6: {  	s30 =	simm.s32 $0x1600;
	[sflag:s13] =	ssyncadd.s32 $0xFFFFFE00  }
0xf7: {  	[tilespmem:s30], [sflag:$0x2] =	stream.indirect.gather [hbm4b:s1+s19], $0x1, s25, s19, $0xb8;
	[tilespmem:$0x3200] =	vst v63  }
0xf8: {  	s17 =	simm.s32 $0x2000  }
0xf9: {  	[tilespmem:s17], [sflag:$0x2] =	stream.indirect.gather [hbm4b:s2+s19], $0x1, s22, s19, $0xb8;
	[tilespmem:$0x3200] =	vst v63  }
0xfa: {  	s18 =	simm.s32 $0x280;
	s22 =	simm.s32 $0x1680  }
0xfb: {  	[tilespmem:s22], [sflag:$0x2] =	stream.indirect.gather [hbm4b:s1+s19], $0x1, s18, s19, $0xb8;
	[tilespmem:$0x3200] =	vst v63  }
0xfc: {  	s24 =	simm.s32 $0xC80;
	s25 =	simm.s32 $0x2080  }
0xfd: {  	[tilespmem:s25], [sflag:$0x2] =	stream.indirect.gather [hbm4b:s2+s19], $0x1, s24, s19, $0xb8;
	[tilespmem:$0x3200] =	vst v63  }
0xfe: {  	s26 =	simm.s32 $0x300;
	s30 =	simm.s32 $0x1700  }
0xff: {  	[tilespmem:s30], [sflag:$0x2] =	stream.indirect.gather [hbm4b:s1+s19], $0x1, s26, s19, $0xb8;
	[tilespmem:$0x3200] =	vst v63  }
0x100: {  	s18 =	simm.s32 $0xD00;
	s22 =	simm.s32 $0x2100  }
0x101: {  	[tilespmem:s22], [sflag:$0x2] =	stream.indirect.gather [hbm4b:s2+s19], $0x1, s18, s19, $0xb8;
	[tilespmem:$0x3200] =	vst v63  }
0x102: {  	s24 =	simm.s32 $0x380;
	s25 =	simm.s32 $0x1780  }
0x103: {  	[tilespmem:s25], [sflag:$0x2] =	stream.indirect.gather [hbm4b:s1+s19], $0x1, s24, s19, $0xb8;
	[tilespmem:$0x3200] =	vst v63  }
0x104: {  	s26 =	simm.s32 $0xD80;
	s30 =	simm.s32 $0x2180  }
0x105: {  	[tilespmem:s30], [sflag:$0x2] =	stream.indirect.gather [hbm4b:s2+s19], $0x1, s26, s19, $0xb8;
	[tilespmem:$0x3200] =	vst v63  }
0x106: {  	_ =	swait.ge [sflag:s29], $0x200  }
0x107: {  	[sflag:s29] =	ssyncset.done $0x0  }
0x108: {  	[sflag:s29] =	ssyncadd.s32 $0xFFFFFE00  }
0x109: {  	_ =	swait.ge [sflag:s29], $0x200  }
0x10a: {  	[sflag:s29] =	ssyncset.done $0x0  }
0x10b: {  	s17 =	simm.s32 $0x0;
	[sflag:s29] =	ssyncadd.s32 $0xFFFFFE00  }
0x10c: {  	v0 =	vld [tilespmem:s17+$0x1800]  }
0x10d: {  	s22 =	simm.s32 $0x40;
	v1 =	vld [tilespmem:s17+$0x2200]  }
.LBB2_6:
0x10e: {  	_ = 	snop  }
0x10f: {  	p0 =	sne.s32 s22, $0x7C0  }
.Ltmp2:
0x110: {  	_ = 	snop;
	(pc) =	sbr.rel @p0 .LBB2_6-.Ltmp2, $4  }
0x111: {  	_ = 	snop  }
0x112: {  	s4 =	sshra.s32 s22, $0x2;
	v2 =	vmul.f32 v1, v0  }
0x113: {  	v0 =	vld [tilespmem:s4+$0x1800]  }
0x114: {  	s22 =	sadd.s32 $0x40, s22;
	v1 =	vld [tilespmem:s4+$0x2200];
	[tilespmem:s17+$0x2C00] =	vst v2;
	s17 =	smov.u32 s4  }
0x115: {  	_ =	sdelay $0x3  }
0x116: {  	v0 =	vmul.f32 v1, v0;
	_ =	sdelay $0x1  }
0x117: {  	s4 =	simm.s32 $0x0;
	s30 =	rddreg [dreg:$0x16];
	s22 =	simm.s32 $0x2C00;
	[tilespmem:s17+$0x2C00] =	vst v0  }
0x118: {  	[hbm4b:s30+s4] =	stream.linear.scatter [tilespmem:s22], [sflag:$0x8], $0x200, $0x38;
	[tilespmem:$0x3200] =	vst v63  }
0x119: {  	s24 =	simm.s32 $0x400;
	s22 =	rddreg [dreg:$0x17]  }
0x11a: {  	[tilespmem:s24], [sflag:$0xB] =	stream.linear.gather [hbm4b:s22+s4], $0x200, $0x38;
	[tilespmem:$0x3200] =	vst v63  }
0x11b: {  	_ =	swait.ge [sflag:s13], $0x200  }
0x11c: {  	[sflag:s13] =	ssyncset.done $0x0  }
0x11d: {  	s25 =	rddreg [dreg:$0x18];
	[sflag:s13] =	ssyncadd.s32 $0xFFFFFE00  }
0x11e: {  	[tilespmem:s23], [sflag:$0xB] =	stream.linear.gather [hbm4b:s25+s4], $0x200, $0x38;
	[tilespmem:$0x3200] =	vst v63  }
0x11f: {  	_ =	swait.ge [sflag:s13], $0x200  }
0x120: {  	[sflag:s13] =	ssyncset.done $0x0  }
0x121: {  	s26 =	simm.s32 $0x1800;
	[sflag:s13] =	ssyncadd.s32 $0xFFFFFE00  }
0x122: {  	[tilespmem:s26], [sflag:$0x3] =	stream.indirect.gather [hbm4b:s1+s19], $0x1, s24, s19, $0xb8;
	[tilespmem:$0x3200] =	vst v63  }
0x123: {  	s30 =	simm.s32 $0x2200  }
0x124: {  	[tilespmem:s30], [sflag:$0x3] =	stream.indirect.gather [hbm4b:s2+s19], $0x1, s23, s19, $0xb8;
	[tilespmem:$0x3200] =	vst v63  }
0x125: {  	s17 =	simm.s32 $0x480;
	s22 =	simm.s32 $0x1880  }
0x126: {  	[tilespmem:s22], [sflag:$0x3] =	stream.indirect.gather [hbm4b:s1+s19], $0x1, s17, s19, $0xb8;
	[tilespmem:$0x3200] =	vst v63  }
0x127: {  	s25 =	simm.s32 $0x2280;
	s24 =	simm.s32 $0xE80  }
0x128: {  	[tilespmem:s25], [sflag:$0x3] =	stream.indirect.gather [hbm4b:s2+s19], $0x1, s24, s19, $0xb8;
	[tilespmem:$0x3200] =	vst v63  }
0x129: {  	s26 =	simm.s32 $0x500;
	s30 =	simm.s32 $0x1900  }
0x12a: {  	[tilespmem:s30], [sflag:$0x3] =	stream.indirect.gather [hbm4b:s1+s19], $0x1, s26, s19, $0xb8;
	[tilespmem:$0x3200] =	vst v63  }
0x12b: {  	s17 =	simm.s32 $0xF00;
	s22 =	simm.s32 $0x2300  }
0x12c: {  	[tilespmem:s22], [sflag:$0x3] =	stream.indirect.gather [hbm4b:s2+s19], $0x1, s17, s19, $0xb8;
	[tilespmem:$0x3200] =	vst v63  }
0x12d: {  	s24 =	simm.s32 $0x580;
	s25 =	simm.s32 $0x1980  }
0x12e: {  	[tilespmem:s25], [sflag:$0x3] =	stream.indirect.gather [hbm4b:s1+s19], $0x1, s24, s19, $0xb8;
	[tilespmem:$0x3200] =	vst v63  }
0x12f: {  	s26 =	simm.s32 $0xF80;
	s30 =	simm.s32 $0x2380  }
0x130: {  	[tilespmem:s30], [sflag:$0x3] =	stream.indirect.gather [hbm4b:s2+s19], $0x1, s26, s19, $0xb8;
	[tilespmem:$0x3200] =	vst v63  }
0x131: {  	_ =	swait.ge [sflag:s21], $0x200  }
0x132: {  	[sflag:s21] =	ssyncset.done $0x0  }
0x133: {  	[sflag:s21] =	ssyncadd.s32 $0xFFFFFE00  }
0x134: {  	_ =	swait.ge [sflag:s21], $0x200  }
0x135: {  	[sflag:s21] =	ssyncset.done $0x0  }
0x136: {  	s17 =	simm.s32 $0x0;
	[sflag:s21] =	ssyncadd.s32 $0xFFFFFE00  }
0x137: {  	v0 =	vld [tilespmem:s17+$0x1A00]  }
0x138: {  	s18 =	simm.s32 $0x1E00;
	s22 =	simm.s32 $0x40;
	v1 =	vld [tilespmem:s17+$0x2400]  }
.LBB2_8:
0x139: {  	_ = 	snop  }
0x13a: {  	p0 =	sne.s32 s22, $0x7C0  }
.Ltmp3:
0x13b: {  	_ = 	snop;
	(pc) =	sbr.rel @p0 .LBB2_8-.Ltmp3, $4  }
0x13c: {  	_ = 	snop  }
0x13d: {  	s4 =	sshra.s32 s22, $0x2;
	v2 =	vmul.f32 v1, v0  }
0x13e: {  	v0 =	vld [tilespmem:s4+$0x1A00]  }
0x13f: {  	s22 =	sadd.s32 $0x40, s22;
	v1 =	vld [tilespmem:s4+$0x2400];
	[tilespmem:s17+$0x2E00] =	vst v2;
	s17 =	smov.u32 s4  }
0x140: {  	_ =	sdelay $0x3  }
0x141: {  	v0 =	vmul.f32 v1, v0;
	_ =	sdelay $0x1  }
0x142: {  	s4 =	simm.s32 $0x0;
	s30 =	rddreg [dreg:$0x1c];
	s22 =	simm.s32 $0x2E00;
	[tilespmem:s17+$0x2E00] =	vst v0  }
0x143: {  	[hbm4b:s30+s4] =	stream.linear.scatter [tilespmem:s22], [sflag:$0x9], $0x200, $0x38;
	[tilespmem:$0x3200] =	vst v63  }
0x144: {  	s24 =	rddreg [dreg:$0x1e]  }
0x145: {  	[tilespmem:s11], [sflag:$0xB] =	stream.linear.gather [hbm4b:s24+s4], $0x200, $0x38;
	[tilespmem:$0x3200] =	vst v63  }
0x146: {  	_ =	swait.ge [sflag:s13], $0x200  }
0x147: {  	[sflag:s13] =	ssyncset.done $0x0  }
0x148: {  	s25 =	rddreg [dreg:$0x1f];
	[sflag:s13] =	ssyncadd.s32 $0xFFFFFE00  }
0x149: {  	[tilespmem:s12], [sflag:$0xB] =	stream.linear.gather [hbm4b:s25+s4], $0x200, $0x38;
	[tilespmem:$0x3200] =	vst v63  }
0x14a: {  	_ =	swait.ge [sflag:s13], $0x200  }
0x14b: {  	[sflag:s13] =	ssyncset.done $0x0  }
0x14c: {  	s30 =	simm.s32 $0x1A00;
	[sflag:s13] =	ssyncadd.s32 $0xFFFFFE00  }
0x14d: {  	[tilespmem:s30], [sflag:$0x4] =	stream.indirect.gather [hbm4b:s1+s19], $0x1, s11, s19, $0xb8;
	[tilespmem:$0x3200] =	vst v63  }
0x14e: {  	s17 =	simm.s32 $0x2400  }
0x14f: {  	[tilespmem:s17], [sflag:$0x4] =	stream.indirect.gather [hbm4b:s2+s19], $0x1, s12, s19, $0xb8;
	[tilespmem:$0x3200] =	vst v63  }
0x150: {  	s22 =	simm.s32 $0x680;
	s24 =	simm.s32 $0x1A80  }
0x151: {  	[tilespmem:s24], [sflag:$0x4] =	stream.indirect.gather [hbm4b:s1+s19], $0x1, s22, s19, $0xb8;
	[tilespmem:$0x3200] =	vst v63  }
0x152: {  	s25 =	simm.s32 $0x1080;
	s30 =	simm.s32 $0x2480  }
0x153: {  	[tilespmem:s30], [sflag:$0x4] =	stream.indirect.gather [hbm4b:s2+s19], $0x1, s25, s19, $0xb8;
	[tilespmem:$0x3200] =	vst v63  }
0x154: {  	s22 =	simm.s32 $0x700;
	s24 =	simm.s32 $0x1B00  }
0x155: {  	[tilespmem:s24], [sflag:$0x4] =	stream.indirect.gather [hbm4b:s1+s19], $0x1, s22, s19, $0xb8;
	[tilespmem:$0x3200] =	vst v63  }
0x156: {  	s25 =	simm.s32 $0x1100;
	s30 =	simm.s32 $0x2500  }
0x157: {  	[tilespmem:s30], [sflag:$0x4] =	stream.indirect.gather [hbm4b:s2+s19], $0x1, s25, s19, $0xb8;
	[tilespmem:$0x3200] =	vst v63  }
0x158: {  	s22 =	simm.s32 $0x780;
	s24 =	simm.s32 $0x1B80  }
0x159: {  	[tilespmem:s24], [sflag:$0x4] =	stream.indirect.gather [hbm4b:s1+s19], $0x1, s22, s19, $0xb8;
	[tilespmem:$0x3200] =	vst v63  }
0x15a: {  	s25 =	simm.s32 $0x1180;
	s30 =	simm.s32 $0x2580  }
0x15b: {  	[tilespmem:s30], [sflag:$0x4] =	stream.indirect.gather [hbm4b:s2+s19], $0x1, s25, s19, $0xb8;
	[tilespmem:$0x3200] =	vst v63  }
0x15c: {  	_ =	swait.ge [sflag:s9], $0x200  }
0x15d: {  	[sflag:s9] =	ssyncset.done $0x0  }
0x15e: {  	[sflag:s9] =	ssyncadd.s32 $0xFFFFFE00  }
0x15f: {  	_ =	swait.ge [sflag:s9], $0x200  }
0x160: {  	[sflag:s9] =	ssyncset.done $0x0  }
0x161: {  	s17 =	simm.s32 $0x0;
	[sflag:s9] =	ssyncadd.s32 $0xFFFFFE00  }
0x162: {  	v0 =	vld [tilespmem:s17+$0x1C00]  }
0x163: {  	s26 =	simm.s32 $0x1400;
	s22 =	simm.s32 $0x40;
	v1 =	vld [tilespmem:s17+$0x2600]  }
.LBB2_10:
0x164: {  	_ = 	snop  }
0x165: {  	p0 =	sne.s32 s22, $0x7C0  }
.Ltmp4:
0x166: {  	_ = 	snop;
	(pc) =	sbr.rel @p0 .LBB2_10-.Ltmp4, $4  }
0x167: {  	_ = 	snop  }
0x168: {  	s4 =	sshra.s32 s22, $0x2;
	v2 =	vmul.f32 v1, v0  }
0x169: {  	v0 =	vld [tilespmem:s4+$0x1C00]  }
0x16a: {  	s22 =	sadd.s32 $0x40, s22;
	v1 =	vld [tilespmem:s4+$0x2600];
	[tilespmem:s17+$0x3000] =	vst v2;
	s17 =	smov.u32 s4  }
0x16b: {  	_ =	sdelay $0x3  }
0x16c: {  	s4 =	sld [smem:$0x7EF];
	v0 =	vmul.f32 v1, v0;
	_ =	sdelay $0x1  }
0x16d: {  	s22 =	simm.s32 $0x3000;
	s24 =	sld [smem:$0x7F1];
	[tilespmem:s17+$0x3000] =	vst v0  }
0x16e: {  	[hbm4b:s4+s7] =	stream.linear.scatter [tilespmem:s22], [sflag:$0xA], $0x200, $0x38;
	[tilespmem:$0x3200] =	vst v63  }
0x16f: {  	_ = 	snop  }
0x170: {  	[tilespmem:s31], [sflag:$0xB] =	stream.linear.gather [hbm4b:s24+s7], $0x200, $0x38;
	[tilespmem:$0x3200] =	vst v63  }
0x171: {  	_ =	swait.ge [sflag:s13], $0x200  }
0x172: {  	s25 =	sld [smem:$0x7F2]  }
0x173: {  	[sflag:s13] =	ssyncset.done $0x0  }
0x174: {  	[sflag:s13] =	ssyncadd.s32 $0xFFFFFE00  }
0x175: {  	[tilespmem:s20], [sflag:$0xB] =	stream.linear.gather [hbm4b:s25+s7], $0x200, $0x38;
	[tilespmem:$0x3200] =	vst v63  }
0x176: {  	_ =	swait.ge [sflag:s13], $0x200  }
0x177: {  	[sflag:s13] =	ssyncset.done $0x0  }
0x178: {  	s30 =	simm.s32 $0x1C00;
	[sflag:s13] =	ssyncadd.s32 $0xFFFFFE00  }
0x179: {  	[tilespmem:s30], [sflag:$0x5] =	stream.indirect.gather [hbm4b:s1+s19], $0x1, s31, s19, $0xb8;
	[tilespmem:$0x3200] =	vst v63  }
0x17a: {  	s17 =	simm.s32 $0x2600  }
0x17b: {  	[tilespmem:s17], [sflag:$0x5] =	stream.indirect.gather [hbm4b:s2+s19], $0x1, s20, s19, $0xb8;
	[tilespmem:$0x3200] =	vst v63  }
0x17c: {  	s22 =	simm.s32 $0x880;
	s24 =	simm.s32 $0x1C80  }
0x17d: {  	[tilespmem:s24], [sflag:$0x5] =	stream.indirect.gather [hbm4b:s1+s19], $0x1, s22, s19, $0xb8;
	[tilespmem:$0x3200] =	vst v63  }
0x17e: {  	s25 =	simm.s32 $0x1280;
	s30 =	simm.s32 $0x2680  }
0x17f: {  	[tilespmem:s30], [sflag:$0x5] =	stream.indirect.gather [hbm4b:s2+s19], $0x1, s25, s19, $0xb8;
	[tilespmem:$0x3200] =	vst v63  }
0x180: {  	s22 =	simm.s32 $0x900;
	s24 =	simm.s32 $0x1D00  }
0x181: {  	[tilespmem:s24], [sflag:$0x5] =	stream.indirect.gather [hbm4b:s1+s19], $0x1, s22, s19, $0xb8;
	[tilespmem:$0x3200] =	vst v63  }
0x182: {  	s25 =	simm.s32 $0x1300;
	s30 =	simm.s32 $0x2700  }
0x183: {  	[tilespmem:s30], [sflag:$0x5] =	stream.indirect.gather [hbm4b:s2+s19], $0x1, s25, s19, $0xb8;
	[tilespmem:$0x3200] =	vst v63  }
0x184: {  	s22 =	simm.s32 $0x980;
	s24 =	simm.s32 $0x1D80  }
0x185: {  	[tilespmem:s24], [sflag:$0x5] =	stream.indirect.gather [hbm4b:s1+s19], $0x1, s22, s19, $0xb8;
	[tilespmem:$0x3200] =	vst v63  }
0x186: {  	s17 =	simm.s32 $0x1;
	s25 =	simm.s32 $0x1380;
	s30 =	simm.s32 $0x2780  }
0x187: {  	[tilespmem:s30], [sflag:$0x5] =	stream.indirect.gather [hbm4b:s2+s19], $0x1, s25, s19, $0xb8;
	[tilespmem:$0x3200] =	vst v63  }
.LBB2_12:
0x188: {  	_ =	swait.ge [sflag:s0], $0x200  }
0x189: {  	[sflag:s0] =	ssyncset.done $0x0  }
0x18a: {  	[sflag:s0] =	ssyncadd.s32 $0xFFFFFE00  }
0x18b: {  	_ =	swait.ge [sflag:s0], $0x200  }
0x18c: {  	[sflag:s0] =	ssyncset.done $0x0  }
0x18d: {  	[sflag:s0] =	ssyncadd.s32 $0xFFFFFE00  }
0x18e: {  	_ =	swait.ge [sflag:s10], $0x200  }
0x18f: {  	[sflag:s10] =	ssyncset.done $0x0  }
0x190: {  	s30 =	simm.s32 $0x0;
	[sflag:s10] =	ssyncadd.s32 $0xFFFFFE00  }
0x191: {  	v0 =	vld [tilespmem:s30+$0x1400]  }
0x192: {  	s22 =	simm.s32 $0x40;
	v1 =	vld [tilespmem:s30+$0x1E00]  }
.LBB2_13:
0x193: {  	_ = 	snop  }
0x194: {  	p0 =	sne.s32 s22, $0x7C0  }
.Ltmp5:
0x195: {  	_ = 	snop;
	(pc) =	sbr.rel @p0 .LBB2_13-.Ltmp5, $4  }
0x196: {  	_ = 	snop  }
0x197: {  	s4 =	sshra.s32 s22, $0x2;
	v2 =	vmul.f32 v1, v0  }
0x198: {  	v0 =	vld [tilespmem:s4+$0x1400]  }
0x199: {  	s22 =	sadd.s32 $0x40, s22;
	v1 =	vld [tilespmem:s4+$0x1E00];
	[tilespmem:s30+$0x2800] =	vst v2;
	s30 =	smov.u32 s4  }
0x19a: {  	_ =	sdelay $0x1  }
0x19b: {  	s22 =	smul.u32 $0xA00, s17  }
0x19c: {  	s4 =	rddreg [dreg:$0x6]  }
0x19d: {  	s4 =	sadd.s32 s4, s22;
	v0 =	vmul.f32 v1, v0  }
0x19e: {  	s24 =	simm.s32 $0x2800;
	s4 =	sshrl.u32 s4, $0x3  }
0x19f: {  	s25 =	rddreg [dreg:$0xd];
	s4 =	sadd.s32 s6, s4;
	[tilespmem:s30+$0x2800] =	vst v0;
	s30 =	simm.s32 $0x0  }
0x1a0: {  	[hbm4b:s4+s30] =	stream.linear.scatter [tilespmem:s24], [sflag:$0x6], $0x200, $0x38;
	[tilespmem:$0x3200] =	vst v63  }
0x1a1: {  	s4 =	sadd.s32 s22, s25  }
0x1a2: {  	s4 =	sshrl.u32 s4, $0x3  }
0x1a3: {  	s25 =	sadd.s32 s3, s4  }
0x1a4: {  	[tilespmem:s30], [sflag:$0xB] =	stream.linear.gather [hbm4b:s25+s30], $0x200, $0x38;
	[tilespmem:$0x3200] =	vst v63  }
0x1a5: {  	_ =	swait.ge [sflag:s13], $0x200  }
0x1a6: {  	[sflag:s13] =	ssyncset.done $0x0  }
0x1a7: {  	s24 =	simm.s32 $0xA00;
	s4 =	sadd.s32 s5, s4;
	[sflag:s13] =	ssyncadd.s32 $0xFFFFFE00  }
0x1a8: {  	[tilespmem:s24], [sflag:$0xB] =	stream.linear.gather [hbm4b:s4+s30], $0x200, $0x38;
	[tilespmem:$0x3200] =	vst v63  }
0x1a9: {  	_ =	swait.ge [sflag:s13], $0x200  }
0x1aa: {  	[sflag:s13] =	ssyncset.done $0x0  }
0x1ab: {  	[sflag:s13] =	ssyncadd.s32 $0xFFFFFE00  }
0x1ac: {  	[tilespmem:s26], [sflag:$0x1] =	stream.indirect.gather [hbm4b:s1+s19], $0x1, s30, s19, $0xb8;
	[tilespmem:$0x3200] =	vst v63  }
0x1ad: {  	_ = 	snop  }
0x1ae: {  	[tilespmem:s18], [sflag:$0x1] =	stream.indirect.gather [hbm4b:s2+s19], $0x1, s24, s19, $0xb8;
	[tilespmem:$0x3200] =	vst v63  }
0x1af: {  	s24 =	simm.s32 $0x1480  }
0x1b0: {  	[tilespmem:s24], [sflag:$0x1] =	stream.indirect.gather [hbm4b:s1+s19], $0x1, s19, s19, $0xb8;
	[tilespmem:$0x3200] =	vst v63  }
0x1b1: {  	s25 =	simm.s32 $0xA80;
	s24 =	simm.s32 $0x1E80  }
0x1b2: {  	[tilespmem:s24], [sflag:$0x1] =	stream.indirect.gather [hbm4b:s2+s19], $0x1, s25, s19, $0xb8;
	[tilespmem:$0x3200] =	vst v63  }
0x1b3: {  	s25 =	simm.s32 $0x100;
	s24 =	simm.s32 $0x1500  }
0x1b4: {  	[tilespmem:s24], [sflag:$0x1] =	stream.indirect.gather [hbm4b:s1+s19], $0x1, s25, s19, $0xb8;
	[tilespmem:$0x3200] =	vst v63  }
0x1b5: {  	s25 =	simm.s32 $0xB00;
	s24 =	simm.s32 $0x1F00  }
0x1b6: {  	[tilespmem:s24], [sflag:$0x1] =	stream.indirect.gather [hbm4b:s2+s19], $0x1, s25, s19, $0xb8;
	[tilespmem:$0x3200] =	vst v63  }
0x1b7: {  	s25 =	simm.s32 $0x180;
	s24 =	simm.s32 $0x1580  }
0x1b8: {  	[tilespmem:s24], [sflag:$0x1] =	stream.indirect.gather [hbm4b:s1+s19], $0x1, s25, s19, $0xb8;
	[tilespmem:$0x3200] =	vst v63  }
0x1b9: {  	s25 =	simm.s32 $0xB80;
	s24 =	simm.s32 $0x1F80  }
0x1ba: {  	[tilespmem:s24], [sflag:$0x1] =	stream.indirect.gather [hbm4b:s2+s19], $0x1, s25, s19, $0xb8;
	[tilespmem:$0x3200] =	vst v63  }
0x1bb: {  	_ =	swait.ge [sflag:s28], $0x200  }
0x1bc: {  	[sflag:s28] =	ssyncset.done $0x0  }
0x1bd: {  	[sflag:s28] =	ssyncadd.s32 $0xFFFFFE00  }
0x1be: {  	_ =	swait.ge [sflag:s28], $0x200  }
0x1bf: {  	[sflag:s28] =	ssyncset.done $0x0  }
0x1c0: {  	[sflag:s28] =	ssyncadd.s32 $0xFFFFFE00  }
0x1c1: {  	_ =	swait.ge [sflag:s8], $0x200  }
0x1c2: {  	[sflag:s8] =	ssyncset.done $0x0  }
0x1c3: {  	s30 =	simm.s32 $0x0;
	[sflag:s8] =	ssyncadd.s32 $0xFFFFFE00  }
0x1c4: {  	v0 =	vld [tilespmem:s30+$0x1600]  }
0x1c5: {  	s4 =	simm.s32 $0x40;
	v1 =	vld [tilespmem:s30+$0x2000]  }
.LBB2_15:
0x1c6: {  	_ = 	snop  }
0x1c7: {  	p0 =	sne.s32 s4, $0x7C0  }
.Ltmp6:
0x1c8: {  	_ = 	snop;
	(pc) =	sbr.rel @p0 .LBB2_15-.Ltmp6, $4  }
0x1c9: {  	_ = 	snop  }
0x1ca: {  	s25 =	sshra.s32 s4, $0x2;
	v2 =	vmul.f32 v1, v0  }
0x1cb: {  	v0 =	vld [tilespmem:s25+$0x1600]  }
0x1cc: {  	s4 =	sadd.s32 $0x40, s4;
	v1 =	vld [tilespmem:s25+$0x2000];
	[tilespmem:s30+$0x2A00] =	vst v2;
	s30 =	smov.u32 s25  }
0x1cd: {  	_ =	sdelay $0x2  }
0x1ce: {  	s4 =	rddreg [dreg:$0x7]  }
0x1cf: {  	s4 =	sadd.s32 s22, s4;
	v0 =	vmul.f32 v1, v0  }
0x1d0: {  	s4 =	sshrl.u32 s4, $0x3  }
0x1d1: {  	s25 =	simm.s32 $0x0;
	s24 =	simm.s32 $0x2A00;
	s4 =	sadd.s32 s6, s4;
	[tilespmem:s30+$0x2A00] =	vst v0  }
0x1d2: {  	[hbm4b:s4+s25] =	stream.linear.scatter [tilespmem:s24], [sflag:$0x7], $0x200, $0x38;
	[tilespmem:$0x3200] =	vst v63  }
0x1d3: {  	s24 =	rddreg [dreg:$0xf]  }
0x1d4: {  	s4 =	sadd.s32 s22, s24  }
0x1d5: {  	s4 =	sshrl.u32 s4, $0x3  }
0x1d6: {  	s24 =	simm.s32 $0x200;
	s30 =	sadd.s32 s3, s4  }
0x1d7: {  	[tilespmem:s24], [sflag:$0xB] =	stream.linear.gather [hbm4b:s30+s25], $0x200, $0x38;
	[tilespmem:$0x3200] =	vst v63  }
0x1d8: {  	_ =	swait.ge [sflag:s13], $0x200  }
0x1d9: {  	[sflag:s13] =	ssyncset.done $0x0  }
0x1da: {  	s4 =	sadd.s32 s5, s4;
	s30 =	simm.s32 $0xC00;
	[sflag:s13] =	ssyncadd.s32 $0xFFFFFE00  }
0x1db: {  	[tilespmem:s30], [sflag:$0xB] =	stream.linear.gather [hbm4b:s4+s25], $0x200, $0x38;
	[tilespmem:$0x3200] =	vst v63  }
0x1dc: {  	_ =	swait.ge [sflag:s13], $0x200  }
0x1dd: {  	[sflag:s13] =	ssyncset.done $0x0  }
0x1de: {  	s25 =	simm.s32 $0x1600;
	[sflag:s13] =	ssyncadd.s32 $0xFFFFFE00  }
0x1df: {  	[tilespmem:s25], [sflag:$0x2] =	stream.indirect.gather [hbm4b:s1+s19], $0x1, s24, s19, $0xb8;
	[tilespmem:$0x3200] =	vst v63  }
0x1e0: {  	s25 =	simm.s32 $0x2000  }
0x1e1: {  	[tilespmem:s25], [sflag:$0x2] =	stream.indirect.gather [hbm4b:s2+s19], $0x1, s30, s19, $0xb8;
	[tilespmem:$0x3200] =	vst v63  }
0x1e2: {  	s24 =	simm.s32 $0x280;
	s25 =	simm.s32 $0x1680  }
0x1e3: {  	[tilespmem:s25], [sflag:$0x2] =	stream.indirect.gather [hbm4b:s1+s19], $0x1, s24, s19, $0xb8;
	[tilespmem:$0x3200] =	vst v63  }
0x1e4: {  	s24 =	simm.s32 $0xC80;
	s25 =	simm.s32 $0x2080  }
0x1e5: {  	[tilespmem:s25], [sflag:$0x2] =	stream.indirect.gather [hbm4b:s2+s19], $0x1, s24, s19, $0xb8;
	[tilespmem:$0x3200] =	vst v63  }
0x1e6: {  	s24 =	simm.s32 $0x300;
	s25 =	simm.s32 $0x1700  }
0x1e7: {  	[tilespmem:s25], [sflag:$0x2] =	stream.indirect.gather [hbm4b:s1+s19], $0x1, s24, s19, $0xb8;
	[tilespmem:$0x3200] =	vst v63  }
0x1e8: {  	s24 =	simm.s32 $0xD00;
	s25 =	simm.s32 $0x2100  }
0x1e9: {  	[tilespmem:s25], [sflag:$0x2] =	stream.indirect.gather [hbm4b:s2+s19], $0x1, s24, s19, $0xb8;
	[tilespmem:$0x3200] =	vst v63  }
0x1ea: {  	s24 =	simm.s32 $0x380;
	s25 =	simm.s32 $0x1780  }
0x1eb: {  	[tilespmem:s25], [sflag:$0x2] =	stream.indirect.gather [hbm4b:s1+s19], $0x1, s24, s19, $0xb8;
	[tilespmem:$0x3200] =	vst v63  }
0x1ec: {  	s24 =	simm.s32 $0xD80;
	s25 =	simm.s32 $0x2180  }
0x1ed: {  	[tilespmem:s25], [sflag:$0x2] =	stream.indirect.gather [hbm4b:s2+s19], $0x1, s24, s19, $0xb8;
	[tilespmem:$0x3200] =	vst v63  }
0x1ee: {  	_ =	swait.ge [sflag:s29], $0x200  }
0x1ef: {  	[sflag:s29] =	ssyncset.done $0x0  }
0x1f0: {  	[sflag:s29] =	ssyncadd.s32 $0xFFFFFE00  }
0x1f1: {  	_ =	swait.ge [sflag:s29], $0x200  }
0x1f2: {  	[sflag:s29] =	ssyncset.done $0x0  }
0x1f3: {  	[sflag:s29] =	ssyncadd.s32 $0xFFFFFE00  }
0x1f4: {  	_ =	swait.ge [sflag:s14], $0x200  }
0x1f5: {  	[sflag:s14] =	ssyncset.done $0x0  }
0x1f6: {  	s30 =	simm.s32 $0x0;
	[sflag:s14] =	ssyncadd.s32 $0xFFFFFE00  }
0x1f7: {  	v0 =	vld [tilespmem:s30+$0x1800]  }
0x1f8: {  	s4 =	simm.s32 $0x40;
	v1 =	vld [tilespmem:s30+$0x2200]  }
.LBB2_17:
0x1f9: {  	_ = 	snop  }
0x1fa: {  	p0 =	sne.s32 s4, $0x7C0  }
.Ltmp7:
0x1fb: {  	_ = 	snop;
	(pc) =	sbr.rel @p0 .LBB2_17-.Ltmp7, $4  }
0x1fc: {  	_ = 	snop  }
0x1fd: {  	s25 =	sshra.s32 s4, $0x2;
	v2 =	vmul.f32 v1, v0  }
0x1fe: {  	v0 =	vld [tilespmem:s25+$0x1800]  }
0x1ff: {  	s4 =	sadd.s32 $0x40, s4;
	v1 =	vld [tilespmem:s25+$0x2200];
	[tilespmem:s30+$0x2C00] =	vst v2;
	s30 =	smov.u32 s25  }
0x200: {  	_ =	sdelay $0x2  }
0x201: {  	s4 =	rddreg [dreg:$0x8]  }
0x202: {  	s4 =	sadd.s32 s22, s4;
	v0 =	vmul.f32 v1, v0  }
0x203: {  	s4 =	sshrl.u32 s4, $0x3  }
0x204: {  	s25 =	simm.s32 $0x0;
	s24 =	simm.s32 $0x2C00;
	s4 =	sadd.s32 s6, s4;
	[tilespmem:s30+$0x2C00] =	vst v0  }
0x205: {  	[hbm4b:s4+s25] =	stream.linear.scatter [tilespmem:s24], [sflag:$0x8], $0x200, $0x38;
	[tilespmem:$0x3200] =	vst v63  }
0x206: {  	s24 =	rddreg [dreg:$0x14]  }
0x207: {  	s4 =	sadd.s32 s22, s24  }
0x208: {  	s4 =	sshrl.u32 s4, $0x3  }
0x209: {  	s24 =	simm.s32 $0x400;
	s30 =	sadd.s32 s3, s4  }
0x20a: {  	[tilespmem:s24], [sflag:$0xB] =	stream.linear.gather [hbm4b:s30+s25], $0x200, $0x38;
	[tilespmem:$0x3200] =	vst v63  }
0x20b: {  	_ =	swait.ge [sflag:s13], $0x200  }
0x20c: {  	[sflag:s13] =	ssyncset.done $0x0  }
0x20d: {  	s4 =	sadd.s32 s5, s4;
	[sflag:s13] =	ssyncadd.s32 $0xFFFFFE00  }
0x20e: {  	[tilespmem:s23], [sflag:$0xB] =	stream.linear.gather [hbm4b:s4+s25], $0x200, $0x38;
	[tilespmem:$0x3200] =	vst v63  }
0x20f: {  	_ =	swait.ge [sflag:s13], $0x200  }
0x210: {  	[sflag:s13] =	ssyncset.done $0x0  }
0x211: {  	s25 =	simm.s32 $0x1800;
	[sflag:s13] =	ssyncadd.s32 $0xFFFFFE00  }
0x212: {  	[tilespmem:s25], [sflag:$0x3] =	stream.indirect.gather [hbm4b:s1+s19], $0x1, s24, s19, $0xb8;
	[tilespmem:$0x3200] =	vst v63  }
0x213: {  	s25 =	simm.s32 $0x2200  }
0x214: {  	[tilespmem:s25], [sflag:$0x3] =	stream.indirect.gather [hbm4b:s2+s19], $0x1, s23, s19, $0xb8;
	[tilespmem:$0x3200] =	vst v63  }
0x215: {  	s24 =	simm.s32 $0x480;
	s25 =	simm.s32 $0x1880  }
0x216: {  	[tilespmem:s25], [sflag:$0x3] =	stream.indirect.gather [hbm4b:s1+s19], $0x1, s24, s19, $0xb8;
	[tilespmem:$0x3200] =	vst v63  }
0x217: {  	s24 =	simm.s32 $0xE80;
	s25 =	simm.s32 $0x2280  }
0x218: {  	[tilespmem:s25], [sflag:$0x3] =	stream.indirect.gather [hbm4b:s2+s19], $0x1, s24, s19, $0xb8;
	[tilespmem:$0x3200] =	vst v63  }
0x219: {  	s24 =	simm.s32 $0x500;
	s25 =	simm.s32 $0x1900  }
0x21a: {  	[tilespmem:s25], [sflag:$0x3] =	stream.indirect.gather [hbm4b:s1+s19], $0x1, s24, s19, $0xb8;
	[tilespmem:$0x3200] =	vst v63  }
0x21b: {  	s24 =	simm.s32 $0xF00;
	s25 =	simm.s32 $0x2300  }
0x21c: {  	[tilespmem:s25], [sflag:$0x3] =	stream.indirect.gather [hbm4b:s2+s19], $0x1, s24, s19, $0xb8;
	[tilespmem:$0x3200] =	vst v63  }
0x21d: {  	s24 =	simm.s32 $0x580;
	s25 =	simm.s32 $0x1980  }
0x21e: {  	[tilespmem:s25], [sflag:$0x3] =	stream.indirect.gather [hbm4b:s1+s19], $0x1, s24, s19, $0xb8;
	[tilespmem:$0x3200] =	vst v63  }
0x21f: {  	s24 =	simm.s32 $0xF80;
	s25 =	simm.s32 $0x2380  }
0x220: {  	[tilespmem:s25], [sflag:$0x3] =	stream.indirect.gather [hbm4b:s2+s19], $0x1, s24, s19, $0xb8;
	[tilespmem:$0x3200] =	vst v63  }
0x221: {  	_ =	swait.ge [sflag:s21], $0x200  }
0x222: {  	[sflag:s21] =	ssyncset.done $0x0  }
0x223: {  	[sflag:s21] =	ssyncadd.s32 $0xFFFFFE00  }
0x224: {  	_ =	swait.ge [sflag:s21], $0x200  }
0x225: {  	[sflag:s21] =	ssyncset.done $0x0  }
0x226: {  	[sflag:s21] =	ssyncadd.s32 $0xFFFFFE00  }
0x227: {  	_ =	swait.ge [sflag:s15], $0x200  }
0x228: {  	[sflag:s15] =	ssyncset.done $0x0  }
0x229: {  	s30 =	simm.s32 $0x0;
	[sflag:s15] =	ssyncadd.s32 $0xFFFFFE00  }
0x22a: {  	v0 =	vld [tilespmem:s30+$0x1A00]  }
0x22b: {  	s4 =	simm.s32 $0x40;
	v1 =	vld [tilespmem:s30+$0x2400]  }
.LBB2_19:
0x22c: {  	_ = 	snop  }
0x22d: {  	p0 =	sne.s32 s4, $0x7C0  }
.Ltmp8:
0x22e: {  	_ = 	snop;
	(pc) =	sbr.rel @p0 .LBB2_19-.Ltmp8, $4  }
0x22f: {  	_ = 	snop  }
0x230: {  	s25 =	sshra.s32 s4, $0x2;
	v2 =	vmul.f32 v1, v0  }
0x231: {  	v0 =	vld [tilespmem:s25+$0x1A00]  }
0x232: {  	s4 =	sadd.s32 $0x40, s4;
	v1 =	vld [tilespmem:s25+$0x2400];
	[tilespmem:s30+$0x2E00] =	vst v2;
	s30 =	smov.u32 s25  }
0x233: {  	_ =	sdelay $0x2  }
0x234: {  	s4 =	rddreg [dreg:$0xe]  }
0x235: {  	s4 =	sadd.s32 s22, s4;
	v0 =	vmul.f32 v1, v0  }
0x236: {  	s4 =	sshrl.u32 s4, $0x3  }
0x237: {  	s25 =	simm.s32 $0x0;
	s24 =	simm.s32 $0x2E00;
	s4 =	sadd.s32 s6, s4;
	[tilespmem:s30+$0x2E00] =	vst v0  }
0x238: {  	[hbm4b:s4+s25] =	stream.linear.scatter [tilespmem:s24], [sflag:$0x9], $0x200, $0x38;
	[tilespmem:$0x3200] =	vst v63  }
0x239: {  	s24 =	rddreg [dreg:$0x1b]  }
0x23a: {  	s4 =	sadd.s32 s22, s24  }
0x23b: {  	s4 =	sshrl.u32 s4, $0x3  }
0x23c: {  	s30 =	sadd.s32 s3, s4  }
0x23d: {  	[tilespmem:s11], [sflag:$0xB] =	stream.linear.gather [hbm4b:s30+s25], $0x200, $0x38;
	[tilespmem:$0x3200] =	vst v63  }
0x23e: {  	_ =	swait.ge [sflag:s13], $0x200  }
0x23f: {  	[sflag:s13] =	ssyncset.done $0x0  }
0x240: {  	s4 =	sadd.s32 s5, s4;
	[sflag:s13] =	ssyncadd.s32 $0xFFFFFE00  }
0x241: {  	[tilespmem:s12], [sflag:$0xB] =	stream.linear.gather [hbm4b:s4+s25], $0x200, $0x38;
	[tilespmem:$0x3200] =	vst v63  }
0x242: {  	_ =	swait.ge [sflag:s13], $0x200  }
0x243: {  	[sflag:s13] =	ssyncset.done $0x0  }
0x244: {  	s24 =	simm.s32 $0x1A00;
	[sflag:s13] =	ssyncadd.s32 $0xFFFFFE00  }
0x245: {  	[tilespmem:s24], [sflag:$0x4] =	stream.indirect.gather [hbm4b:s1+s19], $0x1, s11, s19, $0xb8;
	[tilespmem:$0x3200] =	vst v63  }
0x246: {  	s25 =	simm.s32 $0x2400  }
0x247: {  	[tilespmem:s25], [sflag:$0x4] =	stream.indirect.gather [hbm4b:s2+s19], $0x1, s12, s19, $0xb8;
	[tilespmem:$0x3200] =	vst v63  }
0x248: {  	s24 =	simm.s32 $0x680;
	s25 =	simm.s32 $0x1A80  }
0x249: {  	[tilespmem:s25], [sflag:$0x4] =	stream.indirect.gather [hbm4b:s1+s19], $0x1, s24, s19, $0xb8;
	[tilespmem:$0x3200] =	vst v63  }
0x24a: {  	s24 =	simm.s32 $0x1080;
	s25 =	simm.s32 $0x2480  }
0x24b: {  	[tilespmem:s25], [sflag:$0x4] =	stream.indirect.gather [hbm4b:s2+s19], $0x1, s24, s19, $0xb8;
	[tilespmem:$0x3200] =	vst v63  }
0x24c: {  	s24 =	simm.s32 $0x700;
	s25 =	simm.s32 $0x1B00  }
0x24d: {  	[tilespmem:s25], [sflag:$0x4] =	stream.indirect.gather [hbm4b:s1+s19], $0x1, s24, s19, $0xb8;
	[tilespmem:$0x3200] =	vst v63  }
0x24e: {  	s24 =	simm.s32 $0x1100;
	s25 =	simm.s32 $0x2500  }
0x24f: {  	[tilespmem:s25], [sflag:$0x4] =	stream.indirect.gather [hbm4b:s2+s19], $0x1, s24, s19, $0xb8;
	[tilespmem:$0x3200] =	vst v63  }
0x250: {  	s24 =	simm.s32 $0x780;
	s25 =	simm.s32 $0x1B80  }
0x251: {  	[tilespmem:s25], [sflag:$0x4] =	stream.indirect.gather [hbm4b:s1+s19], $0x1, s24, s19, $0xb8;
	[tilespmem:$0x3200] =	vst v63  }
0x252: {  	s24 =	simm.s32 $0x1180;
	s25 =	simm.s32 $0x2580  }
0x253: {  	[tilespmem:s25], [sflag:$0x4] =	stream.indirect.gather [hbm4b:s2+s19], $0x1, s24, s19, $0xb8;
	[tilespmem:$0x3200] =	vst v63  }
0x254: {  	_ =	swait.ge [sflag:s9], $0x200  }
0x255: {  	[sflag:s9] =	ssyncset.done $0x0  }
0x256: {  	[sflag:s9] =	ssyncadd.s32 $0xFFFFFE00  }
0x257: {  	_ =	swait.ge [sflag:s9], $0x200  }
0x258: {  	[sflag:s9] =	ssyncset.done $0x0  }
0x259: {  	[sflag:s9] =	ssyncadd.s32 $0xFFFFFE00  }
0x25a: {  	_ =	swait.ge [sflag:s16], $0x200  }
0x25b: {  	[sflag:s16] =	ssyncset.done $0x0  }
0x25c: {  	s30 =	simm.s32 $0x0;
	[sflag:s16] =	ssyncadd.s32 $0xFFFFFE00  }
0x25d: {  	v0 =	vld [tilespmem:s30+$0x1C00]  }
0x25e: {  	s4 =	simm.s32 $0x40;
	v1 =	vld [tilespmem:s30+$0x2600]  }
.LBB2_21:
0x25f: {  	_ = 	snop  }
0x260: {  	p0 =	sne.s32 s4, $0x7C0  }
.Ltmp9:
0x261: {  	_ = 	snop;
	(pc) =	sbr.rel @p0 .LBB2_21-.Ltmp9, $4  }
0x262: {  	_ = 	snop  }
0x263: {  	s25 =	sshra.s32 s4, $0x2;
	v2 =	vmul.f32 v1, v0  }
0x264: {  	v0 =	vld [tilespmem:s25+$0x1C00]  }
0x265: {  	s4 =	sadd.s32 $0x40, s4;
	v1 =	vld [tilespmem:s25+$0x2600];
	[tilespmem:s30+$0x3000] =	vst v2;
	s30 =	smov.u32 s25  }
0x266: {  	_ =	sdelay $0x1  }
0x267: {  	p0 =	seq.s32 s17, $0x2F  }
.Ltmp10:
0x268: {  	s4 =	rddreg [dreg:$0x1d];
	(pc) =	sbr.rel @p0 .LBB2_24-.Ltmp10, $4  }
0x269: {  	s4 =	sadd.s32 s22, s4;
	v0 =	vmul.f32 v1, v0  }
0x26a: {  	s4 =	sshrl.u32 s4, $0x3  }
0x26b: {  	s24 =	simm.s32 $0x3000;
	s4 =	sadd.s32 s6, s4;
	[tilespmem:s30+$0x3000] =	vst v0  }
0x26c: {  	[hbm4b:s4+s7] =	stream.linear.scatter [tilespmem:s24], [sflag:$0xA], $0x200, $0x38;
	[tilespmem:$0x3200] =	vst v63  }
0x26d: {  	s4 =	sld [smem:$0x7F0];
	_ =	sdelay $0x2  }
0x26e: {  	s4 =	sadd.s32 s22, s4  }
0x26f: {  	s4 =	sshrl.u32 s4, $0x3  }
0x270: {  	s24 =	sadd.s32 s3, s4  }
0x271: {  	[tilespmem:s31], [sflag:$0xB] =	stream.linear.gather [hbm4b:s24+s7], $0x200, $0x38;
	[tilespmem:$0x3200] =	vst v63  }
0x272: {  	_ =	swait.ge [sflag:s13], $0x200  }
0x273: {  	[sflag:s13] =	ssyncset.done $0x0  }
0x274: {  	s4 =	sadd.s32 s5, s4;
	[sflag:s13] =	ssyncadd.s32 $0xFFFFFE00  }
0x275: {  	[tilespmem:s20], [sflag:$0xB] =	stream.linear.gather [hbm4b:s4+s7], $0x200, $0x38;
	[tilespmem:$0x3200] =	vst v63  }
0x276: {  	_ =	swait.ge [sflag:s13], $0x200  }
0x277: {  	[sflag:s13] =	ssyncset.done $0x0  }
0x278: {  	s25 =	simm.s32 $0x1C00;
	[sflag:s13] =	ssyncadd.s32 $0xFFFFFE00  }
0x279: {  	[tilespmem:s25], [sflag:$0x5] =	stream.indirect.gather [hbm4b:s1+s19], $0x1, s31, s19, $0xb8;
	[tilespmem:$0x3200] =	vst v63  }
0x27a: {  	s30 =	simm.s32 $0x2600  }
0x27b: {  	[tilespmem:s30], [sflag:$0x5] =	stream.indirect.gather [hbm4b:s2+s19], $0x1, s20, s19, $0xb8;
	[tilespmem:$0x3200] =	vst v63  }
0x27c: {  	s22 =	simm.s32 $0x880;
	s24 =	simm.s32 $0x1C80  }
0x27d: {  	[tilespmem:s24], [sflag:$0x5] =	stream.indirect.gather [hbm4b:s1+s19], $0x1, s22, s19, $0xb8;
	[tilespmem:$0x3200] =	vst v63  }
0x27e: {  	s25 =	simm.s32 $0x1280;
	s30 =	simm.s32 $0x2680  }
0x27f: {  	[tilespmem:s30], [sflag:$0x5] =	stream.indirect.gather [hbm4b:s2+s19], $0x1, s25, s19, $0xb8;
	[tilespmem:$0x3200] =	vst v63  }
0x280: {  	s22 =	simm.s32 $0x900;
	s24 =	simm.s32 $0x1D00  }
0x281: {  	[tilespmem:s24], [sflag:$0x5] =	stream.indirect.gather [hbm4b:s1+s19], $0x1, s22, s19, $0xb8;
	[tilespmem:$0x3200] =	vst v63  }
0x282: {  	s25 =	simm.s32 $0x1300;
	s30 =	simm.s32 $0x2700  }
0x283: {  	[tilespmem:s30], [sflag:$0x5] =	stream.indirect.gather [hbm4b:s2+s19], $0x1, s25, s19, $0xb8;
	[tilespmem:$0x3200] =	vst v63  }
.Ltmp11:
0x284: {  	_ = 	snop;
	(pc) =	sbr.rel .LBB2_12-.Ltmp11, $4  }
0x285: {  	s22 =	simm.s32 $0x980;
	s24 =	simm.s32 $0x1D80  }
0x286: {  	[tilespmem:s24], [sflag:$0x5] =	stream.indirect.gather [hbm4b:s1+s19], $0x1, s22, s19, $0xb8;
	[tilespmem:$0x3200] =	vst v63  }
0x287: {  	s17 =	sadd.s32 $0x1, s17;
	s25 =	simm.s32 $0x1380;
	s30 =	simm.s32 $0x2780  }
0x288: {  	[tilespmem:s30], [sflag:$0x5] =	stream.indirect.gather [hbm4b:s2+s19], $0x1, s25, s19, $0xb8;
	[tilespmem:$0x3200] =	vst v63  }
.LBB2_24:
0x289: {  	_ =	swait.ge [sflag:s0], $0x200  }
0x28a: {  	[sflag:s0] =	ssyncset.done $0x0  }
0x28b: {  	[sflag:s0] =	ssyncadd.s32 $0xFFFFFE00  }
0x28c: {  	_ =	swait.ge [sflag:s0], $0x200  }
0x28d: {  	[sflag:s0] =	ssyncset.done $0x0  }
0x28e: {  	[sflag:s0] =	ssyncadd.s32 $0xFFFFFE00  }
0x28f: {  	_ =	swait.ge [sflag:s10], $0x200  }
0x290: {  	[sflag:s10] =	ssyncset.done $0x0  }
0x291: {  	s17 =	simm.s32 $0x0;
	[sflag:s10] =	ssyncadd.s32 $0xFFFFFE00  }
0x292: {  	v0 =	vld [tilespmem:s17+$0x1400]  }
0x293: {  	s4 =	simm.s32 $0x40;
	s25 =	simm.s32 $0x1400;
	v1 =	vld [tilespmem:s17+$0x1E00]  }
.LBB2_25:
0x294: {  	_ = 	snop  }
0x295: {  	p0 =	sne.s32 s4, $0x7C0  }
.Ltmp12:
0x296: {  	_ = 	snop;
	(pc) =	sbr.rel @p0 .LBB2_25-.Ltmp12, $4  }
0x297: {  	_ = 	snop  }
0x298: {  	s22 =	sshra.s32 s4, $0x2;
	v2 =	vmul.f32 v1, v0  }
0x299: {  	v0 =	vld [tilespmem:s22+$0x1400]  }
0x29a: {  	s4 =	sadd.s32 $0x40, s4;
	v1 =	vld [tilespmem:s22+$0x1E00];
	[tilespmem:s17+$0x2800] =	vst v2;
	s17 =	smov.u32 s22  }
0x29b: {  	_ =	sdelay $0x3  }
0x29c: {  	s30 =	sld [smem:$0x7F9];
	v0 =	vmul.f32 v1, v0;
	_ =	sdelay $0x1  }
0x29d: {  	s4 =	simm.s32 $0x0;
	s18 =	simm.s32 $0x2800;
	[tilespmem:s17+$0x2800] =	vst v0  }
0x29e: {  	[hbm4b:s30+s4] =	stream.linear.scatter [tilespmem:s18], [sflag:$0x6], $0x200, $0x38;
	[tilespmem:$0x3200] =	vst v63  }
0x29f: {  	_ =	swait.ge [sflag:s28], $0x200  }
0x2a0: {  	[sflag:s28] =	ssyncset.done $0x0  }
0x2a1: {  	[sflag:s28] =	ssyncadd.s32 $0xFFFFFE00  }
0x2a2: {  	_ =	swait.ge [sflag:s28], $0x200  }
0x2a3: {  	[sflag:s28] =	ssyncset.done $0x0  }
0x2a4: {  	[sflag:s28] =	ssyncadd.s32 $0xFFFFFE00  }
0x2a5: {  	_ =	swait.ge [sflag:s8], $0x200  }
0x2a6: {  	[sflag:s8] =	ssyncset.done $0x0  }
0x2a7: {  	s17 =	simm.s32 $0x0;
	[sflag:s8] =	ssyncadd.s32 $0xFFFFFE00  }
0x2a8: {  	v0 =	vld [tilespmem:s17+$0x1600]  }
0x2a9: {  	s26 =	simm.s32 $0xA00;
	s4 =	simm.s32 $0x40;
	s18 =	simm.s32 $0x1E00;
	v1 =	vld [tilespmem:s17+$0x2000]  }
.LBB2_27:
0x2aa: {  	_ = 	snop  }
0x2ab: {  	p0 =	sne.s32 s4, $0x7C0  }
.Ltmp13:
0x2ac: {  	_ = 	snop;
	(pc) =	sbr.rel @p0 .LBB2_27-.Ltmp13, $4  }
0x2ad: {  	_ = 	snop  }
0x2ae: {  	s22 =	sshra.s32 s4, $0x2;
	v2 =	vmul.f32 v1, v0  }
0x2af: {  	v0 =	vld [tilespmem:s22+$0x1600]  }
0x2b0: {  	s4 =	sadd.s32 $0x40, s4;
	v1 =	vld [tilespmem:s22+$0x2000];
	[tilespmem:s17+$0x2A00] =	vst v2;
	s17 =	smov.u32 s22  }
0x2b1: {  	_ =	sdelay $0x3  }
0x2b2: {  	s30 =	sld [smem:$0x7FA];
	v0 =	vmul.f32 v1, v0;
	_ =	sdelay $0x1  }
0x2b3: {  	s4 =	simm.s32 $0x0;
	s22 =	simm.s32 $0x2A00;
	[tilespmem:s17+$0x2A00] =	vst v0  }
0x2b4: {  	[hbm4b:s30+s4] =	stream.linear.scatter [tilespmem:s22], [sflag:$0x7], $0x200, $0x38;
	[tilespmem:$0x3200] =	vst v63  }
0x2b5: {  	_ =	swait.ge [sflag:s29], $0x200  }
0x2b6: {  	[sflag:s29] =	ssyncset.done $0x0  }
0x2b7: {  	[sflag:s29] =	ssyncadd.s32 $0xFFFFFE00  }
0x2b8: {  	_ =	swait.ge [sflag:s29], $0x200  }
0x2b9: {  	[sflag:s29] =	ssyncset.done $0x0  }
0x2ba: {  	[sflag:s29] =	ssyncadd.s32 $0xFFFFFE00  }
0x2bb: {  	_ =	swait.ge [sflag:s14], $0x200  }
0x2bc: {  	[sflag:s14] =	ssyncset.done $0x0  }
0x2bd: {  	s17 =	simm.s32 $0x0;
	[sflag:s14] =	ssyncadd.s32 $0xFFFFFE00  }
0x2be: {  	v0 =	vld [tilespmem:s17+$0x1800]  }
0x2bf: {  	s4 =	simm.s32 $0x40;
	v1 =	vld [tilespmem:s17+$0x2200]  }
.LBB2_29:
0x2c0: {  	_ = 	snop  }
0x2c1: {  	p0 =	sne.s32 s4, $0x7C0  }
.Ltmp14:
0x2c2: {  	_ = 	snop;
	(pc) =	sbr.rel @p0 .LBB2_29-.Ltmp14, $4  }
0x2c3: {  	_ = 	snop  }
0x2c4: {  	s22 =	sshra.s32 s4, $0x2;
	v2 =	vmul.f32 v1, v0  }
0x2c5: {  	v0 =	vld [tilespmem:s22+$0x1800]  }
0x2c6: {  	s4 =	sadd.s32 $0x40, s4;
	v1 =	vld [tilespmem:s22+$0x2200];
	[tilespmem:s17+$0x2C00] =	vst v2;
	s17 =	smov.u32 s22  }
0x2c7: {  	_ =	sdelay $0x3  }
0x2c8: {  	s30 =	sld [smem:$0x7FB];
	v0 =	vmul.f32 v1, v0;
	_ =	sdelay $0x1  }
0x2c9: {  	s4 =	simm.s32 $0x0;
	s22 =	simm.s32 $0x2C00;
	[tilespmem:s17+$0x2C00] =	vst v0  }
0x2ca: {  	[hbm4b:s30+s4] =	stream.linear.scatter [tilespmem:s22], [sflag:$0x8], $0x200, $0x38;
	[tilespmem:$0x3200] =	vst v63  }
0x2cb: {  	_ =	swait.ge [sflag:s21], $0x200  }
0x2cc: {  	[sflag:s21] =	ssyncset.done $0x0  }
0x2cd: {  	[sflag:s21] =	ssyncadd.s32 $0xFFFFFE00  }
0x2ce: {  	_ =	swait.ge [sflag:s21], $0x200  }
0x2cf: {  	[sflag:s21] =	ssyncset.done $0x0  }
0x2d0: {  	[sflag:s21] =	ssyncadd.s32 $0xFFFFFE00  }
0x2d1: {  	_ =	swait.ge [sflag:s15], $0x200  }
0x2d2: {  	[sflag:s15] =	ssyncset.done $0x0  }
0x2d3: {  	s17 =	simm.s32 $0x0;
	[sflag:s15] =	ssyncadd.s32 $0xFFFFFE00  }
0x2d4: {  	v0 =	vld [tilespmem:s17+$0x1A00]  }
0x2d5: {  	s4 =	simm.s32 $0x40;
	v1 =	vld [tilespmem:s17+$0x2400]  }
.LBB2_31:
0x2d6: {  	_ = 	snop  }
0x2d7: {  	p0 =	sne.s32 s4, $0x7C0  }
.Ltmp15:
0x2d8: {  	_ = 	snop;
	(pc) =	sbr.rel @p0 .LBB2_31-.Ltmp15, $4  }
0x2d9: {  	_ = 	snop  }
0x2da: {  	s22 =	sshra.s32 s4, $0x2;
	v2 =	vmul.f32 v1, v0  }
0x2db: {  	v0 =	vld [tilespmem:s22+$0x1A00]  }
0x2dc: {  	s4 =	sadd.s32 $0x40, s4;
	v1 =	vld [tilespmem:s22+$0x2400];
	[tilespmem:s17+$0x2E00] =	vst v2;
	s17 =	smov.u32 s22  }
0x2dd: {  	_ =	sdelay $0x3  }
0x2de: {  	s4 =	sld [smem:$0x7FD];
	v0 =	vmul.f32 v1, v0;
	_ =	sdelay $0x1  }
0x2df: {  	s30 =	simm.s32 $0x2E00;
	[tilespmem:s17+$0x2E00] =	vst v0  }
0x2e0: {  	[hbm4b:s4+s7] =	stream.linear.scatter [tilespmem:s30], [sflag:$0x9], $0x200, $0x38;
	[tilespmem:$0x3200] =	vst v63  }
0x2e1: {  	_ =	swait.ge [sflag:s10], $0x200  }
0x2e2: {  	[sflag:s10] =	ssyncset.done $0x0  }
0x2e3: {  	[sflag:s10] =	ssyncadd.s32 $0xFFFFFE00  }
0x2e4: {  	_ =	swait.ge [sflag:s8], $0x200  }
0x2e5: {  	[sflag:s8] =	ssyncset.done $0x0  }
0x2e6: {  	[sflag:s8] =	ssyncadd.s32 $0xFFFFFE00  }
0x2e7: {  	_ =	swait.ge [sflag:s14], $0x200  }
0x2e8: {  	[sflag:s14] =	ssyncset.done $0x0  }
0x2e9: {  	[sflag:s14] =	ssyncadd.s32 $0xFFFFFE00  }
0x2ea: {  	_ =	swait.ge [sflag:s15], $0x200  }
0x2eb: {  	[sflag:s15] =	ssyncset.done $0x0  }
0x2ec: {  	[sflag:s15] =	ssyncadd.s32 $0xFFFFFE00  }
0x2ed: {  	_ =	swait.ge [sflag:s16], $0x200  }
0x2ee: {  	s22 =	sld [smem:$0x7F5]  }
0x2ef: {  	[sflag:s16] =	ssyncset.done $0x0  }
0x2f0: {  	[sflag:s16] =	ssyncadd.s32 $0xFFFFFE00  }
0x2f1: {  	[tilespmem:s7], [sflag:$0xB] =	stream.linear.gather [hbm4b:s22+s7], $0x48, $0x38;
	[tilespmem:$0x3200] =	vst v63  }
0x2f2: {  	_ =	swait.ge [sflag:s13], $0x48  }
0x2f3: {  	s24 =	sld [smem:$0x7F6]  }
0x2f4: {  	[sflag:s13] =	ssyncset.done $0x0  }
0x2f5: {  	[sflag:s13] =	ssyncadd.s32 $0xFFFFFFB8  }
0x2f6: {  	[tilespmem:s26], [sflag:$0xB] =	stream.linear.gather [hbm4b:s24+s7], $0x48, $0x38;
	[tilespmem:$0x3200] =	vst v63  }
0x2f7: {  	_ =	swait.ge [sflag:s13], $0x48  }
0x2f8: {  	[sflag:s13] =	ssyncset.done $0x0  }
0x2f9: {  	s30 =	simm.s32 $0x48;
	[sflag:s13] =	ssyncadd.s32 $0xFFFFFFB8  }
0x2fa: {  	[tilespmem:s25], [sflag:$0x1] =	stream.indirect.gather [hbm4b:s1+s30], $0x1, s7, s30, $0xb8;
	[tilespmem:$0x3200] =	vst v63  }
0x2fb: {  	_ = 	snop  }
0x2fc: {  	[tilespmem:s18], [sflag:$0x1] =	stream.indirect.gather [hbm4b:s2+s30], $0x1, s26, s30, $0xb8;
	[tilespmem:$0x3200] =	vst v63  }
0x2fd: {  	_ =	swait.ge [sflag:s0], $0x48  }
0x2fe: {  	[sflag:s0] =	ssyncset.done $0x0  }
0x2ff: {  	[sflag:s0] =	ssyncadd.s32 $0xFFFFFFB8  }
0x300: {  	_ =	swait.ge [sflag:s0], $0x48  }
0x301: {  	[sflag:s0] =	ssyncset.done $0x0  }
0x302: {  	[sflag:s0] =	ssyncadd.s32 $0xFFFFFFB8  }
0x303: {  	v58 =	vld [tilespmem:$0x1400]  }
0x304: {  	v59 =	vld [tilespmem:$0x1E00]  }
0x305: {  	v2 =	vld [tilespmem:$0x1410]  }
0x306: {  	v3 =	vld [tilespmem:$0x1E10]  }
0x307: {  	v4 =	vld [tilespmem:$0x1420]  }
0x308: {  	v5 =	vld [tilespmem:$0x1E20]  }
0x309: {  	v6 =	vld [tilespmem:$0x1430]  }
0x30a: {  	v7 =	vld [tilespmem:$0x1E30]  }
0x30b: {  	v8 =	vld [tilespmem:$0x1438]  }
0x30c: {  	v9 =	vld [tilespmem:$0x1E38]  }
0x30d: {  	v0 =	vmul.f32 v59, v58  }
0x30e: {  	v60 =	vmul.f32 v3, v2  }
0x30f: {  	v61 =	vmul.f32 v5, v4;
	[tilespmem:$0x2800] =	vst v0  }
0x310: {  	v62 =	vmul.f32 v7, v6;
	[tilespmem:$0x2810] =	vst v60  }
0x311: {  	s17 =	sld [smem:$0x7F7];
	v63 =	vmul.f32 v9, v8;
	[tilespmem:$0x2820] =	vst v61  }
0x312: {  	[tilespmem:$0x2830] =	vst v62  }
0x313: {  	s22 =	simm.s32 $0x2800;
	[tilespmem:$0x2838] =	vst v63  }
0x314: {  	[hbm4b:s17+s7] =	stream.linear.scatter [tilespmem:s22], [sflag:$0xB], $0x48, $0x38;
	[tilespmem:$0x3200] =	vst v63  }
0x315: {  	_ =	swait.ge [sflag:s13], $0x48  }
0x316: {  	s24 =	sld [smem:$0x7EC]  }
0x317: {  	s30 =	sld [smem:$0x7F8];
	_ =	sdelay $0x1  }
0x318: {  	s17 =	sadd.s32 $0x1, s24  }
0x319: {  	p0 =	sne.s32 s17, s30  }
.Ltmp16:
0x31a: {  	_ = 	snop;
	(pc) =	sbr.rel @p0 .LBB2_1-.Ltmp16, $3  }
0x31b: {  	_ =	sdelay $0x1  }
0x31c: {  	[sflag:s13] =	ssyncset.done $0x0  }
0x31d: {  	[sflag:s13] =	ssyncadd.s32 $0xFFFFFFB8  }
0x31e: {  	_ =	sfence.sel $0x180000  }
0x31f: {  	[bflag:$0x0] =	sbarrier.arrive $0xFFFF  }
0x320: {  	_ =	strace $0x90000047  }
0x321: {  	s0 =	stileid.u32;
	[bflag:$0x2] =	sbarrier.arrive $0xFFFF  }
0x322: {  	p0 =	sne.s32 s0, $0x0;
	s0 =	rddreg [dreg:$0x5]  }
0x323: {  	s0 =	sadd.s32 @!p0 $0x100000, s0  }
0x324: {  	[sflag:s0] =	ssyncadd.tile.s32 @!p0 $0x1;
	_ =	shalt  }
.Lfunc_end2:
_tile_overlayer_lowered:
.L_overlay_start_2:
0x325: {  	(tag) =	ssettag $0x2  }
0x326: {  	s0 =	rddreg [dreg:$0x0];
	s2 =	stileid.u32  }
0x327: {  	s1 =	rddreg [dreg:$0x1];
	p0 =	sne.s32 s2, $0x0  }
0x328: {  	s3 =	rddreg [dreg:$0x2];
	[bflag:$0x3] =	sbarrier.arrive $0xFFFF;
	s2 =	simm.s32 @!p0 $0x1C0B  }
0x329: {  	[timem:s3], [sflag:s2] =	dma.local @!p0 [hbm:s0], s1  }
0x32a: {  	s0 =	simm.s32 @!p0 $0xB  }
0x32b: {  	_ =	swait.ge @!p0 [sflag:s0], s1  }
0x32c: {  	s1 =	ssub.s32 @!p0 $0x0, s1;
	[sflag:s0] =	ssyncset.done @!p0 $0x0  }
0x32d: {  	[sflag:s0] =	ssyncadd.s32 @!p0 s1  }
0x32e: {  	[bflag:$0x3] =	sbarrier.arrive $0xFFFF  }
0x32f: {  	_ =	shalt  }

</sc_bundles>
